<compile_context>
chip_gen: v7x
topology: tpu7x:2x2x1
jax: 0.10.2.dev20260603
libtpu: 0.0.44.dev20260713+nightly
codegen_flags: <defaults>
</compile_context>

<pallas_src>
import functools

import jax
import jax.numpy as jnp
from jax import lax
from jax.experimental import pallas as pl
from jax.experimental.pallas import tpu as pltpu
from jax.experimental.pallas import tpu_sc as plsc

N = 10000
E = 320000
D = 128
G = 16

NC, NS = 2, 16
NW = NC * NS
EP = E // NW
CH = 80
NCH = EP // CH
NBUF = 3
RSTRIDE = 624
RPT = 640

_MESH = plsc.VectorSubcoreMesh(
    core_axis_name="c", subcore_axis_name="s", num_cores=NC, num_subcores=NS)


@functools.partial(
    pl.kernel,
    out_type=jax.ShapeDtypeStruct((NC, N, 16), jnp.float32),
    mesh=_MESH,
    scratch_types=[
        pltpu.VMEM((NCH, CH), jnp.int32),
        pltpu.VMEM((CH, 16), jnp.float32),
        pltpu.VMEM_SHARED((N, 16), jnp.float32),
        pltpu.SemaphoreType.DMA,
    ],
    compiler_params=pltpu.CompilerParams(use_tc_tiling_on_sc=False),
)
def _sc_degree(dst_hbm, ones_hbm, zeros_hbm, out_hbm, dstv, onesv, acc, sem):
    cid = lax.axis_index("c")
    sid = lax.axis_index("s")
    wid = cid * NS + sid
    r0 = sid * RSTRIDE
    pltpu.sync_copy(dst_hbm.at[pl.ds(wid * NCH, NCH)], dstv)
    pltpu.sync_copy(zeros_hbm, acc.at[pl.ds(r0, RPT)])
    pltpu.sync_copy(ones_hbm, onesv)
    plsc.subcore_barrier()

    def fire(c, carry):
        pltpu.async_copy(onesv, acc.at[dstv.at[c]], sem, add=True)
        return carry

    lax.fori_loop(0, NCH, fire, 0)

    def drain(c, carry):
        pltpu.make_async_copy(onesv, acc.at[dstv.at[0]], sem).wait()
        return carry

    lax.fori_loop(0, NCH, drain, 0)
    plsc.subcore_barrier()
    pltpu.sync_copy(acc.at[pl.ds(r0, RPT)], out_hbm.at[cid, pl.ds(r0, RPT)])


@functools.partial(
    pl.kernel,
    out_type=jax.ShapeDtypeStruct((NC, N, D), jnp.float32),
    mesh=_MESH,
    scratch_types=(
        [pltpu.VMEM((NCH, CH), jnp.int32)] * 2
        + [pltpu.VMEM((CH, D), jnp.float32)] * NBUF
        + [pltpu.VMEM_SHARED((N, D), jnp.float32)]
        + [pltpu.SemaphoreType.DMA] * (2 * NBUF)
    ),
    compiler_params=pltpu.CompilerParams(use_tc_tiling_on_sc=False),
)
def _sc_propagate(hs_hbm, src_hbm, dst_hbm, zeros_hbm, out_hbm,
                  srcv, dstv, *ring):
    rows = ring[:NBUF]
    acc = ring[NBUF]
    gs = ring[NBUF + 1:2 * NBUF + 1]
    ss = ring[2 * NBUF + 1:]
    cid = lax.axis_index("c")
    sid = lax.axis_index("s")
    wid = cid * NS + sid
    r0 = sid * RSTRIDE
    c0 = wid * NCH
    pltpu.async_copy(src_hbm.at[pl.ds(c0, NCH)], srcv, gs[0])
    pltpu.async_copy(dst_hbm.at[pl.ds(c0, NCH)], dstv, gs[1])
    pltpu.async_copy(zeros_hbm, acc.at[pl.ds(r0, RPT)], ss[0])
    pltpu.make_async_copy(src_hbm.at[pl.ds(c0, NCH)], srcv, gs[0]).wait()
    pltpu.async_copy(hs_hbm.at[srcv.at[0]], rows[0], gs[0])
    pltpu.make_async_copy(dst_hbm.at[pl.ds(c0, NCH)], dstv, gs[1]).wait()
    pltpu.make_async_copy(zeros_hbm, acc.at[pl.ds(r0, RPT)], ss[0]).wait()
    plsc.subcore_barrier()

    def body(c, carry):
        def stage(b, nb):
            pltpu.make_async_copy(hs_hbm.at[srcv.at[c]], rows[b],
                                  gs[b]).wait()
            pltpu.async_copy(rows[b], acc.at[dstv.at[c]], ss[b], add=True)

            @pl.when(c + 1 < NCH)
            def _():
                @pl.when(c >= NBUF - 1)
                def _():
                    pltpu.make_async_copy(rows[nb], acc.at[dstv.at[c]],
                                          ss[nb]).wait()
                pltpu.async_copy(hs_hbm.at[srcv.at[c + 1]], rows[nb], gs[nb])

        for b in range(NBUF):
            @pl.when(c % NBUF == b)
            def _(b=b):
                stage(b, (b + 1) % NBUF)

        return carry

    lax.fori_loop(0, NCH, body, 0)
    for b in range(NBUF):
        pltpu.make_async_copy(rows[b], acc.at[dstv.at[0]], ss[b]).wait()
    plsc.subcore_barrier()
    pltpu.sync_copy(acc.at[pl.ds(r0, RPT)], out_hbm.at[cid, pl.ds(r0, RPT)])


_BR = 1000
_GRID = N // _BR


def _dinv_mm_body(degp_ref, x_ref, w_ref, dinv_ref, hs_ref):
    deg = degp_ref[0, :, 0:1] + degp_ref[1, :, 0:1] + 1.0
    dinv = 1.0 / jnp.sqrt(deg)
    dinv_ref[...] = dinv
    hs_ref[...] = jnp.dot(x_ref[...], w_ref[...],
                          preferred_element_type=jnp.float32) * dinv


def _tc_dinv_mm(degp, x, w):
    row = pl.BlockSpec((_BR, D), lambda i: (i, 0))
    return pl.pallas_call(
        _dinv_mm_body,
        grid=(_GRID,),
        in_specs=[
            pl.BlockSpec((NC, _BR, 16), lambda i: (0, i, 0)),
            row,
            pl.BlockSpec((D, D), lambda i: (0, 0)),
        ],
        out_specs=[pl.BlockSpec((_BR, 1), lambda i: (i, 0)), row],
        out_shape=[jax.ShapeDtypeStruct((N, 1), jnp.float32),
                   jax.ShapeDtypeStruct((N, D), jnp.float32)],
    )(degp, x, w)


def _ln_post(has_res, relu, p_ref, hs_ref, dinv_ref, b_ref, g_ref, be_ref,
             res_ref):
    s = p_ref[0] + p_ref[1] + hs_ref[...]
    conv = dinv_ref[...] * s + b_ref[...]
    mu = jnp.mean(conv, axis=1, keepdims=True)
    xc = conv - mu
    var = jnp.mean(xc * xc, axis=1, keepdims=True)
    y = xc * lax.rsqrt(var + 1e-5) * g_ref[...] + be_ref[...]
    if has_res:
        y = y + res_ref[...]
    if relu:
        y = jnp.maximum(y, 0.0)
    return y


def _post_mm_body(has_res, relu, *refs):
    if has_res:
        (p_ref, hs_ref, dinv_ref, b_ref, g_ref, be_ref, res_ref, wn_ref,
         h_ref, hsn_ref) = refs
    else:
        (p_ref, hs_ref, dinv_ref, b_ref, g_ref, be_ref, wn_ref,
         h_ref, hsn_ref) = refs
        res_ref = None
    y = _ln_post(has_res, relu, p_ref, hs_ref, dinv_ref, b_ref, g_ref,
                 be_ref, res_ref)
    h_ref[...] = y
    hsn_ref[...] = jnp.dot(y, wn_ref[...],
                           preferred_element_type=jnp.float32) * dinv_ref[...]


def _tc_post_mm(p, hs, dinv, b, g, be, wn, res=None, relu=True):
    has_res = res is not None
    vec = pl.BlockSpec((1, D), lambda i: (0, 0))
    row = pl.BlockSpec((_BR, D), lambda i: (i, 0))
    in_specs = [
        pl.BlockSpec((NC, _BR, D), lambda i: (0, i, 0)),
        row,
        pl.BlockSpec((_BR, 1), lambda i: (i, 0)),
        vec, vec, vec,
    ]
    args = [p, hs, dinv, b.reshape(1, D), g.reshape(1, D), be.reshape(1, D)]
    if has_res:
        in_specs.append(row)
        args.append(res)
    in_specs.append(pl.BlockSpec((D, D), lambda i: (0, 0)))
    args.append(wn)
    return pl.pallas_call(
        functools.partial(_post_mm_body, has_res, relu),
        grid=(_GRID,),
        in_specs=in_specs,
        out_specs=[row, row],
        out_shape=[jax.ShapeDtypeStruct((N, D), jnp.float32),
                   jax.ShapeDtypeStruct((N, D), jnp.float32)],
    )(*args)


def _post_pool_body(p_ref, hs_ref, dinv_ref, b_ref, g_ref, be_ref, res_ref,
                    batch_ref, wl_ref, bl_ref, sums_ref, cnts_ref, out_ref):
    i = pl.program_id(0)

    @pl.when(i == 0)
    def _():
        sums_ref[...] = jnp.zeros_like(sums_ref)
        cnts_ref[...] = jnp.zeros_like(cnts_ref)

    y = _ln_post(True, False, p_ref, hs_ref, dinv_ref, b_ref, g_ref,
                 be_ref, res_ref)
    gids = lax.broadcasted_iota(jnp.int32, (_BR, G), 1)
    onehot = (batch_ref[...] == gids).astype(jnp.float32)
    dn = (((0,), (0,)), ((), ()))
    sums_ref[...] += lax.dot_general(
        onehot, y, dn, preferred_element_type=jnp.float32,
        precision=lax.Precision.HIGHEST)
    cnts_ref[...] += lax.dot_general(
        onehot, jnp.ones((_BR, D), jnp.float32), dn,
        preferred_element_type=jnp.float32)

    @pl.when(i == _GRID - 1)
    def _():
        mean = sums_ref[...] / jnp.maximum(cnts_ref[...], 1.0)
        out_ref[...] = jnp.dot(
            mean, wl_ref[...], preferred_element_type=jnp.float32) + bl_ref[...]


def _tc_post_pool(p, hs, dinv, b, g, be, res, batch2d, wl, bl2d):
    vec = pl.BlockSpec((1, D), lambda i: (0, 0))
    row = pl.BlockSpec((_BR, D), lambda i: (i, 0))
    acc = pl.BlockSpec((G, D), lambda i: (0, 0))
    _, _, out = pl.pallas_call(
        _post_pool_body,
        grid=(_GRID,),
        in_specs=[
            pl.BlockSpec((NC, _BR, D), lambda i: (0, i, 0)),
            row,
            pl.BlockSpec((_BR, 1), lambda i: (i, 0)),
            vec, vec, vec,
            row,
            pl.BlockSpec((_BR, 1), lambda i: (i, 0)),
            pl.BlockSpec((D, 1), lambda i: (0, 0)),
            pl.BlockSpec((1, 1), lambda i: (0, 0)),
        ],
        out_specs=[acc, acc, pl.BlockSpec((G, 1), lambda i: (0, 0))],
        out_shape=[
            jax.ShapeDtypeStruct((G, D), jnp.float32),
            jax.ShapeDtypeStruct((G, D), jnp.float32),
            jax.ShapeDtypeStruct((G, 1), jnp.float32),
        ],
    )(p, hs, dinv, b.reshape(1, D), g.reshape(1, D), be.reshape(1, D), res,
      batch2d, wl, bl2d)
    return out


def kernel(x, edge_index, batch, W0, b0, W1, b1, W2, b2,
           g0, be0, g1, be1, g2, be2, Wl, bl):
    src = edge_index[0].astype(jnp.int32)
    dst = edge_index[1].astype(jnp.int32)
    ones16 = jnp.ones((CH, 16), jnp.float32)
    zeros16 = jnp.zeros((RPT, 16), jnp.float32)
    zeros = jnp.zeros((RPT, D), jnp.float32)

    src2d = src.reshape(NW * NCH, CH)
    dst2d = dst.reshape(NW * NCH, CH)

    degp = _sc_degree(dst2d, ones16, zeros16)
    dinv, hs0 = _tc_dinv_mm(degp, x, W0)

    p0 = _sc_propagate(hs0, src2d, dst2d, zeros)
    h1, hs1 = _tc_post_mm(p0, hs0, dinv, b0, g0, be0, W1, res=None, relu=True)

    p1 = _sc_propagate(hs1, src2d, dst2d, zeros)
    h2, hs2 = _tc_post_mm(p1, hs1, dinv, b1, g1, be1, W2, res=h1, relu=True)

    p2 = _sc_propagate(hs2, src2d, dst2d, zeros)
    return _tc_post_pool(p2, hs2, dinv, b2, g2, be2, h2,
                         batch.astype(jnp.int32).reshape(N, 1), Wl,
                         bl.reshape(1, 1))

# --- scband reference (transcript-rebuilt; emitter-appended) ---
"""Pipeline reference for scband-mat-gcn-36945308680387 (READ-ONLY COPY).

The authoritative reference and input builder live on the scoring server;
editing this copy changes nothing except your own understanding.
"""

import jax, jax.numpy as jnp
import numpy as np

N_NODES = 10000
N_EDGES = 320000
D = 128
NUM_GRAPHS = 16


def _gcn_conv(x, edge_index, W, b):
    N = x.shape[0]
    src = edge_index[0]
    dst = edge_index[1]
    loop = jnp.arange(N, dtype=src.dtype)
    src = jnp.concatenate([src, loop])
    dst = jnp.concatenate([dst, loop])
    deg = jnp.zeros((N,), jnp.float32).at[dst].add(1.0)
    dinv = jnp.where(deg > 0, 1.0 / jnp.sqrt(deg), 0.0)
    norm = dinv[src] * dinv[dst]
    h = x @ W
    msg = h[src] * norm[:, None]
    out = jax.ops.segment_sum(msg, dst, num_segments=N)
    return out + b


def _layer_norm(x, g, b, eps=1e-5):
    mu = jnp.mean(x, axis=-1, keepdims=True)
    var = jnp.var(x, axis=-1, keepdims=True)
    return (x - mu) / jnp.sqrt(var + eps) * g + b


def _global_mean_pool(x, batch, num_graphs):
    s = jax.ops.segment_sum(x, batch, num_segments=num_graphs)
    c = jax.ops.segment_sum(jnp.ones((x.shape[0], 1), jnp.float32), batch, num_segments=num_graphs)
    return s / jnp.maximum(c, 1.0)


def setup_inputs(seed: int = 0):
    key = jax.random.key(seed)
    ks = jax.random.split(key, 8)
    x = jax.random.normal(ks[0], (N_NODES, D), dtype=jnp.float32)
    edge_index = jax.random.randint(ks[1], (2, N_EDGES), 0, N_NODES)
    batch = jnp.sort(jax.random.randint(ks[2], (N_NODES,), 0, NUM_GRAPHS))
    sc = 1.0 / np.sqrt(D)
    W0 = jax.random.normal(ks[3], (D, D), jnp.float32) * sc
    W1 = jax.random.normal(ks[4], (D, D), jnp.float32) * sc
    W2 = jax.random.normal(ks[5], (D, D), jnp.float32) * sc
    b0 = jnp.zeros((D,), jnp.float32)
    b1 = jnp.zeros((D,), jnp.float32)
    b2 = jnp.zeros((D,), jnp.float32)
    g0 = jnp.ones((D,), jnp.float32); be0 = jnp.zeros((D,), jnp.float32)
    g1 = jnp.ones((D,), jnp.float32); be1 = jnp.zeros((D,), jnp.float32)
    g2 = jnp.ones((D,), jnp.float32); be2 = jnp.zeros((D,), jnp.float32)
    Wl = jax.random.normal(ks[6], (D, 1), jnp.float32) * sc
    bl = jnp.zeros((1,), jnp.float32)
    return {"x": x, "edge_index": edge_index, "batch": batch,
            "W0": W0, "b0": b0, "W1": W1, "b1": b1, "W2": W2, "b2": b2,
            "g0": g0, "be0": be0, "g1": g1, "be1": be1, "g2": g2, "be2": be2,
            "Wl": Wl, "bl": bl}


def reference(x, edge_index, batch, W0, b0, W1, b1, W2, b2, g0, be0, g1, be1, g2, be2, Wl, bl):
    # layer 0
    h = _gcn_conv(x, edge_index, W0, b0)
    h = _layer_norm(h, g0, be0)
    h = jax.nn.relu(h)
    # dropout: eval mode, identity
    # layer 1 (residual)
    hp = h
    h = _gcn_conv(h, edge_index, W1, b1)
    h = _layer_norm(h, g1, be1)
    h = h + hp
    h = jax.nn.relu(h)
    # layer 2 (residual, no relu since last)
    hp = h
    h = _gcn_conv(h, edge_index, W2, b2)
    h = _layer_norm(h, g2, be2)
    h = h + hp
    pooled = _global_mean_pool(h, batch, NUM_GRAPHS)
    return pooled @ Wl + bl

if __name__ == "__main__":
    import jax
    _d = setup_inputs()
    print(jax.jit(kernel)(*tuple(_d.values())))

</pallas_src>

<mosaic_0001>
#map = affine_map<(d0, d1) -> (0, 0)>
#map1 = affine_map<(d0, d1) -> (0, 0, 0)>
module attributes {stable_mosaic.version = 14 : i64} {
  func.func @_sc_propagate(%arg0: i32, %arg1: i32, %arg2: memref<10000x128xf32, #tpu.memory_space<hbm>>, %arg3: memref<4000x80xi32, #tpu.memory_space<hbm>>, %arg4: memref<4000x80xi32, #tpu.memory_space<hbm>>, %arg5: memref<640x128xf32, #tpu.memory_space<hbm>>, %arg6: memref<2x10000x128xf32, #tpu.memory_space<hbm>>, %arg7: memref<125x80xi32, #tpu.memory_space<vmem>>, %arg8: memref<125x80xi32, #tpu.memory_space<vmem>>, %arg9: memref<80x128xf32, #tpu.memory_space<vmem>>, %arg10: memref<80x128xf32, #tpu.memory_space<vmem>>, %arg11: memref<80x128xf32, #tpu.memory_space<vmem>>, %arg12: memref<10000x128xf32, #tpu.memory_space<vmem_shared>>, %arg13: memref<!tpu.dma_semaphore, #tpu.memory_space<semaphore_mem>>, %arg14: memref<!tpu.dma_semaphore, #tpu.memory_space<semaphore_mem>>, %arg15: memref<!tpu.dma_semaphore, #tpu.memory_space<semaphore_mem>>, %arg16: memref<!tpu.dma_semaphore, #tpu.memory_space<semaphore_mem>>, %arg17: memref<!tpu.dma_semaphore, #tpu.memory_space<semaphore_mem>>, %arg18: memref<!tpu.dma_semaphore, #tpu.memory_space<semaphore_mem>>) attributes {dimension_semantics = [#tpu.dimension_semantics<core_parallel>, #tpu.dimension_semantics<subcore_parallel>], iteration_bounds = array<i64: 2, 16>, scalar_prefetch = 0 : i64, scratch_operands = 12 : i64, tpu.core_type = #tpu.core_type<sc_vector_subcore>, window_params = [{transform_indices = #map}, {transform_indices = #map}, {transform_indices = #map}, {transform_indices = #map}, {transform_indices = #map1}]} {
    %mul3A = arith.constant 16 : i32
    %mul3A_0 = arith.muli %arg0, %mul3A : i32
    %add3A = arith.addi %mul3A_0, %arg1 : i32
    %mul3A_1 = arith.constant 624 : i32
    %mul3A_2 = arith.muli %arg1, %mul3A_1 : i32
    %mul3A_3 = arith.constant 125 : i32
    %mul3A_4 = arith.muli %add3A, %mul3A_3 : i32
    %dma_start3A = arith.constant 0 : i32
    %dma_start3A_5 = tpu.memref_slice %arg3[%mul3A_4, %dma_start3A] : memref<4000x80xi32, #tpu.memory_space<hbm>> -> memref<125x80xi32, #tpu.memory_space<hbm>>
    %dma_start3A_6 = arith.constant 0 : i32
    %dma_start3A_7 = tpu.memref_slice %arg3[%mul3A_4, %dma_start3A_6] : memref<4000x80xi32, #tpu.memory_space<hbm>> -> memref<125x80xi32, #tpu.memory_space<hbm>>
    tpu.enqueue_dma source(%dma_start3A_7 : memref<125x80xi32, #tpu.memory_space<hbm>>) target(%arg7 : memref<125x80xi32, #tpu.memory_space<vmem>>) target_semaphore(%arg13 : memref<!tpu.dma_semaphore, #tpu.memory_space<semaphore_mem>>)
    %dma_start3A_8 = arith.constant 0 : i32
    %dma_start3A_9 = tpu.memref_slice %arg4[%mul3A_4, %dma_start3A_8] : memref<4000x80xi32, #tpu.memory_space<hbm>> -> memref<125x80xi32, #tpu.memory_space<hbm>>
    %dma_start3A_10 = arith.constant 0 : i32
    %dma_start3A_11 = tpu.memref_slice %arg4[%mul3A_4, %dma_start3A_10] : memref<4000x80xi32, #tpu.memory_space<hbm>> -> memref<125x80xi32, #tpu.memory_space<hbm>>
    tpu.enqueue_dma source(%dma_start3A_11 : memref<125x80xi32, #tpu.memory_space<hbm>>) target(%arg8 : memref<125x80xi32, #tpu.memory_space<vmem>>) target_semaphore(%arg14 : memref<!tpu.dma_semaphore, #tpu.memory_space<semaphore_mem>>)
    %dma_start3A_12 = arith.constant 0 : i32
    %dma_start3A_13 = tpu.memref_slice %arg12[%mul3A_2, %dma_start3A_12] : memref<10000x128xf32, #tpu.memory_space<vmem_shared>> -> memref<640x128xf32, #tpu.memory_space<vmem_shared>>
    tpu.enqueue_dma source(%arg5 : memref<640x128xf32, #tpu.memory_space<hbm>>) target(%dma_start3A_13 : memref<640x128xf32, #tpu.memory_space<vmem_shared>>) target_semaphore(%arg16 : memref<!tpu.dma_semaphore, #tpu.memory_space<semaphore_mem>>)
    %dma_wait3A = arith.constant 0 : i32
    %dma_wait3A_14 = tpu.memref_slice %arg3[%mul3A_4, %dma_wait3A] : memref<4000x80xi32, #tpu.memory_space<hbm>> -> memref<125x80xi32, #tpu.memory_space<hbm>>
    %dma_wait3A_15 = arith.constant 0 : i32
    %dma_wait3A_16 = tpu.memref_slice %arg3[%mul3A_4, %dma_wait3A_15] : memref<4000x80xi32, #tpu.memory_space<hbm>> -> memref<125x80xi32, #tpu.memory_space<hbm>>
    tpu.wait_dma2 semaphore(%arg13 : memref<!tpu.dma_semaphore, #tpu.memory_space<semaphore_mem>>) src(%dma_wait3A_16 : memref<125x80xi32, #tpu.memory_space<hbm>>) dst(%arg7 : memref<125x80xi32, #tpu.memory_space<vmem>>)
    %dma_start3A_17 = arith.constant 0 : i32
    %dma_start3A_18 = arith.constant 0 : i32
    %dma_start3A_19 = tpu.memref_slice %arg7[%dma_start3A_17, %dma_start3A_18] : memref<125x80xi32, #tpu.memory_space<vmem>> -> memref<1x80xi32, #tpu.memory_space<vmem>>
    %dma_start3A_20 = tpu.memref_squeeze %dma_start3A_19 : memref<1x80xi32, #tpu.memory_space<vmem>> -> memref<80xi32, #tpu.memory_space<vmem>>
    %dma_start3A_21 = arith.constant 0 : i32
    %dma_start3A_22 = arith.constant 0 : i32
    %dma_start3A_23 = tpu.memref_slice %arg2[%dma_start3A_21, %dma_start3A_22] : memref<10000x128xf32, #tpu.memory_space<hbm>> -> memref<10000x128xf32, #tpu.memory_space<hbm>>
    tpu.enqueue_indirect_dma source(%dma_start3A_23 : memref<10000x128xf32, #tpu.memory_space<hbm>>) target(%arg9 : memref<80x128xf32, #tpu.memory_space<vmem>>) offsets(%dma_start3A_20 : memref<80xi32, #tpu.memory_space<vmem>>) semaphore(%arg13 : memref<!tpu.dma_semaphore, #tpu.memory_space<semaphore_mem>>)
    %dma_wait3A_24 = arith.constant 0 : i32
    %dma_wait3A_25 = tpu.memref_slice %arg4[%mul3A_4, %dma_wait3A_24] : memref<4000x80xi32, #tpu.memory_space<hbm>> -> memref<125x80xi32, #tpu.memory_space<hbm>>
    %dma_wait3A_26 = arith.constant 0 : i32
    %dma_wait3A_27 = tpu.memref_slice %arg4[%mul3A_4, %dma_wait3A_26] : memref<4000x80xi32, #tpu.memory_space<hbm>> -> memref<125x80xi32, #tpu.memory_space<hbm>>
    tpu.wait_dma2 semaphore(%arg14 : memref<!tpu.dma_semaphore, #tpu.memory_space<semaphore_mem>>) src(%dma_wait3A_27 : memref<125x80xi32, #tpu.memory_space<hbm>>) dst(%arg8 : memref<125x80xi32, #tpu.memory_space<vmem>>)
    %dma_wait3A_28 = arith.constant 0 : i32
    %dma_wait3A_29 = tpu.memref_slice %arg12[%mul3A_2, %dma_wait3A_28] : memref<10000x128xf32, #tpu.memory_space<vmem_shared>> -> memref<640x128xf32, #tpu.memory_space<vmem_shared>>
    tpu.wait_dma2 semaphore(%arg16 : memref<!tpu.dma_semaphore, #tpu.memory_space<semaphore_mem>>) src(%arg5 : memref<640x128xf32, #tpu.memory_space<hbm>>) dst(%dma_wait3A_29 : memref<640x128xf32, #tpu.memory_space<vmem_shared>>)
    %barrier3A = arith.constant 0 : index
    tpu.barrier barrier_id(%barrier3A)
    %scan3A = arith.constant 0 : i32
    %scan3A_30 = arith.constant 0 : i32
    %scan3A_31 = arith.constant 125 : i32
    %scan3A_32 = arith.addi %scan3A_30, %scan3A_31 : i32
    %scan3A_33 = arith.constant 1 : i32
    scf.for %scan3A_57 = %scan3A_30 to %scan3A_32 step %scan3A_33  : i32 {
      %jit3A = arith.constant 3 : i32
      %eq3A = arith.constant 0 : i32
      %eq3A_58 = arith.cmpi eq, %jit3A, %eq3A : i32
      %jit3A_59 = arith.constant 1 : i32
      %select_n3A = arith.select %eq3A_58, %jit3A_59, %jit3A : i32
      %rem3A = arith.remsi %scan3A_57, %select_n3A : i32
      %ne3A = arith.constant 0 : i32
      %ne3A_60 = arith.cmpi ne, %rem3A, %ne3A : i32
      %lt3A = arith.constant 0 : i32
      %lt3A_61 = arith.cmpi slt, %rem3A, %lt3A : i32
      %lt3A_62 = arith.constant 0 : i32
      %lt3A_63 = arith.cmpi slt, %select_n3A, %lt3A_62 : i32
      %ne3A_64 = arith.xori %lt3A_61, %lt3A_63 : i1
      %and3A = arith.andi %ne3A_64, %ne3A_60 : i1
      %add3A_65 = arith.addi %rem3A, %select_n3A : i32
      %select_n3A_66 = arith.select %and3A, %add3A_65, %rem3A : i32
      %eq3A_67 = arith.constant 0 : i32
      %eq3A_68 = arith.cmpi eq, %select_n3A_66, %eq3A_67 : i32
      %convert_element_type3A = arith.extui %eq3A_68 : i1 to i32
      %cond3A = arith.constant 0 : i32
      %cond3A_69 = arith.cmpi ne, %convert_element_type3A, %cond3A : i32
      scf.if %cond3A_69 {
        %dma_wait3A_112 = arith.constant 0 : i32
        %dma_wait3A_113 = tpu.memref_slice %arg7[%scan3A_57, %dma_wait3A_112] : memref<125x80xi32, #tpu.memory_space<vmem>> -> memref<1x80xi32, #tpu.memory_space<vmem>>
        %dma_wait3A_114 = tpu.memref_squeeze %dma_wait3A_113 : memref<1x80xi32, #tpu.memory_space<vmem>> -> memref<80xi32, #tpu.memory_space<vmem>>
        %dma_wait3A_115 = arith.constant 0 : i32
        %dma_wait3A_116 = arith.constant 0 : i32
        %dma_wait3A_117 = tpu.memref_slice %arg2[%dma_wait3A_115, %dma_wait3A_116] : memref<10000x128xf32, #tpu.memory_space<hbm>> -> memref<10000x128xf32, #tpu.memory_space<hbm>>
        tpu.wait_indirect_dma semaphore(%arg13 : memref<!tpu.dma_semaphore, #tpu.memory_space<semaphore_mem>>) src(%dma_wait3A_117 : memref<10000x128xf32, #tpu.memory_space<hbm>>) dst(%arg9 : memref<80x128xf32, #tpu.memory_space<vmem>>)
        %dma_start3A_118 = arith.constant 0 : i32
        %dma_start3A_119 = tpu.memref_slice %arg8[%scan3A_57, %dma_start3A_118] : memref<125x80xi32, #tpu.memory_space<vmem>> -> memref<1x80xi32, #tpu.memory_space<vmem>>
        %dma_start3A_120 = tpu.memref_squeeze %dma_start3A_119 : memref<1x80xi32, #tpu.memory_space<vmem>> -> memref<80xi32, #tpu.memory_space<vmem>>
        %dma_start3A_121 = arith.constant 0 : i32
        %dma_start3A_122 = arith.constant 0 : i32
        %dma_start3A_123 = tpu.memref_slice %arg12[%dma_start3A_121, %dma_start3A_122] : memref<10000x128xf32, #tpu.memory_space<vmem_shared>> -> memref<10000x128xf32, #tpu.memory_space<vmem_shared>>
        tpu.enqueue_indirect_dma source(%arg9 : memref<80x128xf32, #tpu.memory_space<vmem>>) target(%dma_start3A_123 : memref<10000x128xf32, #tpu.memory_space<vmem_shared>>) offsets(%dma_start3A_120 : memref<80xi32, #tpu.memory_space<vmem>>) semaphore(%arg16 : memref<!tpu.dma_semaphore, #tpu.memory_space<semaphore_mem>>) {add = true}
        %add3A_124 = arith.constant 1 : i32
        %add3A_125 = arith.addi %scan3A_57, %add3A_124 : i32
        %lt3A_126 = arith.constant 125 : i32
        %lt3A_127 = arith.cmpi slt, %add3A_125, %lt3A_126 : i32
        %convert_element_type3A_128 = arith.extui %lt3A_127 : i1 to i32
        %cond3A_129 = arith.constant 0 : i32
        %cond3A_130 = arith.cmpi ne, %convert_element_type3A_128, %cond3A_129 : i32
        scf.if %cond3A_130 {
          %ge3A = arith.constant 2 : i32
          %ge3A_131 = arith.cmpi sge, %scan3A_57, %ge3A : i32
          %convert_element_type3A_132 = arith.extui %ge3A_131 : i1 to i32
          %cond3A_133 = arith.constant 0 : i32
          %cond3A_134 = arith.cmpi ne, %convert_element_type3A_132, %cond3A_133 : i32
          scf.if %cond3A_134 {
            %dma_wait3A_143 = arith.constant 0 : i32
            %dma_wait3A_144 = tpu.memref_slice %arg8[%scan3A_57, %dma_wait3A_143] : memref<125x80xi32, #tpu.memory_space<vmem>> -> memref<1x80xi32, #tpu.memory_space<vmem>>
            %dma_wait3A_145 = tpu.memref_squeeze %dma_wait3A_144 : memref<1x80xi32, #tpu.memory_space<vmem>> -> memref<80xi32, #tpu.memory_space<vmem>>
            %dma_wait3A_146 = arith.constant 0 : i32
            %dma_wait3A_147 = arith.constant 0 : i32
            %dma_wait3A_148 = tpu.memref_slice %arg12[%dma_wait3A_146, %dma_wait3A_147] : memref<10000x128xf32, #tpu.memory_space<vmem_shared>> -> memref<10000x128xf32, #tpu.memory_space<vmem_shared>>
            tpu.wait_indirect_dma semaphore(%arg17 : memref<!tpu.dma_semaphore, #tpu.memory_space<semaphore_mem>>) src(%arg10 : memref<80x128xf32, #tpu.memory_space<vmem>>) dst(%dma_wait3A_148 : memref<10000x128xf32, #tpu.memory_space<vmem_shared>>)
          } else {
          }
          %add3A_135 = arith.constant 1 : i32
          %add3A_136 = arith.addi %scan3A_57, %add3A_135 : i32
          %dma_start3A_137 = arith.constant 0 : i32
          %dma_start3A_138 = tpu.memref_slice %arg7[%add3A_136, %dma_start3A_137] : memref<125x80xi32, #tpu.memory_space<vmem>> -> memref<1x80xi32, #tpu.memory_space<vmem>>
          %dma_start3A_139 = tpu.memref_squeeze %dma_start3A_138 : memref<1x80xi32, #tpu.memory_space<vmem>> -> memref<80xi32, #tpu.memory_space<vmem>>
          %dma_start3A_140 = arith.constant 0 : i32
          %dma_start3A_141 = arith.constant 0 : i32
          %dma_start3A_142 = tpu.memref_slice %arg2[%dma_start3A_140, %dma_start3A_141] : memref<10000x128xf32, #tpu.memory_space<hbm>> -> memref<10000x128xf32, #tpu.memory_space<hbm>>
          tpu.enqueue_indirect_dma source(%dma_start3A_142 : memref<10000x128xf32, #tpu.memory_space<hbm>>) target(%arg10 : memref<80x128xf32, #tpu.memory_space<vmem>>) offsets(%dma_start3A_139 : memref<80xi32, #tpu.memory_space<vmem>>) semaphore(%arg14 : memref<!tpu.dma_semaphore, #tpu.memory_space<semaphore_mem>>)
        } else {
        }
      } else {
      }
      %jit3A_70 = arith.constant 3 : i32
      %eq3A_71 = arith.constant 0 : i32
      %eq3A_72 = arith.cmpi eq, %jit3A_70, %eq3A_71 : i32
      %jit3A_73 = arith.constant 1 : i32
      %select_n3A_74 = arith.select %eq3A_72, %jit3A_73, %jit3A_70 : i32
      %rem3A_75 = arith.remsi %scan3A_57, %select_n3A_74 : i32
      %ne3A_76 = arith.constant 0 : i32
      %ne3A_77 = arith.cmpi ne, %rem3A_75, %ne3A_76 : i32
      %lt3A_78 = arith.constant 0 : i32
      %lt3A_79 = arith.cmpi slt, %rem3A_75, %lt3A_78 : i32
      %lt3A_80 = arith.constant 0 : i32
      %lt3A_81 = arith.cmpi slt, %select_n3A_74, %lt3A_80 : i32
      %ne3A_82 = arith.xori %lt3A_79, %lt3A_81 : i1
      %and3A_83 = arith.andi %ne3A_82, %ne3A_77 : i1
      %add3A_84 = arith.addi %rem3A_75, %select_n3A_74 : i32
      %select_n3A_85 = arith.select %and3A_83, %add3A_84, %rem3A_75 : i32
      %eq3A_86 = arith.constant 1 : i32
      %eq3A_87 = arith.cmpi eq, %select_n3A_85, %eq3A_86 : i32
      %convert_element_type3A_88 = arith.extui %eq3A_87 : i1 to i32
      %cond3A_89 = arith.constant 0 : i32
      %cond3A_90 = arith.cmpi ne, %convert_element_type3A_88, %cond3A_89 : i32
      scf.if %cond3A_90 {
        %dma_wait3A_112 = arith.constant 0 : i32
        %dma_wait3A_113 = tpu.memref_slice %arg7[%scan3A_57, %dma_wait3A_112] : memref<125x80xi32, #tpu.memory_space<vmem>> -> memref<1x80xi32, #tpu.memory_space<vmem>>
        %dma_wait3A_114 = tpu.memref_squeeze %dma_wait3A_113 : memref<1x80xi32, #tpu.memory_space<vmem>> -> memref<80xi32, #tpu.memory_space<vmem>>
        %dma_wait3A_115 = arith.constant 0 : i32
        %dma_wait3A_116 = arith.constant 0 : i32
        %dma_wait3A_117 = tpu.memref_slice %arg2[%dma_wait3A_115, %dma_wait3A_116] : memref<10000x128xf32, #tpu.memory_space<hbm>> -> memref<10000x128xf32, #tpu.memory_space<hbm>>
        tpu.wait_indirect_dma semaphore(%arg14 : memref<!tpu.dma_semaphore, #tpu.memory_space<semaphore_mem>>) src(%dma_wait3A_117 : memref<10000x128xf32, #tpu.memory_space<hbm>>) dst(%arg10 : memref<80x128xf32, #tpu.memory_space<vmem>>)
        %dma_start3A_118 = arith.constant 0 : i32
        %dma_start3A_119 = tpu.memref_slice %arg8[%scan3A_57, %dma_start3A_118] : memref<125x80xi32, #tpu.memory_space<vmem>> -> memref<1x80xi32, #tpu.memory_space<vmem>>
        %dma_start3A_120 = tpu.memref_squeeze %dma_start3A_119 : memref<1x80xi32, #tpu.memory_space<vmem>> -> memref<80xi32, #tpu.memory_space<vmem>>
        %dma_start3A_121 = arith.constant 0 : i32
        %dma_start3A_122 = arith.constant 0 : i32
        %dma_start3A_123 = tpu.memref_slice %arg12[%dma_start3A_121, %dma_start3A_122] : memref<10000x128xf32, #tpu.memory_space<vmem_shared>> -> memref<10000x128xf32, #tpu.memory_space<vmem_shared>>
        tpu.enqueue_indirect_dma source(%arg10 : memref<80x128xf32, #tpu.memory_space<vmem>>) target(%dma_start3A_123 : memref<10000x128xf32, #tpu.memory_space<vmem_shared>>) offsets(%dma_start3A_120 : memref<80xi32, #tpu.memory_space<vmem>>) semaphore(%arg17 : memref<!tpu.dma_semaphore, #tpu.memory_space<semaphore_mem>>) {add = true}
        %add3A_124 = arith.constant 1 : i32
        %add3A_125 = arith.addi %scan3A_57, %add3A_124 : i32
        %lt3A_126 = arith.constant 125 : i32
        %lt3A_127 = arith.cmpi slt, %add3A_125, %lt3A_126 : i32
        %convert_element_type3A_128 = arith.extui %lt3A_127 : i1 to i32
        %cond3A_129 = arith.constant 0 : i32
        %cond3A_130 = arith.cmpi ne, %convert_element_type3A_128, %cond3A_129 : i32
        scf.if %cond3A_130 {
          %ge3A = arith.constant 2 : i32
          %ge3A_131 = arith.cmpi sge, %scan3A_57, %ge3A : i32
          %convert_element_type3A_132 = arith.extui %ge3A_131 : i1 to i32
          %cond3A_133 = arith.constant 0 : i32
          %cond3A_134 = arith.cmpi ne, %convert_element_type3A_132, %cond3A_133 : i32
          scf.if %cond3A_134 {
            %dma_wait3A_143 = arith.constant 0 : i32
            %dma_wait3A_144 = tpu.memref_slice %arg8[%scan3A_57, %dma_wait3A_143] : memref<125x80xi32, #tpu.memory_space<vmem>> -> memref<1x80xi32, #tpu.memory_space<vmem>>
            %dma_wait3A_145 = tpu.memref_squeeze %dma_wait3A_144 : memref<1x80xi32, #tpu.memory_space<vmem>> -> memref<80xi32, #tpu.memory_space<vmem>>
            %dma_wait3A_146 = arith.constant 0 : i32
            %dma_wait3A_147 = arith.constant 0 : i32
            %dma_wait3A_148 = tpu.memref_slice %arg12[%dma_wait3A_146, %dma_wait3A_147] : memref<10000x128xf32, #tpu.memory_space<vmem_shared>> -> memref<10000x128xf32, #tpu.memory_space<vmem_shared>>
            tpu.wait_indirect_dma semaphore(%arg18 : memref<!tpu.dma_semaphore, #tpu.memory_space<semaphore_mem>>) src(%arg11 : memref<80x128xf32, #tpu.memory_space<vmem>>) dst(%dma_wait3A_148 : memref<10000x128xf32, #tpu.memory_space<vmem_shared>>)
          } else {
          }
          %add3A_135 = arith.constant 1 : i32
          %add3A_136 = arith.addi %scan3A_57, %add3A_135 : i32
          %dma_start3A_137 = arith.constant 0 : i32
          %dma_start3A_138 = tpu.memref_slice %arg7[%add3A_136, %dma_start3A_137] : memref<125x80xi32, #tpu.memory_space<vmem>> -> memref<1x80xi32, #tpu.memory_space<vmem>>
          %dma_start3A_139 = tpu.memref_squeeze %dma_start3A_138 : memref<1x80xi32, #tpu.memory_space<vmem>> -> memref<80xi32, #tpu.memory_space<vmem>>
          %dma_start3A_140 = arith.constant 0 : i32
          %dma_start3A_141 = arith.constant 0 : i32
          %dma_start3A_142 = tpu.memref_slice %arg2[%dma_start3A_140, %dma_start3A_141] : memref<10000x128xf32, #tpu.memory_space<hbm>> -> memref<10000x128xf32, #tpu.memory_space<hbm>>
          tpu.enqueue_indirect_dma source(%dma_start3A_142 : memref<10000x128xf32, #tpu.memory_space<hbm>>) target(%arg11 : memref<80x128xf32, #tpu.memory_space<vmem>>) offsets(%dma_start3A_139 : memref<80xi32, #tpu.memory_space<vmem>>) semaphore(%arg15 : memref<!tpu.dma_semaphore, #tpu.memory_space<semaphore_mem>>)
        } else {
        }
      } else {
      }
      %jit3A_91 = arith.constant 3 : i32
      %eq3A_92 = arith.constant 0 : i32
      %eq3A_93 = arith.cmpi eq, %jit3A_91, %eq3A_92 : i32
      %jit3A_94 = arith.constant 1 : i32
      %select_n3A_95 = arith.select %eq3A_93, %jit3A_94, %jit3A_91 : i32
      %rem3A_96 = arith.remsi %scan3A_57, %select_n3A_95 : i32
      %ne3A_97 = arith.constant 0 : i32
      %ne3A_98 = arith.cmpi ne, %rem3A_96, %ne3A_97 : i32
      %lt3A_99 = arith.constant 0 : i32
      %lt3A_100 = arith.cmpi slt, %rem3A_96, %lt3A_99 : i32
      %lt3A_101 = arith.constant 0 : i32
      %lt3A_102 = arith.cmpi slt, %select_n3A_95, %lt3A_101 : i32
      %ne3A_103 = arith.xori %lt3A_100, %lt3A_102 : i1
      %and3A_104 = arith.andi %ne3A_103, %ne3A_98 : i1
      %add3A_105 = arith.addi %rem3A_96, %select_n3A_95 : i32
      %select_n3A_106 = arith.select %and3A_104, %add3A_105, %rem3A_96 : i32
      %eq3A_107 = arith.constant 2 : i32
      %eq3A_108 = arith.cmpi eq, %select_n3A_106, %eq3A_107 : i32
      %convert_element_type3A_109 = arith.extui %eq3A_108 : i1 to i32
      %cond3A_110 = arith.constant 0 : i32
      %cond3A_111 = arith.cmpi ne, %convert_element_type3A_109, %cond3A_110 : i32
      scf.if %cond3A_111 {
        %dma_wait3A_112 = arith.constant 0 : i32
        %dma_wait3A_113 = tpu.memref_slice %arg7[%scan3A_57, %dma_wait3A_112] : memref<125x80xi32, #tpu.memory_space<vmem>> -> memref<1x80xi32, #tpu.memory_space<vmem>>
        %dma_wait3A_114 = tpu.memref_squeeze %dma_wait3A_113 : memref<1x80xi32, #tpu.memory_space<vmem>> -> memref<80xi32, #tpu.memory_space<vmem>>
        %dma_wait3A_115 = arith.constant 0 : i32
        %dma_wait3A_116 = arith.constant 0 : i32
        %dma_wait3A_117 = tpu.memref_slice %arg2[%dma_wait3A_115, %dma_wait3A_116] : memref<10000x128xf32, #tpu.memory_space<hbm>> -> memref<10000x128xf32, #tpu.memory_space<hbm>>
        tpu.wait_indirect_dma semaphore(%arg15 : memref<!tpu.dma_semaphore, #tpu.memory_space<semaphore_mem>>) src(%dma_wait3A_117 : memref<10000x128xf32, #tpu.memory_space<hbm>>) dst(%arg11 : memref<80x128xf32, #tpu.memory_space<vmem>>)
        %dma_start3A_118 = arith.constant 0 : i32
        %dma_start3A_119 = tpu.memref_slice %arg8[%scan3A_57, %dma_start3A_118] : memref<125x80xi32, #tpu.memory_space<vmem>> -> memref<1x80xi32, #tpu.memory_space<vmem>>
        %dma_start3A_120 = tpu.memref_squeeze %dma_start3A_119 : memref<1x80xi32, #tpu.memory_space<vmem>> -> memref<80xi32, #tpu.memory_space<vmem>>
        %dma_start3A_121 = arith.constant 0 : i32
        %dma_start3A_122 = arith.constant 0 : i32
        %dma_start3A_123 = tpu.memref_slice %arg12[%dma_start3A_121, %dma_start3A_122] : memref<10000x128xf32, #tpu.memory_space<vmem_shared>> -> memref<10000x128xf32, #tpu.memory_space<vmem_shared>>
        tpu.enqueue_indirect_dma source(%arg11 : memref<80x128xf32, #tpu.memory_space<vmem>>) target(%dma_start3A_123 : memref<10000x128xf32, #tpu.memory_space<vmem_shared>>) offsets(%dma_start3A_120 : memref<80xi32, #tpu.memory_space<vmem>>) semaphore(%arg18 : memref<!tpu.dma_semaphore, #tpu.memory_space<semaphore_mem>>) {add = true}
        %add3A_124 = arith.constant 1 : i32
        %add3A_125 = arith.addi %scan3A_57, %add3A_124 : i32
        %lt3A_126 = arith.constant 125 : i32
        %lt3A_127 = arith.cmpi slt, %add3A_125, %lt3A_126 : i32
        %convert_element_type3A_128 = arith.extui %lt3A_127 : i1 to i32
        %cond3A_129 = arith.constant 0 : i32
        %cond3A_130 = arith.cmpi ne, %convert_element_type3A_128, %cond3A_129 : i32
        scf.if %cond3A_130 {
          %ge3A = arith.constant 2 : i32
          %ge3A_131 = arith.cmpi sge, %scan3A_57, %ge3A : i32
          %convert_element_type3A_132 = arith.extui %ge3A_131 : i1 to i32
          %cond3A_133 = arith.constant 0 : i32
          %cond3A_134 = arith.cmpi ne, %convert_element_type3A_132, %cond3A_133 : i32
          scf.if %cond3A_134 {
            %dma_wait3A_143 = arith.constant 0 : i32
            %dma_wait3A_144 = tpu.memref_slice %arg8[%scan3A_57, %dma_wait3A_143] : memref<125x80xi32, #tpu.memory_space<vmem>> -> memref<1x80xi32, #tpu.memory_space<vmem>>
            %dma_wait3A_145 = tpu.memref_squeeze %dma_wait3A_144 : memref<1x80xi32, #tpu.memory_space<vmem>> -> memref<80xi32, #tpu.memory_space<vmem>>
            %dma_wait3A_146 = arith.constant 0 : i32
            %dma_wait3A_147 = arith.constant 0 : i32
            %dma_wait3A_148 = tpu.memref_slice %arg12[%dma_wait3A_146, %dma_wait3A_147] : memref<10000x128xf32, #tpu.memory_space<vmem_shared>> -> memref<10000x128xf32, #tpu.memory_space<vmem_shared>>
            tpu.wait_indirect_dma semaphore(%arg16 : memref<!tpu.dma_semaphore, #tpu.memory_space<semaphore_mem>>) src(%arg9 : memref<80x128xf32, #tpu.memory_space<vmem>>) dst(%dma_wait3A_148 : memref<10000x128xf32, #tpu.memory_space<vmem_shared>>)
          } else {
          }
          %add3A_135 = arith.constant 1 : i32
          %add3A_136 = arith.addi %scan3A_57, %add3A_135 : i32
          %dma_start3A_137 = arith.constant 0 : i32
          %dma_start3A_138 = tpu.memref_slice %arg7[%add3A_136, %dma_start3A_137] : memref<125x80xi32, #tpu.memory_space<vmem>> -> memref<1x80xi32, #tpu.memory_space<vmem>>
          %dma_start3A_139 = tpu.memref_squeeze %dma_start3A_138 : memref<1x80xi32, #tpu.memory_space<vmem>> -> memref<80xi32, #tpu.memory_space<vmem>>
          %dma_start3A_140 = arith.constant 0 : i32
          %dma_start3A_141 = arith.constant 0 : i32
          %dma_start3A_142 = tpu.memref_slice %arg2[%dma_start3A_140, %dma_start3A_141] : memref<10000x128xf32, #tpu.memory_space<hbm>> -> memref<10000x128xf32, #tpu.memory_space<hbm>>
          tpu.enqueue_indirect_dma source(%dma_start3A_142 : memref<10000x128xf32, #tpu.memory_space<hbm>>) target(%arg9 : memref<80x128xf32, #tpu.memory_space<vmem>>) offsets(%dma_start3A_139 : memref<80xi32, #tpu.memory_space<vmem>>) semaphore(%arg13 : memref<!tpu.dma_semaphore, #tpu.memory_space<semaphore_mem>>)
        } else {
        }
      } else {
      }
    }
    %scan3A_34 = arith.constant 125 : i32
    %dma_wait3A_35 = arith.constant 0 : i32
    %dma_wait3A_36 = arith.constant 0 : i32
    %dma_wait3A_37 = tpu.memref_slice %arg8[%dma_wait3A_35, %dma_wait3A_36] : memref<125x80xi32, #tpu.memory_space<vmem>> -> memref<1x80xi32, #tpu.memory_space<vmem>>
    %dma_wait3A_38 = tpu.memref_squeeze %dma_wait3A_37 : memref<1x80xi32, #tpu.memory_space<vmem>> -> memref<80xi32, #tpu.memory_space<vmem>>
    %dma_wait3A_39 = arith.constant 0 : i32
    %dma_wait3A_40 = arith.constant 0 : i32
    %dma_wait3A_41 = tpu.memref_slice %arg12[%dma_wait3A_39, %dma_wait3A_40] : memref<10000x128xf32, #tpu.memory_space<vmem_shared>> -> memref<10000x128xf32, #tpu.memory_space<vmem_shared>>
    tpu.wait_indirect_dma semaphore(%arg16 : memref<!tpu.dma_semaphore, #tpu.memory_space<semaphore_mem>>) src(%arg9 : memref<80x128xf32, #tpu.memory_space<vmem>>) dst(%dma_wait3A_41 : memref<10000x128xf32, #tpu.memory_space<vmem_shared>>)
    %dma_wait3A_42 = arith.constant 0 : i32
    %dma_wait3A_43 = arith.constant 0 : i32
    %dma_wait3A_44 = tpu.memref_slice %arg8[%dma_wait3A_42, %dma_wait3A_43] : memref<125x80xi32, #tpu.memory_space<vmem>> -> memref<1x80xi32, #tpu.memory_space<vmem>>
    %dma_wait3A_45 = tpu.memref_squeeze %dma_wait3A_44 : memref<1x80xi32, #tpu.memory_space<vmem>> -> memref<80xi32, #tpu.memory_space<vmem>>
    %dma_wait3A_46 = arith.constant 0 : i32
    %dma_wait3A_47 = arith.constant 0 : i32
    %dma_wait3A_48 = tpu.memref_slice %arg12[%dma_wait3A_46, %dma_wait3A_47] : memref<10000x128xf32, #tpu.memory_space<vmem_shared>> -> memref<10000x128xf32, #tpu.memory_space<vmem_shared>>
    tpu.wait_indirect_dma semaphore(%arg17 : memref<!tpu.dma_semaphore, #tpu.memory_space<semaphore_mem>>) src(%arg10 : memref<80x128xf32, #tpu.memory_space<vmem>>) dst(%dma_wait3A_48 : memref<10000x128xf32, #tpu.memory_space<vmem_shared>>)
    %dma_wait3A_49 = arith.constant 0 : i32
    %dma_wait3A_50 = arith.constant 0 : i32
    %dma_wait3A_51 = tpu.memref_slice %arg8[%dma_wait3A_49, %dma_wait3A_50] : memref<125x80xi32, #tpu.memory_space<vmem>> -> memref<1x80xi32, #tpu.memory_space<vmem>>
    %dma_wait3A_52 = tpu.memref_squeeze %dma_wait3A_51 : memref<1x80xi32, #tpu.memory_space<vmem>> -> memref<80xi32, #tpu.memory_space<vmem>>
    %dma_wait3A_53 = arith.constant 0 : i32
    %dma_wait3A_54 = arith.constant 0 : i32
    %dma_wait3A_55 = tpu.memref_slice %arg12[%dma_wait3A_53, %dma_wait3A_54] : memref<10000x128xf32, #tpu.memory_space<vmem_shared>> -> memref<10000x128xf32, #tpu.memory_space<vmem_shared>>
    tpu.wait_indirect_dma semaphore(%arg18 : memref<!tpu.dma_semaphore, #tpu.memory_space<semaphore_mem>>) src(%arg11 : memref<80x128xf32, #tpu.memory_space<vmem>>) dst(%dma_wait3A_55 : memref<10000x128xf32, #tpu.memory_space<vmem_shared>>)
    %barrier3A_56 = arith.constant 0 : index
    tpu.barrier barrier_id(%barrier3A_56)
    "tpu.region"() ({
      %run_scoped3A = tpu.sem_alloc : memref<!tpu.dma_semaphore, #tpu.memory_space<semaphore_mem>>
      %dma_start3A_57 = arith.constant 0 : i32
      %dma_start3A_58 = tpu.memref_slice %arg6[%arg0, %mul3A_2, %dma_start3A_57] : memref<2x10000x128xf32, #tpu.memory_space<hbm>> -> memref<1x640x128xf32, #tpu.memory_space<hbm>>
      %dma_start3A_59 = tpu.memref_squeeze %dma_start3A_58 : memref<1x640x128xf32, #tpu.memory_space<hbm>> -> memref<640x128xf32, #tpu.memory_space<hbm>>
      %dma_start3A_60 = arith.constant 0 : i32
      %dma_start3A_61 = tpu.memref_slice %arg12[%mul3A_2, %dma_start3A_60] : memref<10000x128xf32, #tpu.memory_space<vmem_shared>> -> memref<640x128xf32, #tpu.memory_space<vmem_shared>>
      tpu.enqueue_dma source(%dma_start3A_61 : memref<640x128xf32, #tpu.memory_space<vmem_shared>>) target(%dma_start3A_59 : memref<640x128xf32, #tpu.memory_space<hbm>>) target_semaphore(%run_scoped3A : memref<!tpu.dma_semaphore, #tpu.memory_space<semaphore_mem>>)
      %dma_wait3A_62 = arith.constant 0 : i32
      %dma_wait3A_63 = tpu.memref_slice %arg6[%arg0, %mul3A_2, %dma_wait3A_62] : memref<2x10000x128xf32, #tpu.memory_space<hbm>> -> memref<1x640x128xf32, #tpu.memory_space<hbm>>
      %dma_wait3A_64 = tpu.memref_squeeze %dma_wait3A_63 : memref<1x640x128xf32, #tpu.memory_space<hbm>> -> memref<640x128xf32, #tpu.memory_space<hbm>>
      %dma_wait3A_65 = arith.constant 0 : i32
      %dma_wait3A_66 = tpu.memref_slice %arg12[%mul3A_2, %dma_wait3A_65] : memref<10000x128xf32, #tpu.memory_space<vmem_shared>> -> memref<640x128xf32, #tpu.memory_space<vmem_shared>>
      tpu.wait_dma2 semaphore(%run_scoped3A : memref<!tpu.dma_semaphore, #tpu.memory_space<semaphore_mem>>) src(%dma_wait3A_66 : memref<640x128xf32, #tpu.memory_space<vmem_shared>>) dst(%dma_wait3A_64 : memref<640x128xf32, #tpu.memory_space<hbm>>)
      tpu.yield
    }) : () -> ()
    return
  }
}

#map = affine_map<(d0, d1) -> (0, 0)>
#map1 = affine_map<(d0, d1) -> (0, 0, 0)>
module attributes {stable_mosaic.version = 14 : i64} {
  func.func @_sc_degree(%arg0: i32, %arg1: i32, %arg2: memref<4000x80xi32, #tpu.memory_space<hbm>>, %arg3: memref<80x16xf32, #tpu.memory_space<hbm>>, %arg4: memref<640x16xf32, #tpu.memory_space<hbm>>, %arg5: memref<2x10000x16xf32, #tpu.memory_space<hbm>>, %arg6: memref<125x80xi32, #tpu.memory_space<vmem>>, %arg7: memref<80x16xf32, #tpu.memory_space<vmem>>, %arg8: memref<10000x16xf32, #tpu.memory_space<vmem_shared>>, %arg9: memref<!tpu.dma_semaphore, #tpu.memory_space<semaphore_mem>>) attributes {dimension_semantics = [#tpu.dimension_semantics<core_parallel>, #tpu.dimension_semantics<subcore_parallel>], iteration_bounds = array<i64: 2, 16>, scalar_prefetch = 0 : i64, scratch_operands = 4 : i64, tpu.core_type = #tpu.core_type<sc_vector_subcore>, window_params = [{transform_indices = #map}, {transform_indices = #map}, {transform_indices = #map}, {transform_indices = #map1}]} {
    %mul3A = arith.constant 16 : i32
    %mul3A_0 = arith.muli %arg0, %mul3A : i32
    %add3A = arith.addi %mul3A_0, %arg1 : i32
    %mul3A_1 = arith.constant 624 : i32
    %mul3A_2 = arith.muli %arg1, %mul3A_1 : i32
    %mul3A_3 = arith.constant 125 : i32
    %mul3A_4 = arith.muli %add3A, %mul3A_3 : i32
    "tpu.region"() ({
      %run_scoped3A = tpu.sem_alloc : memref<!tpu.dma_semaphore, #tpu.memory_space<semaphore_mem>>
      %dma_start3A = arith.constant 0 : i32
      %dma_start3A_17 = tpu.memref_slice %arg2[%mul3A_4, %dma_start3A] : memref<4000x80xi32, #tpu.memory_space<hbm>> -> memref<125x80xi32, #tpu.memory_space<hbm>>
      %dma_start3A_18 = arith.constant 0 : i32
      %dma_start3A_19 = tpu.memref_slice %arg2[%mul3A_4, %dma_start3A_18] : memref<4000x80xi32, #tpu.memory_space<hbm>> -> memref<125x80xi32, #tpu.memory_space<hbm>>
      tpu.enqueue_dma source(%dma_start3A_19 : memref<125x80xi32, #tpu.memory_space<hbm>>) target(%arg6 : memref<125x80xi32, #tpu.memory_space<vmem>>) target_semaphore(%run_scoped3A : memref<!tpu.dma_semaphore, #tpu.memory_space<semaphore_mem>>)
      %dma_wait3A = arith.constant 0 : i32
      %dma_wait3A_20 = tpu.memref_slice %arg2[%mul3A_4, %dma_wait3A] : memref<4000x80xi32, #tpu.memory_space<hbm>> -> memref<125x80xi32, #tpu.memory_space<hbm>>
      %dma_wait3A_21 = arith.constant 0 : i32
      %dma_wait3A_22 = tpu.memref_slice %arg2[%mul3A_4, %dma_wait3A_21] : memref<4000x80xi32, #tpu.memory_space<hbm>> -> memref<125x80xi32, #tpu.memory_space<hbm>>
      tpu.wait_dma2 semaphore(%run_scoped3A : memref<!tpu.dma_semaphore, #tpu.memory_space<semaphore_mem>>) src(%dma_wait3A_22 : memref<125x80xi32, #tpu.memory_space<hbm>>) dst(%arg6 : memref<125x80xi32, #tpu.memory_space<vmem>>)
      tpu.yield
    }) : () -> ()
    "tpu.region"() ({
      %run_scoped3A = tpu.sem_alloc : memref<!tpu.dma_semaphore, #tpu.memory_space<semaphore_mem>>
      %dma_start3A = arith.constant 0 : i32
      %dma_start3A_17 = tpu.memref_slice %arg8[%mul3A_2, %dma_start3A] : memref<10000x16xf32, #tpu.memory_space<vmem_shared>> -> memref<640x16xf32, #tpu.memory_space<vmem_shared>>
      tpu.enqueue_dma source(%arg4 : memref<640x16xf32, #tpu.memory_space<hbm>>) target(%dma_start3A_17 : memref<640x16xf32, #tpu.memory_space<vmem_shared>>) target_semaphore(%run_scoped3A : memref<!tpu.dma_semaphore, #tpu.memory_space<semaphore_mem>>)
      %dma_wait3A = arith.constant 0 : i32
      %dma_wait3A_18 = tpu.memref_slice %arg8[%mul3A_2, %dma_wait3A] : memref<10000x16xf32, #tpu.memory_space<vmem_shared>> -> memref<640x16xf32, #tpu.memory_space<vmem_shared>>
      tpu.wait_dma2 semaphore(%run_scoped3A : memref<!tpu.dma_semaphore, #tpu.memory_space<semaphore_mem>>) src(%arg4 : memref<640x16xf32, #tpu.memory_space<hbm>>) dst(%dma_wait3A_18 : memref<640x16xf32, #tpu.memory_space<vmem_shared>>)
      tpu.yield
    }) : () -> ()
    "tpu.region"() ({
      %run_scoped3A = tpu.sem_alloc : memref<!tpu.dma_semaphore, #tpu.memory_space<semaphore_mem>>
      tpu.enqueue_dma source(%arg3 : memref<80x16xf32, #tpu.memory_space<hbm>>) target(%arg7 : memref<80x16xf32, #tpu.memory_space<vmem>>) target_semaphore(%run_scoped3A : memref<!tpu.dma_semaphore, #tpu.memory_space<semaphore_mem>>)
      tpu.wait_dma2 semaphore(%run_scoped3A : memref<!tpu.dma_semaphore, #tpu.memory_space<semaphore_mem>>) src(%arg3 : memref<80x16xf32, #tpu.memory_space<hbm>>) dst(%arg7 : memref<80x16xf32, #tpu.memory_space<vmem>>)
      tpu.yield
    }) : () -> ()
    %barrier3A = arith.constant 0 : index
    tpu.barrier barrier_id(%barrier3A)
    %scan3A = arith.constant 0 : i32
    %scan3A_5 = arith.constant 0 : i32
    %scan3A_6 = arith.constant 125 : i32
    %scan3A_7 = arith.addi %scan3A_5, %scan3A_6 : i32
    %scan3A_8 = arith.constant 1 : i32
    scf.for %scan3A_17 = %scan3A_5 to %scan3A_7 step %scan3A_8  : i32 {
      %dma_start3A = arith.constant 0 : i32
      %dma_start3A_18 = tpu.memref_slice %arg6[%scan3A_17, %dma_start3A] : memref<125x80xi32, #tpu.memory_space<vmem>> -> memref<1x80xi32, #tpu.memory_space<vmem>>
      %dma_start3A_19 = tpu.memref_squeeze %dma_start3A_18 : memref<1x80xi32, #tpu.memory_space<vmem>> -> memref<80xi32, #tpu.memory_space<vmem>>
      %dma_start3A_20 = arith.constant 0 : i32
      %dma_start3A_21 = arith.constant 0 : i32
      %dma_start3A_22 = tpu.memref_slice %arg8[%dma_start3A_20, %dma_start3A_21] : memref<10000x16xf32, #tpu.memory_space<vmem_shared>> -> memref<10000x16xf32, #tpu.memory_space<vmem_shared>>
      tpu.enqueue_indirect_dma source(%arg7 : memref<80x16xf32, #tpu.memory_space<vmem>>) target(%dma_start3A_22 : memref<10000x16xf32, #tpu.memory_space<vmem_shared>>) offsets(%dma_start3A_19 : memref<80xi32, #tpu.memory_space<vmem>>) semaphore(%arg9 : memref<!tpu.dma_semaphore, #tpu.memory_space<semaphore_mem>>) {add = true}
    }
    %scan3A_9 = arith.constant 125 : i32
    %scan3A_10 = arith.constant 0 : i32
    %scan3A_11 = arith.constant 0 : i32
    %scan3A_12 = arith.constant 125 : i32
    %scan3A_13 = arith.addi %scan3A_11, %scan3A_12 : i32
    %scan3A_14 = arith.constant 1 : i32
    scf.for %scan3A_17 = %scan3A_11 to %scan3A_13 step %scan3A_14  : i32 {
      %dma_wait3A = arith.constant 0 : i32
      %dma_wait3A_18 = arith.constant 0 : i32
      %dma_wait3A_19 = tpu.memref_slice %arg6[%dma_wait3A, %dma_wait3A_18] : memref<125x80xi32, #tpu.memory_space<vmem>> -> memref<1x80xi32, #tpu.memory_space<vmem>>
      %dma_wait3A_20 = tpu.memref_squeeze %dma_wait3A_19 : memref<1x80xi32, #tpu.memory_space<vmem>> -> memref<80xi32, #tpu.memory_space<vmem>>
      %dma_wait3A_21 = arith.constant 0 : i32
      %dma_wait3A_22 = arith.constant 0 : i32
      %dma_wait3A_23 = tpu.memref_slice %arg8[%dma_wait3A_21, %dma_wait3A_22] : memref<10000x16xf32, #tpu.memory_space<vmem_shared>> -> memref<10000x16xf32, #tpu.memory_space<vmem_shared>>
      tpu.wait_indirect_dma semaphore(%arg9 : memref<!tpu.dma_semaphore, #tpu.memory_space<semaphore_mem>>) src(%arg7 : memref<80x16xf32, #tpu.memory_space<vmem>>) dst(%dma_wait3A_23 : memref<10000x16xf32, #tpu.memory_space<vmem_shared>>)
    }
    %scan3A_15 = arith.constant 125 : i32
    %barrier3A_16 = arith.constant 0 : index
    tpu.barrier barrier_id(%barrier3A_16)
    "tpu.region"() ({
      %run_scoped3A = tpu.sem_alloc : memref<!tpu.dma_semaphore, #tpu.memory_space<semaphore_mem>>
      %dma_start3A = arith.constant 0 : i32
      %dma_start3A_17 = tpu.memref_slice %arg5[%arg0, %mul3A_2, %dma_start3A] : memref<2x10000x16xf32, #tpu.memory_space<hbm>> -> memref<1x640x16xf32, #tpu.memory_space<hbm>>
      %dma_start3A_18 = tpu.memref_squeeze %dma_start3A_17 : memref<1x640x16xf32, #tpu.memory_space<hbm>> -> memref<640x16xf32, #tpu.memory_space<hbm>>
      %dma_start3A_19 = arith.constant 0 : i32
      %dma_start3A_20 = tpu.memref_slice %arg8[%mul3A_2, %dma_start3A_19] : memref<10000x16xf32, #tpu.memory_space<vmem_shared>> -> memref<640x16xf32, #tpu.memory_space<vmem_shared>>
      tpu.enqueue_dma source(%dma_start3A_20 : memref<640x16xf32, #tpu.memory_space<vmem_shared>>) target(%dma_start3A_18 : memref<640x16xf32, #tpu.memory_space<hbm>>) target_semaphore(%run_scoped3A : memref<!tpu.dma_semaphore, #tpu.memory_space<semaphore_mem>>)
      %dma_wait3A = arith.constant 0 : i32
      %dma_wait3A_21 = tpu.memref_slice %arg5[%arg0, %mul3A_2, %dma_wait3A] : memref<2x10000x16xf32, #tpu.memory_space<hbm>> -> memref<1x640x16xf32, #tpu.memory_space<hbm>>
      %dma_wait3A_22 = tpu.memref_squeeze %dma_wait3A_21 : memref<1x640x16xf32, #tpu.memory_space<hbm>> -> memref<640x16xf32, #tpu.memory_space<hbm>>
      %dma_wait3A_23 = arith.constant 0 : i32
      %dma_wait3A_24 = tpu.memref_slice %arg8[%mul3A_2, %dma_wait3A_23] : memref<10000x16xf32, #tpu.memory_space<vmem_shared>> -> memref<640x16xf32, #tpu.memory_space<vmem_shared>>
      tpu.wait_dma2 semaphore(%run_scoped3A : memref<!tpu.dma_semaphore, #tpu.memory_space<semaphore_mem>>) src(%dma_wait3A_24 : memref<640x16xf32, #tpu.memory_space<vmem_shared>>) dst(%dma_wait3A_22 : memref<640x16xf32, #tpu.memory_space<hbm>>)
      tpu.yield
    }) : () -> ()
    return
  }
}

#map = affine_map<(d0, d1) -> (0, 0)>
#map1 = affine_map<(d0, d1) -> (0, 0, 0)>
module attributes {stable_mosaic.version = 14 : i64} {
  func.func @_sc_propagate(%arg0: i32, %arg1: i32, %arg2: memref<10000x128xf32, #tpu.memory_space<hbm>>, %arg3: memref<4000x80xi32, #tpu.memory_space<hbm>>, %arg4: memref<4000x80xi32, #tpu.memory_space<hbm>>, %arg5: memref<640x128xf32, #tpu.memory_space<hbm>>, %arg6: memref<2x10000x128xf32, #tpu.memory_space<hbm>>, %arg7: memref<125x80xi32, #tpu.memory_space<vmem>>, %arg8: memref<125x80xi32, #tpu.memory_space<vmem>>, %arg9: memref<80x128xf32, #tpu.memory_space<vmem>>, %arg10: memref<80x128xf32, #tpu.memory_space<vmem>>, %arg11: memref<80x128xf32, #tpu.memory_space<vmem>>, %arg12: memref<10000x128xf32, #tpu.memory_space<vmem_shared>>, %arg13: memref<!tpu.dma_semaphore, #tpu.memory_space<semaphore_mem>>, %arg14: memref<!tpu.dma_semaphore, #tpu.memory_space<semaphore_mem>>, %arg15: memref<!tpu.dma_semaphore, #tpu.memory_space<semaphore_mem>>, %arg16: memref<!tpu.dma_semaphore, #tpu.memory_space<semaphore_mem>>, %arg17: memref<!tpu.dma_semaphore, #tpu.memory_space<semaphore_mem>>, %arg18: memref<!tpu.dma_semaphore, #tpu.memory_space<semaphore_mem>>) attributes {dimension_semantics = [#tpu.dimension_semantics<core_parallel>, #tpu.dimension_semantics<subcore_parallel>], iteration_bounds = array<i64: 2, 16>, scalar_prefetch = 0 : i64, scratch_operands = 12 : i64, tpu.core_type = #tpu.core_type<sc_vector_subcore>, window_params = [{transform_indices = #map}, {transform_indices = #map}, {transform_indices = #map}, {transform_indices = #map}, {transform_indices = #map1}]} {
    %mul3A = arith.constant 16 : i32
    %mul3A_0 = arith.muli %arg0, %mul3A : i32
    %add3A = arith.addi %mul3A_0, %arg1 : i32
    %mul3A_1 = arith.constant 624 : i32
    %mul3A_2 = arith.muli %arg1, %mul3A_1 : i32
    %mul3A_3 = arith.constant 125 : i32
    %mul3A_4 = arith.muli %add3A, %mul3A_3 : i32
    %dma_start3A = arith.constant 0 : i32
    %dma_start3A_5 = tpu.memref_slice %arg3[%mul3A_4, %dma_start3A] : memref<4000x80xi32, #tpu.memory_space<hbm>> -> memref<125x80xi32, #tpu.memory_space<hbm>>
    %dma_start3A_6 = arith.constant 0 : i32
    %dma_start3A_7 = tpu.memref_slice %arg3[%mul3A_4, %dma_start3A_6] : memref<4000x80xi32, #tpu.memory_space<hbm>> -> memref<125x80xi32, #tpu.memory_space<hbm>>
    tpu.enqueue_dma source(%dma_start3A_7 : memref<125x80xi32, #tpu.memory_space<hbm>>) target(%arg7 : memref<125x80xi32, #tpu.memory_space<vmem>>) target_semaphore(%arg13 : memref<!tpu.dma_semaphore, #tpu.memory_space<semaphore_mem>>)
    %dma_start3A_8 = arith.constant 0 : i32
    %dma_start3A_9 = tpu.memref_slice %arg4[%mul3A_4, %dma_start3A_8] : memref<4000x80xi32, #tpu.memory_space<hbm>> -> memref<125x80xi32, #tpu.memory_space<hbm>>
    %dma_start3A_10 = arith.constant 0 : i32
    %dma_start3A_11 = tpu.memref_slice %arg4[%mul3A_4, %dma_start3A_10] : memref<4000x80xi32, #tpu.memory_space<hbm>> -> memref<125x80xi32, #tpu.memory_space<hbm>>
    tpu.enqueue_dma source(%dma_start3A_11 : memref<125x80xi32, #tpu.memory_space<hbm>>) target(%arg8 : memref<125x80xi32, #tpu.memory_space<vmem>>) target_semaphore(%arg14 : memref<!tpu.dma_semaphore, #tpu.memory_space<semaphore_mem>>)
    %dma_start3A_12 = arith.constant 0 : i32
    %dma_start3A_13 = tpu.memref_slice %arg12[%mul3A_2, %dma_start3A_12] : memref<10000x128xf32, #tpu.memory_space<vmem_shared>> -> memref<640x128xf32, #tpu.memory_space<vmem_shared>>
    tpu.enqueue_dma source(%arg5 : memref<640x128xf32, #tpu.memory_space<hbm>>) target(%dma_start3A_13 : memref<640x128xf32, #tpu.memory_space<vmem_shared>>) target_semaphore(%arg16 : memref<!tpu.dma_semaphore, #tpu.memory_space<semaphore_mem>>)
    %dma_wait3A = arith.constant 0 : i32
    %dma_wait3A_14 = tpu.memref_slice %arg3[%mul3A_4, %dma_wait3A] : memref<4000x80xi32, #tpu.memory_space<hbm>> -> memref<125x80xi32, #tpu.memory_space<hbm>>
    %dma_wait3A_15 = arith.constant 0 : i32
    %dma_wait3A_16 = tpu.memref_slice %arg3[%mul3A_4, %dma_wait3A_15] : memref<4000x80xi32, #tpu.memory_space<hbm>> -> memref<125x80xi32, #tpu.memory_space<hbm>>
    tpu.wait_dma2 semaphore(%arg13 : memref<!tpu.dma_semaphore, #tpu.memory_space<semaphore_mem>>) src(%dma_wait3A_16 : memref<125x80xi32, #tpu.memory_space<hbm>>) dst(%arg7 : memref<125x80xi32, #tpu.memory_space<vmem>>)
    %dma_start3A_17 = arith.constant 0 : i32
    %dma_start3A_18 = arith.constant 0 : i32
    %dma_start3A_19 = tpu.memref_slice %arg7[%dma_start3A_17, %dma_start3A_18] : memref<125x80xi32, #tpu.memory_space<vmem>> -> memref<1x80xi32, #tpu.memory_space<vmem>>
    %dma_start3A_20 = tpu.memref_squeeze %dma_start3A_19 : memref<1x80xi32, #tpu.memory_space<vmem>> -> memref<80xi32, #tpu.memory_space<vmem>>
    %dma_start3A_21 = arith.constant 0 : i32
    %dma_start3A_22 = arith.constant 0 : i32
    %dma_start3A_23 = tpu.memref_slice %arg2[%dma_start3A_21, %dma_start3A_22] : memref<10000x128xf32, #tpu.memory_space<hbm>> -> memref<10000x128xf32, #tpu.memory_space<hbm>>
    tpu.enqueue_indirect_dma source(%dma_start3A_23 : memref<10000x128xf32, #tpu.memory_space<hbm>>) target(%arg9 : memref<80x128xf32, #tpu.memory_space<vmem>>) offsets(%dma_start3A_20 : memref<80xi32, #tpu.memory_space<vmem>>) semaphore(%arg13 : memref<!tpu.dma_semaphore, #tpu.memory_space<semaphore_mem>>)
    %dma_wait3A_24 = arith.constant 0 : i32
    %dma_wait3A_25 = tpu.memref_slice %arg4[%mul3A_4, %dma_wait3A_24] : memref<4000x80xi32, #tpu.memory_space<hbm>> -> memref<125x80xi32, #tpu.memory_space<hbm>>
    %dma_wait3A_26 = arith.constant 0 : i32
    %dma_wait3A_27 = tpu.memref_slice %arg4[%mul3A_4, %dma_wait3A_26] : memref<4000x80xi32, #tpu.memory_space<hbm>> -> memref<125x80xi32, #tpu.memory_space<hbm>>
    tpu.wait_dma2 semaphore(%arg14 : memref<!tpu.dma_semaphore, #tpu.memory_space<semaphore_mem>>) src(%dma_wait3A_27 : memref<125x80xi32, #tpu.memory_space<hbm>>) dst(%arg8 : memref<125x80xi32, #tpu.memory_space<vmem>>)
    %dma_wait3A_28 = arith.constant 0 : i32
    %dma_wait3A_29 = tpu.memref_slice %arg12[%mul3A_2, %dma_wait3A_28] : memref<10000x128xf32, #tpu.memory_space<vmem_shared>> -> memref<640x128xf32, #tpu.memory_space<vmem_shared>>
    tpu.wait_dma2 semaphore(%arg16 : memref<!tpu.dma_semaphore, #tpu.memory_space<semaphore_mem>>) src(%arg5 : memref<640x128xf32, #tpu.memory_space<hbm>>) dst(%dma_wait3A_29 : memref<640x128xf32, #tpu.memory_space<vmem_shared>>)
    %barrier3A = arith.constant 0 : index
    tpu.barrier barrier_id(%barrier3A)
    %scan3A = arith.constant 0 : i32
    %scan3A_30 = arith.constant 0 : i32
    %scan3A_31 = arith.constant 125 : i32
    %scan3A_32 = arith.addi %scan3A_30, %scan3A_31 : i32
    %scan3A_33 = arith.constant 1 : i32
    scf.for %scan3A_57 = %scan3A_30 to %scan3A_32 step %scan3A_33  : i32 {
      %jit3A = arith.constant 3 : i32
      %eq3A = arith.constant 0 : i32
      %eq3A_58 = arith.cmpi eq, %jit3A, %eq3A : i32
      %jit3A_59 = arith.constant 1 : i32
      %select_n3A = arith.select %eq3A_58, %jit3A_59, %jit3A : i32
      %rem3A = arith.remsi %scan3A_57, %select_n3A : i32
      %ne3A = arith.constant 0 : i32
      %ne3A_60 = arith.cmpi ne, %rem3A, %ne3A : i32
      %lt3A = arith.constant 0 : i32
      %lt3A_61 = arith.cmpi slt, %rem3A, %lt3A : i32
      %lt3A_62 = arith.constant 0 : i32
      %lt3A_63 = arith.cmpi slt, %select_n3A, %lt3A_62 : i32
      %ne3A_64 = arith.xori %lt3A_61, %lt3A_63 : i1
      %and3A = arith.andi %ne3A_64, %ne3A_60 : i1
      %add3A_65 = arith.addi %rem3A, %select_n3A : i32
      %select_n3A_66 = arith.select %and3A, %add3A_65, %rem3A : i32
      %eq3A_67 = arith.constant 0 : i32
      %eq3A_68 = arith.cmpi eq, %select_n3A_66, %eq3A_67 : i32
      %convert_element_type3A = arith.extui %eq3A_68 : i1 to i32
      %cond3A = arith.constant 0 : i32
      %cond3A_69 = arith.cmpi ne, %convert_element_type3A, %cond3A : i32
      scf.if %cond3A_69 {
        %dma_wait3A_112 = arith.constant 0 : i32
        %dma_wait3A_113 = tpu.memref_slice %arg7[%scan3A_57, %dma_wait3A_112] : memref<125x80xi32, #tpu.memory_space<vmem>> -> memref<1x80xi32, #tpu.memory_space<vmem>>
        %dma_wait3A_114 = tpu.memref_squeeze %dma_wait3A_113 : memref<1x80xi32, #tpu.memory_space<vmem>> -> memref<80xi32, #tpu.memory_space<vmem>>
        %dma_wait3A_115 = arith.constant 0 : i32
        %dma_wait3A_116 = arith.constant 0 : i32
        %dma_wait3A_117 = tpu.memref_slice %arg2[%dma_wait3A_115, %dma_wait3A_116] : memref<10000x128xf32, #tpu.memory_space<hbm>> -> memref<10000x128xf32, #tpu.memory_space<hbm>>
        tpu.wait_indirect_dma semaphore(%arg13 : memref<!tpu.dma_semaphore, #tpu.memory_space<semaphore_mem>>) src(%dma_wait3A_117 : memref<10000x128xf32, #tpu.memory_space<hbm>>) dst(%arg9 : memref<80x128xf32, #tpu.memory_space<vmem>>)
        %dma_start3A_118 = arith.constant 0 : i32
        %dma_start3A_119 = tpu.memref_slice %arg8[%scan3A_57, %dma_start3A_118] : memref<125x80xi32, #tpu.memory_space<vmem>> -> memref<1x80xi32, #tpu.memory_space<vmem>>
        %dma_start3A_120 = tpu.memref_squeeze %dma_start3A_119 : memref<1x80xi32, #tpu.memory_space<vmem>> -> memref<80xi32, #tpu.memory_space<vmem>>
        %dma_start3A_121 = arith.constant 0 : i32
        %dma_start3A_122 = arith.constant 0 : i32
        %dma_start3A_123 = tpu.memref_slice %arg12[%dma_start3A_121, %dma_start3A_122] : memref<10000x128xf32, #tpu.memory_space<vmem_shared>> -> memref<10000x128xf32, #tpu.memory_space<vmem_shared>>
        tpu.enqueue_indirect_dma source(%arg9 : memref<80x128xf32, #tpu.memory_space<vmem>>) target(%dma_start3A_123 : memref<10000x128xf32, #tpu.memory_space<vmem_shared>>) offsets(%dma_start3A_120 : memref<80xi32, #tpu.memory_space<vmem>>) semaphore(%arg16 : memref<!tpu.dma_semaphore, #tpu.memory_space<semaphore_mem>>) {add = true}
        %add3A_124 = arith.constant 1 : i32
        %add3A_125 = arith.addi %scan3A_57, %add3A_124 : i32
        %lt3A_126 = arith.constant 125 : i32
        %lt3A_127 = arith.cmpi slt, %add3A_125, %lt3A_126 : i32
        %convert_element_type3A_128 = arith.extui %lt3A_127 : i1 to i32
        %cond3A_129 = arith.constant 0 : i32
        %cond3A_130 = arith.cmpi ne, %convert_element_type3A_128, %cond3A_129 : i32
        scf.if %cond3A_130 {
          %ge3A = arith.constant 2 : i32
          %ge3A_131 = arith.cmpi sge, %scan3A_57, %ge3A : i32
          %convert_element_type3A_132 = arith.extui %ge3A_131 : i1 to i32
          %cond3A_133 = arith.constant 0 : i32
          %cond3A_134 = arith.cmpi ne, %convert_element_type3A_132, %cond3A_133 : i32
          scf.if %cond3A_134 {
            %dma_wait3A_143 = arith.constant 0 : i32
            %dma_wait3A_144 = tpu.memref_slice %arg8[%scan3A_57, %dma_wait3A_143] : memref<125x80xi32, #tpu.memory_space<vmem>> -> memref<1x80xi32, #tpu.memory_space<vmem>>
            %dma_wait3A_145 = tpu.memref_squeeze %dma_wait3A_144 : memref<1x80xi32, #tpu.memory_space<vmem>> -> memref<80xi32, #tpu.memory_space<vmem>>
            %dma_wait3A_146 = arith.constant 0 : i32
            %dma_wait3A_147 = arith.constant 0 : i32
            %dma_wait3A_148 = tpu.memref_slice %arg12[%dma_wait3A_146, %dma_wait3A_147] : memref<10000x128xf32, #tpu.memory_space<vmem_shared>> -> memref<10000x128xf32, #tpu.memory_space<vmem_shared>>
            tpu.wait_indirect_dma semaphore(%arg17 : memref<!tpu.dma_semaphore, #tpu.memory_space<semaphore_mem>>) src(%arg10 : memref<80x128xf32, #tpu.memory_space<vmem>>) dst(%dma_wait3A_148 : memref<10000x128xf32, #tpu.memory_space<vmem_shared>>)
          } else {
          }
          %add3A_135 = arith.constant 1 : i32
          %add3A_136 = arith.addi %scan3A_57, %add3A_135 : i32
          %dma_start3A_137 = arith.constant 0 : i32
          %dma_start3A_138 = tpu.memref_slice %arg7[%add3A_136, %dma_start3A_137] : memref<125x80xi32, #tpu.memory_space<vmem>> -> memref<1x80xi32, #tpu.memory_space<vmem>>
          %dma_start3A_139 = tpu.memref_squeeze %dma_start3A_138 : memref<1x80xi32, #tpu.memory_space<vmem>> -> memref<80xi32, #tpu.memory_space<vmem>>
          %dma_start3A_140 = arith.constant 0 : i32
          %dma_start3A_141 = arith.constant 0 : i32
          %dma_start3A_142 = tpu.memref_slice %arg2[%dma_start3A_140, %dma_start3A_141] : memref<10000x128xf32, #tpu.memory_space<hbm>> -> memref<10000x128xf32, #tpu.memory_space<hbm>>
          tpu.enqueue_indirect_dma source(%dma_start3A_142 : memref<10000x128xf32, #tpu.memory_space<hbm>>) target(%arg10 : memref<80x128xf32, #tpu.memory_space<vmem>>) offsets(%dma_start3A_139 : memref<80xi32, #tpu.memory_space<vmem>>) semaphore(%arg14 : memref<!tpu.dma_semaphore, #tpu.memory_space<semaphore_mem>>)
        } else {
        }
      } else {
      }
      %jit3A_70 = arith.constant 3 : i32
      %eq3A_71 = arith.constant 0 : i32
      %eq3A_72 = arith.cmpi eq, %jit3A_70, %eq3A_71 : i32
      %jit3A_73 = arith.constant 1 : i32
      %select_n3A_74 = arith.select %eq3A_72, %jit3A_73, %jit3A_70 : i32
      %rem3A_75 = arith.remsi %scan3A_57, %select_n3A_74 : i32
      %ne3A_76 = arith.constant 0 : i32
      %ne3A_77 = arith.cmpi ne, %rem3A_75, %ne3A_76 : i32
      %lt3A_78 = arith.constant 0 : i32
      %lt3A_79 = arith.cmpi slt, %rem3A_75, %lt3A_78 : i32
      %lt3A_80 = arith.constant 0 : i32
      %lt3A_81 = arith.cmpi slt, %select_n3A_74, %lt3A_80 : i32
      %ne3A_82 = arith.xori %lt3A_79, %lt3A_81 : i1
      %and3A_83 = arith.andi %ne3A_82, %ne3A_77 : i1
      %add3A_84 = arith.addi %rem3A_75, %select_n3A_74 : i32
      %select_n3A_85 = arith.select %and3A_83, %add3A_84, %rem3A_75 : i32
      %eq3A_86 = arith.constant 1 : i32
      %eq3A_87 = arith.cmpi eq, %select_n3A_85, %eq3A_86 : i32
      %convert_element_type3A_88 = arith.extui %eq3A_87 : i1 to i32
      %cond3A_89 = arith.constant 0 : i32
      %cond3A_90 = arith.cmpi ne, %convert_element_type3A_88, %cond3A_89 : i32
      scf.if %cond3A_90 {
        %dma_wait3A_112 = arith.constant 0 : i32
        %dma_wait3A_113 = tpu.memref_slice %arg7[%scan3A_57, %dma_wait3A_112] : memref<125x80xi32, #tpu.memory_space<vmem>> -> memref<1x80xi32, #tpu.memory_space<vmem>>
        %dma_wait3A_114 = tpu.memref_squeeze %dma_wait3A_113 : memref<1x80xi32, #tpu.memory_space<vmem>> -> memref<80xi32, #tpu.memory_space<vmem>>
        %dma_wait3A_115 = arith.constant 0 : i32
        %dma_wait3A_116 = arith.constant 0 : i32
        %dma_wait3A_117 = tpu.memref_slice %arg2[%dma_wait3A_115, %dma_wait3A_116] : memref<10000x128xf32, #tpu.memory_space<hbm>> -> memref<10000x128xf32, #tpu.memory_space<hbm>>
        tpu.wait_indirect_dma semaphore(%arg14 : memref<!tpu.dma_semaphore, #tpu.memory_space<semaphore_mem>>) src(%dma_wait3A_117 : memref<10000x128xf32, #tpu.memory_space<hbm>>) dst(%arg10 : memref<80x128xf32, #tpu.memory_space<vmem>>)
        %dma_start3A_118 = arith.constant 0 : i32
        %dma_start3A_119 = tpu.memref_slice %arg8[%scan3A_57, %dma_start3A_118] : memref<125x80xi32, #tpu.memory_space<vmem>> -> memref<1x80xi32, #tpu.memory_space<vmem>>
        %dma_start3A_120 = tpu.memref_squeeze %dma_start3A_119 : memref<1x80xi32, #tpu.memory_space<vmem>> -> memref<80xi32, #tpu.memory_space<vmem>>
        %dma_start3A_121 = arith.constant 0 : i32
        %dma_start3A_122 = arith.constant 0 : i32
        %dma_start3A_123 = tpu.memref_slice %arg12[%dma_start3A_121, %dma_start3A_122] : memref<10000x128xf32, #tpu.memory_space<vmem_shared>> -> memref<10000x128xf32, #tpu.memory_space<vmem_shared>>
        tpu.enqueue_indirect_dma source(%arg10 : memref<80x128xf32, #tpu.memory_space<vmem>>) target(%dma_start3A_123 : memref<10000x128xf32, #tpu.memory_space<vmem_shared>>) offsets(%dma_start3A_120 : memref<80xi32, #tpu.memory_space<vmem>>) semaphore(%arg17 : memref<!tpu.dma_semaphore, #tpu.memory_space<semaphore_mem>>) {add = true}
        %add3A_124 = arith.constant 1 : i32
        %add3A_125 = arith.addi %scan3A_57, %add3A_124 : i32
        %lt3A_126 = arith.constant 125 : i32
        %lt3A_127 = arith.cmpi slt, %add3A_125, %lt3A_126 : i32
        %convert_element_type3A_128 = arith.extui %lt3A_127 : i1 to i32
        %cond3A_129 = arith.constant 0 : i32
        %cond3A_130 = arith.cmpi ne, %convert_element_type3A_128, %cond3A_129 : i32
        scf.if %cond3A_130 {
          %ge3A = arith.constant 2 : i32
          %ge3A_131 = arith.cmpi sge, %scan3A_57, %ge3A : i32
          %convert_element_type3A_132 = arith.extui %ge3A_131 : i1 to i32
          %cond3A_133 = arith.constant 0 : i32
          %cond3A_134 = arith.cmpi ne, %convert_element_type3A_132, %cond3A_133 : i32
          scf.if %cond3A_134 {
            %dma_wait3A_143 = arith.constant 0 : i32
            %dma_wait3A_144 = tpu.memref_slice %arg8[%scan3A_57, %dma_wait3A_143] : memref<125x80xi32, #tpu.memory_space<vmem>> -> memref<1x80xi32, #tpu.memory_space<vmem>>
            %dma_wait3A_145 = tpu.memref_squeeze %dma_wait3A_144 : memref<1x80xi32, #tpu.memory_space<vmem>> -> memref<80xi32, #tpu.memory_space<vmem>>
            %dma_wait3A_146 = arith.constant 0 : i32
            %dma_wait3A_147 = arith.constant 0 : i32
            %dma_wait3A_148 = tpu.memref_slice %arg12[%dma_wait3A_146, %dma_wait3A_147] : memref<10000x128xf32, #tpu.memory_space<vmem_shared>> -> memref<10000x128xf32, #tpu.memory_space<vmem_shared>>
            tpu.wait_indirect_dma semaphore(%arg18 : memref<!tpu.dma_semaphore, #tpu.memory_space<semaphore_mem>>) src(%arg11 : memref<80x128xf32, #tpu.memory_space<vmem>>) dst(%dma_wait3A_148 : memref<10000x128xf32, #tpu.memory_space<vmem_shared>>)
          } else {
          }
          %add3A_135 = arith.constant 1 : i32
          %add3A_136 = arith.addi %scan3A_57, %add3A_135 : i32
          %dma_start3A_137 = arith.constant 0 : i32
          %dma_start3A_138 = tpu.memref_slice %arg7[%add3A_136, %dma_start3A_137] : memref<125x80xi32, #tpu.memory_space<vmem>> -> memref<1x80xi32, #tpu.memory_space<vmem>>
          %dma_start3A_139 = tpu.memref_squeeze %dma_start3A_138 : memref<1x80xi32, #tpu.memory_space<vmem>> -> memref<80xi32, #tpu.memory_space<vmem>>
          %dma_start3A_140 = arith.constant 0 : i32
          %dma_start3A_141 = arith.constant 0 : i32
          %dma_start3A_142 = tpu.memref_slice %arg2[%dma_start3A_140, %dma_start3A_141] : memref<10000x128xf32, #tpu.memory_space<hbm>> -> memref<10000x128xf32, #tpu.memory_space<hbm>>
          tpu.enqueue_indirect_dma source(%dma_start3A_142 : memref<10000x128xf32, #tpu.memory_space<hbm>>) target(%arg11 : memref<80x128xf32, #tpu.memory_space<vmem>>) offsets(%dma_start3A_139 : memref<80xi32, #tpu.memory_space<vmem>>) semaphore(%arg15 : memref<!tpu.dma_semaphore, #tpu.memory_space<semaphore_mem>>)
        } else {
        }
      } else {
      }
      %jit3A_91 = arith.constant 3 : i32
      %eq3A_92 = arith.constant 0 : i32
      %eq3A_93 = arith.cmpi eq, %jit3A_91, %eq3A_92 : i32
      %jit3A_94 = arith.constant 1 : i32
      %select_n3A_95 = arith.select %eq3A_93, %jit3A_94, %jit3A_91 : i32
      %rem3A_96 = arith.remsi %scan3A_57, %select_n3A_95 : i32
      %ne3A_97 = arith.constant 0 : i32
      %ne3A_98 = arith.cmpi ne, %rem3A_96, %ne3A_97 : i32
      %lt3A_99 = arith.constant 0 : i32
      %lt3A_100 = arith.cmpi slt, %rem3A_96, %lt3A_99 : i32
      %lt3A_101 = arith.constant 0 : i32
      %lt3A_102 = arith.cmpi slt, %select_n3A_95, %lt3A_101 : i32
      %ne3A_103 = arith.xori %lt3A_100, %lt3A_102 : i1
      %and3A_104 = arith.andi %ne3A_103, %ne3A_98 : i1
      %add3A_105 = arith.addi %rem3A_96, %select_n3A_95 : i32
      %select_n3A_106 = arith.select %and3A_104, %add3A_105, %rem3A_96 : i32
      %eq3A_107 = arith.constant 2 : i32
      %eq3A_108 = arith.cmpi eq, %select_n3A_106, %eq3A_107 : i32
      %convert_element_type3A_109 = arith.extui %eq3A_108 : i1 to i32
      %cond3A_110 = arith.constant 0 : i32
      %cond3A_111 = arith.cmpi ne, %convert_element_type3A_109, %cond3A_110 : i32
      scf.if %cond3A_111 {
        %dma_wait3A_112 = arith.constant 0 : i32
        %dma_wait3A_113 = tpu.memref_slice %arg7[%scan3A_57, %dma_wait3A_112] : memref<125x80xi32, #tpu.memory_space<vmem>> -> memref<1x80xi32, #tpu.memory_space<vmem>>
        %dma_wait3A_114 = tpu.memref_squeeze %dma_wait3A_113 : memref<1x80xi32, #tpu.memory_space<vmem>> -> memref<80xi32, #tpu.memory_space<vmem>>
        %dma_wait3A_115 = arith.constant 0 : i32
        %dma_wait3A_116 = arith.constant 0 : i32
        %dma_wait3A_117 = tpu.memref_slice %arg2[%dma_wait3A_115, %dma_wait3A_116] : memref<10000x128xf32, #tpu.memory_space<hbm>> -> memref<10000x128xf32, #tpu.memory_space<hbm>>
        tpu.wait_indirect_dma semaphore(%arg15 : memref<!tpu.dma_semaphore, #tpu.memory_space<semaphore_mem>>) src(%dma_wait3A_117 : memref<10000x128xf32, #tpu.memory_space<hbm>>) dst(%arg11 : memref<80x128xf32, #tpu.memory_space<vmem>>)
        %dma_start3A_118 = arith.constant 0 : i32
        %dma_start3A_119 = tpu.memref_slice %arg8[%scan3A_57, %dma_start3A_118] : memref<125x80xi32, #tpu.memory_space<vmem>> -> memref<1x80xi32, #tpu.memory_space<vmem>>
        %dma_start3A_120 = tpu.memref_squeeze %dma_start3A_119 : memref<1x80xi32, #tpu.memory_space<vmem>> -> memref<80xi32, #tpu.memory_space<vmem>>
        %dma_start3A_121 = arith.constant 0 : i32
        %dma_start3A_122 = arith.constant 0 : i32
        %dma_start3A_123 = tpu.memref_slice %arg12[%dma_start3A_121, %dma_start3A_122] : memref<10000x128xf32, #tpu.memory_space<vmem_shared>> -> memref<10000x128xf32, #tpu.memory_space<vmem_shared>>
        tpu.enqueue_indirect_dma source(%arg11 : memref<80x128xf32, #tpu.memory_space<vmem>>) target(%dma_start3A_123 : memref<10000x128xf32, #tpu.memory_space<vmem_shared>>) offsets(%dma_start3A_120 : memref<80xi32, #tpu.memory_space<vmem>>) semaphore(%arg18 : memref<!tpu.dma_semaphore, #tpu.memory_space<semaphore_mem>>) {add = true}
        %add3A_124 = arith.constant 1 : i32
        %add3A_125 = arith.addi %scan3A_57, %add3A_124 : i32
        %lt3A_126 = arith.constant 125 : i32
        %lt3A_127 = arith.cmpi slt, %add3A_125, %lt3A_126 : i32
        %convert_element_type3A_128 = arith.extui %lt3A_127 : i1 to i32
        %cond3A_129 = arith.constant 0 : i32
        %cond3A_130 = arith.cmpi ne, %convert_element_type3A_128, %cond3A_129 : i32
        scf.if %cond3A_130 {
          %ge3A = arith.constant 2 : i32
          %ge3A_131 = arith.cmpi sge, %scan3A_57, %ge3A : i32
          %convert_element_type3A_132 = arith.extui %ge3A_131 : i1 to i32
          %cond3A_133 = arith.constant 0 : i32
          %cond3A_134 = arith.cmpi ne, %convert_element_type3A_132, %cond3A_133 : i32
          scf.if %cond3A_134 {
            %dma_wait3A_143 = arith.constant 0 : i32
            %dma_wait3A_144 = tpu.memref_slice %arg8[%scan3A_57, %dma_wait3A_143] : memref<125x80xi32, #tpu.memory_space<vmem>> -> memref<1x80xi32, #tpu.memory_space<vmem>>
            %dma_wait3A_145 = tpu.memref_squeeze %dma_wait3A_144 : memref<1x80xi32, #tpu.memory_space<vmem>> -> memref<80xi32, #tpu.memory_space<vmem>>
            %dma_wait3A_146 = arith.constant 0 : i32
            %dma_wait3A_147 = arith.constant 0 : i32
            %dma_wait3A_148 = tpu.memref_slice %arg12[%dma_wait3A_146, %dma_wait3A_147] : memref<10000x128xf32, #tpu.memory_space<vmem_shared>> -> memref<10000x128xf32, #tpu.memory_space<vmem_shared>>
            tpu.wait_indirect_dma semaphore(%arg16 : memref<!tpu.dma_semaphore, #tpu.memory_space<semaphore_mem>>) src(%arg9 : memref<80x128xf32, #tpu.memory_space<vmem>>) dst(%dma_wait3A_148 : memref<10000x128xf32, #tpu.memory_space<vmem_shared>>)
          } else {
          }
          %add3A_135 = arith.constant 1 : i32
          %add3A_136 = arith.addi %scan3A_57, %add3A_135 : i32
          %dma_start3A_137 = arith.constant 0 : i32
          %dma_start3A_138 = tpu.memref_slice %arg7[%add3A_136, %dma_start3A_137] : memref<125x80xi32, #tpu.memory_space<vmem>> -> memref<1x80xi32, #tpu.memory_space<vmem>>
          %dma_start3A_139 = tpu.memref_squeeze %dma_start3A_138 : memref<1x80xi32, #tpu.memory_space<vmem>> -> memref<80xi32, #tpu.memory_space<vmem>>
          %dma_start3A_140 = arith.constant 0 : i32
          %dma_start3A_141 = arith.constant 0 : i32
          %dma_start3A_142 = tpu.memref_slice %arg2[%dma_start3A_140, %dma_start3A_141] : memref<10000x128xf32, #tpu.memory_space<hbm>> -> memref<10000x128xf32, #tpu.memory_space<hbm>>
          tpu.enqueue_indirect_dma source(%dma_start3A_142 : memref<10000x128xf32, #tpu.memory_space<hbm>>) target(%arg9 : memref<80x128xf32, #tpu.memory_space<vmem>>) offsets(%dma_start3A_139 : memref<80xi32, #tpu.memory_space<vmem>>) semaphore(%arg13 : memref<!tpu.dma_semaphore, #tpu.memory_space<semaphore_mem>>)
        } else {
        }
      } else {
      }
    }
    %scan3A_34 = arith.constant 125 : i32
    %dma_wait3A_35 = arith.constant 0 : i32
    %dma_wait3A_36 = arith.constant 0 : i32
    %dma_wait3A_37 = tpu.memref_slice %arg8[%dma_wait3A_35, %dma_wait3A_36] : memref<125x80xi32, #tpu.memory_space<vmem>> -> memref<1x80xi32, #tpu.memory_space<vmem>>
    %dma_wait3A_38 = tpu.memref_squeeze %dma_wait3A_37 : memref<1x80xi32, #tpu.memory_space<vmem>> -> memref<80xi32, #tpu.memory_space<vmem>>
    %dma_wait3A_39 = arith.constant 0 : i32
    %dma_wait3A_40 = arith.constant 0 : i32
    %dma_wait3A_41 = tpu.memref_slice %arg12[%dma_wait3A_39, %dma_wait3A_40] : memref<10000x128xf32, #tpu.memory_space<vmem_shared>> -> memref<10000x128xf32, #tpu.memory_space<vmem_shared>>
    tpu.wait_indirect_dma semaphore(%arg16 : memref<!tpu.dma_semaphore, #tpu.memory_space<semaphore_mem>>) src(%arg9 : memref<80x128xf32, #tpu.memory_space<vmem>>) dst(%dma_wait3A_41 : memref<10000x128xf32, #tpu.memory_space<vmem_shared>>)
    %dma_wait3A_42 = arith.constant 0 : i32
    %dma_wait3A_43 = arith.constant 0 : i32
    %dma_wait3A_44 = tpu.memref_slice %arg8[%dma_wait3A_42, %dma_wait3A_43] : memref<125x80xi32, #tpu.memory_space<vmem>> -> memref<1x80xi32, #tpu.memory_space<vmem>>
    %dma_wait3A_45 = tpu.memref_squeeze %dma_wait3A_44 : memref<1x80xi32, #tpu.memory_space<vmem>> -> memref<80xi32, #tpu.memory_space<vmem>>
    %dma_wait3A_46 = arith.constant 0 : i32
    %dma_wait3A_47 = arith.constant 0 : i32
    %dma_wait3A_48 = tpu.memref_slice %arg12[%dma_wait3A_46, %dma_wait3A_47] : memref<10000x128xf32, #tpu.memory_space<vmem_shared>> -> memref<10000x128xf32, #tpu.memory_space<vmem_shared>>
    tpu.wait_indirect_dma semaphore(%arg17 : memref<!tpu.dma_semaphore, #tpu.memory_space<semaphore_mem>>) src(%arg10 : memref<80x128xf32, #tpu.memory_space<vmem>>) dst(%dma_wait3A_48 : memref<10000x128xf32, #tpu.memory_space<vmem_shared>>)
    %dma_wait3A_49 = arith.constant 0 : i32
    %dma_wait3A_50 = arith.constant 0 : i32
    %dma_wait3A_51 = tpu.memref_slice %arg8[%dma_wait3A_49, %dma_wait3A_50] : memref<125x80xi32, #tpu.memory_space<vmem>> -> memref<1x80xi32, #tpu.memory_space<vmem>>
    %dma_wait3A_52 = tpu.memref_squeeze %dma_wait3A_51 : memref<1x80xi32, #tpu.memory_space<vmem>> -> memref<80xi32, #tpu.memory_space<vmem>>
    %dma_wait3A_53 = arith.constant 0 : i32
    %dma_wait3A_54 = arith.constant 0 : i32
    %dma_wait3A_55 = tpu.memref_slice %arg12[%dma_wait3A_53, %dma_wait3A_54] : memref<10000x128xf32, #tpu.memory_space<vmem_shared>> -> memref<10000x128xf32, #tpu.memory_space<vmem_shared>>
    tpu.wait_indirect_dma semaphore(%arg18 : memref<!tpu.dma_semaphore, #tpu.memory_space<semaphore_mem>>) src(%arg11 : memref<80x128xf32, #tpu.memory_space<vmem>>) dst(%dma_wait3A_55 : memref<10000x128xf32, #tpu.memory_space<vmem_shared>>)
    %barrier3A_56 = arith.constant 0 : index
    tpu.barrier barrier_id(%barrier3A_56)
    "tpu.region"() ({
      %run_scoped3A = tpu.sem_alloc : memref<!tpu.dma_semaphore, #tpu.memory_space<semaphore_mem>>
      %dma_start3A_57 = arith.constant 0 : i32
      %dma_start3A_58 = tpu.memref_slice %arg6[%arg0, %mul3A_2, %dma_start3A_57] : memref<2x10000x128xf32, #tpu.memory_space<hbm>> -> memref<1x640x128xf32, #tpu.memory_space<hbm>>
      %dma_start3A_59 = tpu.memref_squeeze %dma_start3A_58 : memref<1x640x128xf32, #tpu.memory_space<hbm>> -> memref<640x128xf32, #tpu.memory_space<hbm>>
      %dma_start3A_60 = arith.constant 0 : i32
      %dma_start3A_61 = tpu.memref_slice %arg12[%mul3A_2, %dma_start3A_60] : memref<10000x128xf32, #tpu.memory_space<vmem_shared>> -> memref<640x128xf32, #tpu.memory_space<vmem_shared>>
      tpu.enqueue_dma source(%dma_start3A_61 : memref<640x128xf32, #tpu.memory_space<vmem_shared>>) target(%dma_start3A_59 : memref<640x128xf32, #tpu.memory_space<hbm>>) target_semaphore(%run_scoped3A : memref<!tpu.dma_semaphore, #tpu.memory_space<semaphore_mem>>)
      %dma_wait3A_62 = arith.constant 0 : i32
      %dma_wait3A_63 = tpu.memref_slice %arg6[%arg0, %mul3A_2, %dma_wait3A_62] : memref<2x10000x128xf32, #tpu.memory_space<hbm>> -> memref<1x640x128xf32, #tpu.memory_space<hbm>>
      %dma_wait3A_64 = tpu.memref_squeeze %dma_wait3A_63 : memref<1x640x128xf32, #tpu.memory_space<hbm>> -> memref<640x128xf32, #tpu.memory_space<hbm>>
      %dma_wait3A_65 = arith.constant 0 : i32
      %dma_wait3A_66 = tpu.memref_slice %arg12[%mul3A_2, %dma_wait3A_65] : memref<10000x128xf32, #tpu.memory_space<vmem_shared>> -> memref<640x128xf32, #tpu.memory_space<vmem_shared>>
      tpu.wait_dma2 semaphore(%run_scoped3A : memref<!tpu.dma_semaphore, #tpu.memory_space<semaphore_mem>>) src(%dma_wait3A_66 : memref<640x128xf32, #tpu.memory_space<vmem_shared>>) dst(%dma_wait3A_64 : memref<640x128xf32, #tpu.memory_space<hbm>>)
      tpu.yield
    }) : () -> ()
    return
  }
}

#map = affine_map<(d0, d1) -> (0, 0)>
#map1 = affine_map<(d0, d1) -> (0, 0, 0)>
module attributes {stable_mosaic.version = 14 : i64} {
  func.func @_sc_propagate(%arg0: i32, %arg1: i32, %arg2: memref<10000x128xf32, #tpu.memory_space<hbm>>, %arg3: memref<4000x80xi32, #tpu.memory_space<hbm>>, %arg4: memref<4000x80xi32, #tpu.memory_space<hbm>>, %arg5: memref<640x128xf32, #tpu.memory_space<hbm>>, %arg6: memref<2x10000x128xf32, #tpu.memory_space<hbm>>, %arg7: memref<125x80xi32, #tpu.memory_space<vmem>>, %arg8: memref<125x80xi32, #tpu.memory_space<vmem>>, %arg9: memref<80x128xf32, #tpu.memory_space<vmem>>, %arg10: memref<80x128xf32, #tpu.memory_space<vmem>>, %arg11: memref<80x128xf32, #tpu.memory_space<vmem>>, %arg12: memref<10000x128xf32, #tpu.memory_space<vmem_shared>>, %arg13: memref<!tpu.dma_semaphore, #tpu.memory_space<semaphore_mem>>, %arg14: memref<!tpu.dma_semaphore, #tpu.memory_space<semaphore_mem>>, %arg15: memref<!tpu.dma_semaphore, #tpu.memory_space<semaphore_mem>>, %arg16: memref<!tpu.dma_semaphore, #tpu.memory_space<semaphore_mem>>, %arg17: memref<!tpu.dma_semaphore, #tpu.memory_space<semaphore_mem>>, %arg18: memref<!tpu.dma_semaphore, #tpu.memory_space<semaphore_mem>>) attributes {dimension_semantics = [#tpu.dimension_semantics<core_parallel>, #tpu.dimension_semantics<subcore_parallel>], iteration_bounds = array<i64: 2, 16>, scalar_prefetch = 0 : i64, scratch_operands = 12 : i64, tpu.core_type = #tpu.core_type<sc_vector_subcore>, window_params = [{transform_indices = #map}, {transform_indices = #map}, {transform_indices = #map}, {transform_indices = #map}, {transform_indices = #map1}]} {
    %mul3A = arith.constant 16 : i32
    %mul3A_0 = arith.muli %arg0, %mul3A : i32
    %add3A = arith.addi %mul3A_0, %arg1 : i32
    %mul3A_1 = arith.constant 624 : i32
    %mul3A_2 = arith.muli %arg1, %mul3A_1 : i32
    %mul3A_3 = arith.constant 125 : i32
    %mul3A_4 = arith.muli %add3A, %mul3A_3 : i32
    %dma_start3A = arith.constant 0 : i32
    %dma_start3A_5 = tpu.memref_slice %arg3[%mul3A_4, %dma_start3A] : memref<4000x80xi32, #tpu.memory_space<hbm>> -> memref<125x80xi32, #tpu.memory_space<hbm>>
    %dma_start3A_6 = arith.constant 0 : i32
    %dma_start3A_7 = tpu.memref_slice %arg3[%mul3A_4, %dma_start3A_6] : memref<4000x80xi32, #tpu.memory_space<hbm>> -> memref<125x80xi32, #tpu.memory_space<hbm>>
    tpu.enqueue_dma source(%dma_start3A_7 : memref<125x80xi32, #tpu.memory_space<hbm>>) target(%arg7 : memref<125x80xi32, #tpu.memory_space<vmem>>) target_semaphore(%arg13 : memref<!tpu.dma_semaphore, #tpu.memory_space<semaphore_mem>>)
    %dma_start3A_8 = arith.constant 0 : i32
    %dma_start3A_9 = tpu.memref_slice %arg4[%mul3A_4, %dma_start3A_8] : memref<4000x80xi32, #tpu.memory_space<hbm>> -> memref<125x80xi32, #tpu.memory_space<hbm>>
    %dma_start3A_10 = arith.constant 0 : i32
    %dma_start3A_11 = tpu.memref_slice %arg4[%mul3A_4, %dma_start3A_10] : memref<4000x80xi32, #tpu.memory_space<hbm>> -> memref<125x80xi32, #tpu.memory_space<hbm>>
    tpu.enqueue_dma source(%dma_start3A_11 : memref<125x80xi32, #tpu.memory_space<hbm>>) target(%arg8 : memref<125x80xi32, #tpu.memory_space<vmem>>) target_semaphore(%arg14 : memref<!tpu.dma_semaphore, #tpu.memory_space<semaphore_mem>>)
    %dma_start3A_12 = arith.constant 0 : i32
    %dma_start3A_13 = tpu.memref_slice %arg12[%mul3A_2, %dma_start3A_12] : memref<10000x128xf32, #tpu.memory_space<vmem_shared>> -> memref<640x128xf32, #tpu.memory_space<vmem_shared>>
    tpu.enqueue_dma source(%arg5 : memref<640x128xf32, #tpu.memory_space<hbm>>) target(%dma_start3A_13 : memref<640x128xf32, #tpu.memory_space<vmem_shared>>) target_semaphore(%arg16 : memref<!tpu.dma_semaphore, #tpu.memory_space<semaphore_mem>>)
    %dma_wait3A = arith.constant 0 : i32
    %dma_wait3A_14 = tpu.memref_slice %arg3[%mul3A_4, %dma_wait3A] : memref<4000x80xi32, #tpu.memory_space<hbm>> -> memref<125x80xi32, #tpu.memory_space<hbm>>
    %dma_wait3A_15 = arith.constant 0 : i32
    %dma_wait3A_16 = tpu.memref_slice %arg3[%mul3A_4, %dma_wait3A_15] : memref<4000x80xi32, #tpu.memory_space<hbm>> -> memref<125x80xi32, #tpu.memory_space<hbm>>
    tpu.wait_dma2 semaphore(%arg13 : memref<!tpu.dma_semaphore, #tpu.memory_space<semaphore_mem>>) src(%dma_wait3A_16 : memref<125x80xi32, #tpu.memory_space<hbm>>) dst(%arg7 : memref<125x80xi32, #tpu.memory_space<vmem>>)
    %dma_start3A_17 = arith.constant 0 : i32
    %dma_start3A_18 = arith.constant 0 : i32
    %dma_start3A_19 = tpu.memref_slice %arg7[%dma_start3A_17, %dma_start3A_18] : memref<125x80xi32, #tpu.memory_space<vmem>> -> memref<1x80xi32, #tpu.memory_space<vmem>>
    %dma_start3A_20 = tpu.memref_squeeze %dma_start3A_19 : memref<1x80xi32, #tpu.memory_space<vmem>> -> memref<80xi32, #tpu.memory_space<vmem>>
    %dma_start3A_21 = arith.constant 0 : i32
    %dma_start3A_22 = arith.constant 0 : i32
    %dma_start3A_23 = tpu.memref_slice %arg2[%dma_start3A_21, %dma_start3A_22] : memref<10000x128xf32, #tpu.memory_space<hbm>> -> memref<10000x128xf32, #tpu.memory_space<hbm>>
    tpu.enqueue_indirect_dma source(%dma_start3A_23 : memref<10000x128xf32, #tpu.memory_space<hbm>>) target(%arg9 : memref<80x128xf32, #tpu.memory_space<vmem>>) offsets(%dma_start3A_20 : memref<80xi32, #tpu.memory_space<vmem>>) semaphore(%arg13 : memref<!tpu.dma_semaphore, #tpu.memory_space<semaphore_mem>>)
    %dma_wait3A_24 = arith.constant 0 : i32
    %dma_wait3A_25 = tpu.memref_slice %arg4[%mul3A_4, %dma_wait3A_24] : memref<4000x80xi32, #tpu.memory_space<hbm>> -> memref<125x80xi32, #tpu.memory_space<hbm>>
    %dma_wait3A_26 = arith.constant 0 : i32
    %dma_wait3A_27 = tpu.memref_slice %arg4[%mul3A_4, %dma_wait3A_26] : memref<4000x80xi32, #tpu.memory_space<hbm>> -> memref<125x80xi32, #tpu.memory_space<hbm>>
    tpu.wait_dma2 semaphore(%arg14 : memref<!tpu.dma_semaphore, #tpu.memory_space<semaphore_mem>>) src(%dma_wait3A_27 : memref<125x80xi32, #tpu.memory_space<hbm>>) dst(%arg8 : memref<125x80xi32, #tpu.memory_space<vmem>>)
    %dma_wait3A_28 = arith.constant 0 : i32
    %dma_wait3A_29 = tpu.memref_slice %arg12[%mul3A_2, %dma_wait3A_28] : memref<10000x128xf32, #tpu.memory_space<vmem_shared>> -> memref<640x128xf32, #tpu.memory_space<vmem_shared>>
    tpu.wait_dma2 semaphore(%arg16 : memref<!tpu.dma_semaphore, #tpu.memory_space<semaphore_mem>>) src(%arg5 : memref<640x128xf32, #tpu.memory_space<hbm>>) dst(%dma_wait3A_29 : memref<640x128xf32, #tpu.memory_space<vmem_shared>>)
    %barrier3A = arith.constant 0 : index
    tpu.barrier barrier_id(%barrier3A)
    %scan3A = arith.constant 0 : i32
    %scan3A_30 = arith.constant 0 : i32
    %scan3A_31 = arith.constant 125 : i32
    %scan3A_32 = arith.addi %scan3A_30, %scan3A_31 : i32
    %scan3A_33 = arith.constant 1 : i32
    scf.for %scan3A_57 = %scan3A_30 to %scan3A_32 step %scan3A_33  : i32 {
      %jit3A = arith.constant 3 : i32
      %eq3A = arith.constant 0 : i32
      %eq3A_58 = arith.cmpi eq, %jit3A, %eq3A : i32
      %jit3A_59 = arith.constant 1 : i32
      %select_n3A = arith.select %eq3A_58, %jit3A_59, %jit3A : i32
      %rem3A = arith.remsi %scan3A_57, %select_n3A : i32
      %ne3A = arith.constant 0 : i32
      %ne3A_60 = arith.cmpi ne, %rem3A, %ne3A : i32
      %lt3A = arith.constant 0 : i32
      %lt3A_61 = arith.cmpi slt, %rem3A, %lt3A : i32
      %lt3A_62 = arith.constant 0 : i32
      %lt3A_63 = arith.cmpi slt, %select_n3A, %lt3A_62 : i32
      %ne3A_64 = arith.xori %lt3A_61, %lt3A_63 : i1
      %and3A = arith.andi %ne3A_64, %ne3A_60 : i1
      %add3A_65 = arith.addi %rem3A, %select_n3A : i32
      %select_n3A_66 = arith.select %and3A, %add3A_65, %rem3A : i32
      %eq3A_67 = arith.constant 0 : i32
      %eq3A_68 = arith.cmpi eq, %select_n3A_66, %eq3A_67 : i32
      %convert_element_type3A = arith.extui %eq3A_68 : i1 to i32
      %cond3A = arith.constant 0 : i32
      %cond3A_69 = arith.cmpi ne, %convert_element_type3A, %cond3A : i32
      scf.if %cond3A_69 {
        %dma_wait3A_112 = arith.constant 0 : i32
        %dma_wait3A_113 = tpu.memref_slice %arg7[%scan3A_57, %dma_wait3A_112] : memref<125x80xi32, #tpu.memory_space<vmem>> -> memref<1x80xi32, #tpu.memory_space<vmem>>
        %dma_wait3A_114 = tpu.memref_squeeze %dma_wait3A_113 : memref<1x80xi32, #tpu.memory_space<vmem>> -> memref<80xi32, #tpu.memory_space<vmem>>
        %dma_wait3A_115 = arith.constant 0 : i32
        %dma_wait3A_116 = arith.constant 0 : i32
        %dma_wait3A_117 = tpu.memref_slice %arg2[%dma_wait3A_115, %dma_wait3A_116] : memref<10000x128xf32, #tpu.memory_space<hbm>> -> memref<10000x128xf32, #tpu.memory_space<hbm>>
        tpu.wait_indirect_dma semaphore(%arg13 : memref<!tpu.dma_semaphore, #tpu.memory_space<semaphore_mem>>) src(%dma_wait3A_117 : memref<10000x128xf32, #tpu.memory_space<hbm>>) dst(%arg9 : memref<80x128xf32, #tpu.memory_space<vmem>>)
        %dma_start3A_118 = arith.constant 0 : i32
        %dma_start3A_119 = tpu.memref_slice %arg8[%scan3A_57, %dma_start3A_118] : memref<125x80xi32, #tpu.memory_space<vmem>> -> memref<1x80xi32, #tpu.memory_space<vmem>>
        %dma_start3A_120 = tpu.memref_squeeze %dma_start3A_119 : memref<1x80xi32, #tpu.memory_space<vmem>> -> memref<80xi32, #tpu.memory_space<vmem>>
        %dma_start3A_121 = arith.constant 0 : i32
        %dma_start3A_122 = arith.constant 0 : i32
        %dma_start3A_123 = tpu.memref_slice %arg12[%dma_start3A_121, %dma_start3A_122] : memref<10000x128xf32, #tpu.memory_space<vmem_shared>> -> memref<10000x128xf32, #tpu.memory_space<vmem_shared>>
        tpu.enqueue_indirect_dma source(%arg9 : memref<80x128xf32, #tpu.memory_space<vmem>>) target(%dma_start3A_123 : memref<10000x128xf32, #tpu.memory_space<vmem_shared>>) offsets(%dma_start3A_120 : memref<80xi32, #tpu.memory_space<vmem>>) semaphore(%arg16 : memref<!tpu.dma_semaphore, #tpu.memory_space<semaphore_mem>>) {add = true}
        %add3A_124 = arith.constant 1 : i32
        %add3A_125 = arith.addi %scan3A_57, %add3A_124 : i32
        %lt3A_126 = arith.constant 125 : i32
        %lt3A_127 = arith.cmpi slt, %add3A_125, %lt3A_126 : i32
        %convert_element_type3A_128 = arith.extui %lt3A_127 : i1 to i32
        %cond3A_129 = arith.constant 0 : i32
        %cond3A_130 = arith.cmpi ne, %convert_element_type3A_128, %cond3A_129 : i32
        scf.if %cond3A_130 {
          %ge3A = arith.constant 2 : i32
          %ge3A_131 = arith.cmpi sge, %scan3A_57, %ge3A : i32
          %convert_element_type3A_132 = arith.extui %ge3A_131 : i1 to i32
          %cond3A_133 = arith.constant 0 : i32
          %cond3A_134 = arith.cmpi ne, %convert_element_type3A_132, %cond3A_133 : i32
          scf.if %cond3A_134 {
            %dma_wait3A_143 = arith.constant 0 : i32
            %dma_wait3A_144 = tpu.memref_slice %arg8[%scan3A_57, %dma_wait3A_143] : memref<125x80xi32, #tpu.memory_space<vmem>> -> memref<1x80xi32, #tpu.memory_space<vmem>>
            %dma_wait3A_145 = tpu.memref_squeeze %dma_wait3A_144 : memref<1x80xi32, #tpu.memory_space<vmem>> -> memref<80xi32, #tpu.memory_space<vmem>>
            %dma_wait3A_146 = arith.constant 0 : i32
            %dma_wait3A_147 = arith.constant 0 : i32
            %dma_wait3A_148 = tpu.memref_slice %arg12[%dma_wait3A_146, %dma_wait3A_147] : memref<10000x128xf32, #tpu.memory_space<vmem_shared>> -> memref<10000x128xf32, #tpu.memory_space<vmem_shared>>
            tpu.wait_indirect_dma semaphore(%arg17 : memref<!tpu.dma_semaphore, #tpu.memory_space<semaphore_mem>>) src(%arg10 : memref<80x128xf32, #tpu.memory_space<vmem>>) dst(%dma_wait3A_148 : memref<10000x128xf32, #tpu.memory_space<vmem_shared>>)
          } else {
          }
          %add3A_135 = arith.constant 1 : i32
          %add3A_136 = arith.addi %scan3A_57, %add3A_135 : i32
          %dma_start3A_137 = arith.constant 0 : i32
          %dma_start3A_138 = tpu.memref_slice %arg7[%add3A_136, %dma_start3A_137] : memref<125x80xi32, #tpu.memory_space<vmem>> -> memref<1x80xi32, #tpu.memory_space<vmem>>
          %dma_start3A_139 = tpu.memref_squeeze %dma_start3A_138 : memref<1x80xi32, #tpu.memory_space<vmem>> -> memref<80xi32, #tpu.memory_space<vmem>>
          %dma_start3A_140 = arith.constant 0 : i32
          %dma_start3A_141 = arith.constant 0 : i32
          %dma_start3A_142 = tpu.memref_slice %arg2[%dma_start3A_140, %dma_start3A_141] : memref<10000x128xf32, #tpu.memory_space<hbm>> -> memref<10000x128xf32, #tpu.memory_space<hbm>>
          tpu.enqueue_indirect_dma source(%dma_start3A_142 : memref<10000x128xf32, #tpu.memory_space<hbm>>) target(%arg10 : memref<80x128xf32, #tpu.memory_space<vmem>>) offsets(%dma_start3A_139 : memref<80xi32, #tpu.memory_space<vmem>>) semaphore(%arg14 : memref<!tpu.dma_semaphore, #tpu.memory_space<semaphore_mem>>)
        } else {
        }
      } else {
      }
      %jit3A_70 = arith.constant 3 : i32
      %eq3A_71 = arith.constant 0 : i32
      %eq3A_72 = arith.cmpi eq, %jit3A_70, %eq3A_71 : i32
      %jit3A_73 = arith.constant 1 : i32
      %select_n3A_74 = arith.select %eq3A_72, %jit3A_73, %jit3A_70 : i32
      %rem3A_75 = arith.remsi %scan3A_57, %select_n3A_74 : i32
      %ne3A_76 = arith.constant 0 : i32
      %ne3A_77 = arith.cmpi ne, %rem3A_75, %ne3A_76 : i32
      %lt3A_78 = arith.constant 0 : i32
      %lt3A_79 = arith.cmpi slt, %rem3A_75, %lt3A_78 : i32
      %lt3A_80 = arith.constant 0 : i32
      %lt3A_81 = arith.cmpi slt, %select_n3A_74, %lt3A_80 : i32
      %ne3A_82 = arith.xori %lt3A_79, %lt3A_81 : i1
      %and3A_83 = arith.andi %ne3A_82, %ne3A_77 : i1
      %add3A_84 = arith.addi %rem3A_75, %select_n3A_74 : i32
      %select_n3A_85 = arith.select %and3A_83, %add3A_84, %rem3A_75 : i32
      %eq3A_86 = arith.constant 1 : i32
      %eq3A_87 = arith.cmpi eq, %select_n3A_85, %eq3A_86 : i32
      %convert_element_type3A_88 = arith.extui %eq3A_87 : i1 to i32
      %cond3A_89 = arith.constant 0 : i32
      %cond3A_90 = arith.cmpi ne, %convert_element_type3A_88, %cond3A_89 : i32
      scf.if %cond3A_90 {
        %dma_wait3A_112 = arith.constant 0 : i32
        %dma_wait3A_113 = tpu.memref_slice %arg7[%scan3A_57, %dma_wait3A_112] : memref<125x80xi32, #tpu.memory_space<vmem>> -> memref<1x80xi32, #tpu.memory_space<vmem>>
        %dma_wait3A_114 = tpu.memref_squeeze %dma_wait3A_113 : memref<1x80xi32, #tpu.memory_space<vmem>> -> memref<80xi32, #tpu.memory_space<vmem>>
        %dma_wait3A_115 = arith.constant 0 : i32
        %dma_wait3A_116 = arith.constant 0 : i32
        %dma_wait3A_117 = tpu.memref_slice %arg2[%dma_wait3A_115, %dma_wait3A_116] : memref<10000x128xf32, #tpu.memory_space<hbm>> -> memref<10000x128xf32, #tpu.memory_space<hbm>>
        tpu.wait_indirect_dma semaphore(%arg14 : memref<!tpu.dma_semaphore, #tpu.memory_space<semaphore_mem>>) src(%dma_wait3A_117 : memref<10000x128xf32, #tpu.memory_space<hbm>>) dst(%arg10 : memref<80x128xf32, #tpu.memory_space<vmem>>)
        %dma_start3A_118 = arith.constant 0 : i32
        %dma_start3A_119 = tpu.memref_slice %arg8[%scan3A_57, %dma_start3A_118] : memref<125x80xi32, #tpu.memory_space<vmem>> -> memref<1x80xi32, #tpu.memory_space<vmem>>
        %dma_start3A_120 = tpu.memref_squeeze %dma_start3A_119 : memref<1x80xi32, #tpu.memory_space<vmem>> -> memref<80xi32, #tpu.memory_space<vmem>>
        %dma_start3A_121 = arith.constant 0 : i32
        %dma_start3A_122 = arith.constant 0 : i32
        %dma_start3A_123 = tpu.memref_slice %arg12[%dma_start3A_121, %dma_start3A_122] : memref<10000x128xf32, #tpu.memory_space<vmem_shared>> -> memref<10000x128xf32, #tpu.memory_space<vmem_shared>>
        tpu.enqueue_indirect_dma source(%arg10 : memref<80x128xf32, #tpu.memory_space<vmem>>) target(%dma_start3A_123 : memref<10000x128xf32, #tpu.memory_space<vmem_shared>>) offsets(%dma_start3A_120 : memref<80xi32, #tpu.memory_space<vmem>>) semaphore(%arg17 : memref<!tpu.dma_semaphore, #tpu.memory_space<semaphore_mem>>) {add = true}
        %add3A_124 = arith.constant 1 : i32
        %add3A_125 = arith.addi %scan3A_57, %add3A_124 : i32
        %lt3A_126 = arith.constant 125 : i32
        %lt3A_127 = arith.cmpi slt, %add3A_125, %lt3A_126 : i32
        %convert_element_type3A_128 = arith.extui %lt3A_127 : i1 to i32
        %cond3A_129 = arith.constant 0 : i32
        %cond3A_130 = arith.cmpi ne, %convert_element_type3A_128, %cond3A_129 : i32
        scf.if %cond3A_130 {
          %ge3A = arith.constant 2 : i32
          %ge3A_131 = arith.cmpi sge, %scan3A_57, %ge3A : i32
          %convert_element_type3A_132 = arith.extui %ge3A_131 : i1 to i32
          %cond3A_133 = arith.constant 0 : i32
          %cond3A_134 = arith.cmpi ne, %convert_element_type3A_132, %cond3A_133 : i32
          scf.if %cond3A_134 {
            %dma_wait3A_143 = arith.constant 0 : i32
            %dma_wait3A_144 = tpu.memref_slice %arg8[%scan3A_57, %dma_wait3A_143] : memref<125x80xi32, #tpu.memory_space<vmem>> -> memref<1x80xi32, #tpu.memory_space<vmem>>
            %dma_wait3A_145 = tpu.memref_squeeze %dma_wait3A_144 : memref<1x80xi32, #tpu.memory_space<vmem>> -> memref<80xi32, #tpu.memory_space<vmem>>
            %dma_wait3A_146 = arith.constant 0 : i32
            %dma_wait3A_147 = arith.constant 0 : i32
            %dma_wait3A_148 = tpu.memref_slice %arg12[%dma_wait3A_146, %dma_wait3A_147] : memref<10000x128xf32, #tpu.memory_space<vmem_shared>> -> memref<10000x128xf32, #tpu.memory_space<vmem_shared>>
            tpu.wait_indirect_dma semaphore(%arg18 : memref<!tpu.dma_semaphore, #tpu.memory_space<semaphore_mem>>) src(%arg11 : memref<80x128xf32, #tpu.memory_space<vmem>>) dst(%dma_wait3A_148 : memref<10000x128xf32, #tpu.memory_space<vmem_shared>>)
          } else {
          }
          %add3A_135 = arith.constant 1 : i32
          %add3A_136 = arith.addi %scan3A_57, %add3A_135 : i32
          %dma_start3A_137 = arith.constant 0 : i32
          %dma_start3A_138 = tpu.memref_slice %arg7[%add3A_136, %dma_start3A_137] : memref<125x80xi32, #tpu.memory_space<vmem>> -> memref<1x80xi32, #tpu.memory_space<vmem>>
          %dma_start3A_139 = tpu.memref_squeeze %dma_start3A_138 : memref<1x80xi32, #tpu.memory_space<vmem>> -> memref<80xi32, #tpu.memory_space<vmem>>
          %dma_start3A_140 = arith.constant 0 : i32
          %dma_start3A_141 = arith.constant 0 : i32
          %dma_start3A_142 = tpu.memref_slice %arg2[%dma_start3A_140, %dma_start3A_141] : memref<10000x128xf32, #tpu.memory_space<hbm>> -> memref<10000x128xf32, #tpu.memory_space<hbm>>
          tpu.enqueue_indirect_dma source(%dma_start3A_142 : memref<10000x128xf32, #tpu.memory_space<hbm>>) target(%arg11 : memref<80x128xf32, #tpu.memory_space<vmem>>) offsets(%dma_start3A_139 : memref<80xi32, #tpu.memory_space<vmem>>) semaphore(%arg15 : memref<!tpu.dma_semaphore, #tpu.memory_space<semaphore_mem>>)
        } else {
        }
      } else {
      }
      %jit3A_91 = arith.constant 3 : i32
      %eq3A_92 = arith.constant 0 : i32
      %eq3A_93 = arith.cmpi eq, %jit3A_91, %eq3A_92 : i32
      %jit3A_94 = arith.constant 1 : i32
      %select_n3A_95 = arith.select %eq3A_93, %jit3A_94, %jit3A_91 : i32
      %rem3A_96 = arith.remsi %scan3A_57, %select_n3A_95 : i32
      %ne3A_97 = arith.constant 0 : i32
      %ne3A_98 = arith.cmpi ne, %rem3A_96, %ne3A_97 : i32
      %lt3A_99 = arith.constant 0 : i32
      %lt3A_100 = arith.cmpi slt, %rem3A_96, %lt3A_99 : i32
      %lt3A_101 = arith.constant 0 : i32
      %lt3A_102 = arith.cmpi slt, %select_n3A_95, %lt3A_101 : i32
      %ne3A_103 = arith.xori %lt3A_100, %lt3A_102 : i1
      %and3A_104 = arith.andi %ne3A_103, %ne3A_98 : i1
      %add3A_105 = arith.addi %rem3A_96, %select_n3A_95 : i32
      %select_n3A_106 = arith.select %and3A_104, %add3A_105, %rem3A_96 : i32
      %eq3A_107 = arith.constant 2 : i32
      %eq3A_108 = arith.cmpi eq, %select_n3A_106, %eq3A_107 : i32
      %convert_element_type3A_109 = arith.extui %eq3A_108 : i1 to i32
      %cond3A_110 = arith.constant 0 : i32
      %cond3A_111 = arith.cmpi ne, %convert_element_type3A_109, %cond3A_110 : i32
      scf.if %cond3A_111 {
        %dma_wait3A_112 = arith.constant 0 : i32
        %dma_wait3A_113 = tpu.memref_slice %arg7[%scan3A_57, %dma_wait3A_112] : memref<125x80xi32, #tpu.memory_space<vmem>> -> memref<1x80xi32, #tpu.memory_space<vmem>>
        %dma_wait3A_114 = tpu.memref_squeeze %dma_wait3A_113 : memref<1x80xi32, #tpu.memory_space<vmem>> -> memref<80xi32, #tpu.memory_space<vmem>>
        %dma_wait3A_115 = arith.constant 0 : i32
        %dma_wait3A_116 = arith.constant 0 : i32
        %dma_wait3A_117 = tpu.memref_slice %arg2[%dma_wait3A_115, %dma_wait3A_116] : memref<10000x128xf32, #tpu.memory_space<hbm>> -> memref<10000x128xf32, #tpu.memory_space<hbm>>
        tpu.wait_indirect_dma semaphore(%arg15 : memref<!tpu.dma_semaphore, #tpu.memory_space<semaphore_mem>>) src(%dma_wait3A_117 : memref<10000x128xf32, #tpu.memory_space<hbm>>) dst(%arg11 : memref<80x128xf32, #tpu.memory_space<vmem>>)
        %dma_start3A_118 = arith.constant 0 : i32
        %dma_start3A_119 = tpu.memref_slice %arg8[%scan3A_57, %dma_start3A_118] : memref<125x80xi32, #tpu.memory_space<vmem>> -> memref<1x80xi32, #tpu.memory_space<vmem>>
        %dma_start3A_120 = tpu.memref_squeeze %dma_start3A_119 : memref<1x80xi32, #tpu.memory_space<vmem>> -> memref<80xi32, #tpu.memory_space<vmem>>
        %dma_start3A_121 = arith.constant 0 : i32
        %dma_start3A_122 = arith.constant 0 : i32
        %dma_start3A_123 = tpu.memref_slice %arg12[%dma_start3A_121, %dma_start3A_122] : memref<10000x128xf32, #tpu.memory_space<vmem_shared>> -> memref<10000x128xf32, #tpu.memory_space<vmem_shared>>
        tpu.enqueue_indirect_dma source(%arg11 : memref<80x128xf32, #tpu.memory_space<vmem>>) target(%dma_start3A_123 : memref<10000x128xf32, #tpu.memory_space<vmem_shared>>) offsets(%dma_start3A_120 : memref<80xi32, #tpu.memory_space<vmem>>) semaphore(%arg18 : memref<!tpu.dma_semaphore, #tpu.memory_space<semaphore_mem>>) {add = true}
        %add3A_124 = arith.constant 1 : i32
        %add3A_125 = arith.addi %scan3A_57, %add3A_124 : i32
        %lt3A_126 = arith.constant 125 : i32
        %lt3A_127 = arith.cmpi slt, %add3A_125, %lt3A_126 : i32
        %convert_element_type3A_128 = arith.extui %lt3A_127 : i1 to i32
        %cond3A_129 = arith.constant 0 : i32
        %cond3A_130 = arith.cmpi ne, %convert_element_type3A_128, %cond3A_129 : i32
        scf.if %cond3A_130 {
          %ge3A = arith.constant 2 : i32
          %ge3A_131 = arith.cmpi sge, %scan3A_57, %ge3A : i32
          %convert_element_type3A_132 = arith.extui %ge3A_131 : i1 to i32
          %cond3A_133 = arith.constant 0 : i32
          %cond3A_134 = arith.cmpi ne, %convert_element_type3A_132, %cond3A_133 : i32
          scf.if %cond3A_134 {
            %dma_wait3A_143 = arith.constant 0 : i32
            %dma_wait3A_144 = tpu.memref_slice %arg8[%scan3A_57, %dma_wait3A_143] : memref<125x80xi32, #tpu.memory_space<vmem>> -> memref<1x80xi32, #tpu.memory_space<vmem>>
            %dma_wait3A_145 = tpu.memref_squeeze %dma_wait3A_144 : memref<1x80xi32, #tpu.memory_space<vmem>> -> memref<80xi32, #tpu.memory_space<vmem>>
            %dma_wait3A_146 = arith.constant 0 : i32
            %dma_wait3A_147 = arith.constant 0 : i32
            %dma_wait3A_148 = tpu.memref_slice %arg12[%dma_wait3A_146, %dma_wait3A_147] : memref<10000x128xf32, #tpu.memory_space<vmem_shared>> -> memref<10000x128xf32, #tpu.memory_space<vmem_shared>>
            tpu.wait_indirect_dma semaphore(%arg16 : memref<!tpu.dma_semaphore, #tpu.memory_space<semaphore_mem>>) src(%arg9 : memref<80x128xf32, #tpu.memory_space<vmem>>) dst(%dma_wait3A_148 : memref<10000x128xf32, #tpu.memory_space<vmem_shared>>)
          } else {
          }
          %add3A_135 = arith.constant 1 : i32
          %add3A_136 = arith.addi %scan3A_57, %add3A_135 : i32
          %dma_start3A_137 = arith.constant 0 : i32
          %dma_start3A_138 = tpu.memref_slice %arg7[%add3A_136, %dma_start3A_137] : memref<125x80xi32, #tpu.memory_space<vmem>> -> memref<1x80xi32, #tpu.memory_space<vmem>>
          %dma_start3A_139 = tpu.memref_squeeze %dma_start3A_138 : memref<1x80xi32, #tpu.memory_space<vmem>> -> memref<80xi32, #tpu.memory_space<vmem>>
          %dma_start3A_140 = arith.constant 0 : i32
          %dma_start3A_141 = arith.constant 0 : i32
          %dma_start3A_142 = tpu.memref_slice %arg2[%dma_start3A_140, %dma_start3A_141] : memref<10000x128xf32, #tpu.memory_space<hbm>> -> memref<10000x128xf32, #tpu.memory_space<hbm>>
          tpu.enqueue_indirect_dma source(%dma_start3A_142 : memref<10000x128xf32, #tpu.memory_space<hbm>>) target(%arg9 : memref<80x128xf32, #tpu.memory_space<vmem>>) offsets(%dma_start3A_139 : memref<80xi32, #tpu.memory_space<vmem>>) semaphore(%arg13 : memref<!tpu.dma_semaphore, #tpu.memory_space<semaphore_mem>>)
        } else {
        }
      } else {
      }
    }
    %scan3A_34 = arith.constant 125 : i32
    %dma_wait3A_35 = arith.constant 0 : i32
    %dma_wait3A_36 = arith.constant 0 : i32
    %dma_wait3A_37 = tpu.memref_slice %arg8[%dma_wait3A_35, %dma_wait3A_36] : memref<125x80xi32, #tpu.memory_space<vmem>> -> memref<1x80xi32, #tpu.memory_space<vmem>>
    %dma_wait3A_38 = tpu.memref_squeeze %dma_wait3A_37 : memref<1x80xi32, #tpu.memory_space<vmem>> -> memref<80xi32, #tpu.memory_space<vmem>>
    %dma_wait3A_39 = arith.constant 0 : i32
    %dma_wait3A_40 = arith.constant 0 : i32
    %dma_wait3A_41 = tpu.memref_slice %arg12[%dma_wait3A_39, %dma_wait3A_40] : memref<10000x128xf32, #tpu.memory_space<vmem_shared>> -> memref<10000x128xf32, #tpu.memory_space<vmem_shared>>
    tpu.wait_indirect_dma semaphore(%arg16 : memref<!tpu.dma_semaphore, #tpu.memory_space<semaphore_mem>>) src(%arg9 : memref<80x128xf32, #tpu.memory_space<vmem>>) dst(%dma_wait3A_41 : memref<10000x128xf32, #tpu.memory_space<vmem_shared>>)
    %dma_wait3A_42 = arith.constant 0 : i32
    %dma_wait3A_43 = arith.constant 0 : i32
    %dma_wait3A_44 = tpu.memref_slice %arg8[%dma_wait3A_42, %dma_wait3A_43] : memref<125x80xi32, #tpu.memory_space<vmem>> -> memref<1x80xi32, #tpu.memory_space<vmem>>
    %dma_wait3A_45 = tpu.memref_squeeze %dma_wait3A_44 : memref<1x80xi32, #tpu.memory_space<vmem>> -> memref<80xi32, #tpu.memory_space<vmem>>
    %dma_wait3A_46 = arith.constant 0 : i32
    %dma_wait3A_47 = arith.constant 0 : i32
    %dma_wait3A_48 = tpu.memref_slice %arg12[%dma_wait3A_46, %dma_wait3A_47] : memref<10000x128xf32, #tpu.memory_space<vmem_shared>> -> memref<10000x128xf32, #tpu.memory_space<vmem_shared>>
    tpu.wait_indirect_dma semaphore(%arg17 : memref<!tpu.dma_semaphore, #tpu.memory_space<semaphore_mem>>) src(%arg10 : memref<80x128xf32, #tpu.memory_space<vmem>>) dst(%dma_wait3A_48 : memref<10000x128xf32, #tpu.memory_space<vmem_shared>>)
    %dma_wait3A_49 = arith.constant 0 : i32
    %dma_wait3A_50 = arith.constant 0 : i32
    %dma_wait3A_51 = tpu.memref_slice %arg8[%dma_wait3A_49, %dma_wait3A_50] : memref<125x80xi32, #tpu.memory_space<vmem>> -> memref<1x80xi32, #tpu.memory_space<vmem>>
    %dma_wait3A_52 = tpu.memref_squeeze %dma_wait3A_51 : memref<1x80xi32, #tpu.memory_space<vmem>> -> memref<80xi32, #tpu.memory_space<vmem>>
    %dma_wait3A_53 = arith.constant 0 : i32
    %dma_wait3A_54 = arith.constant 0 : i32
    %dma_wait3A_55 = tpu.memref_slice %arg12[%dma_wait3A_53, %dma_wait3A_54] : memref<10000x128xf32, #tpu.memory_space<vmem_shared>> -> memref<10000x128xf32, #tpu.memory_space<vmem_shared>>
    tpu.wait_indirect_dma semaphore(%arg18 : memref<!tpu.dma_semaphore, #tpu.memory_space<semaphore_mem>>) src(%arg11 : memref<80x128xf32, #tpu.memory_space<vmem>>) dst(%dma_wait3A_55 : memref<10000x128xf32, #tpu.memory_space<vmem_shared>>)
    %barrier3A_56 = arith.constant 0 : index
    tpu.barrier barrier_id(%barrier3A_56)
    "tpu.region"() ({
      %run_scoped3A = tpu.sem_alloc : memref<!tpu.dma_semaphore, #tpu.memory_space<semaphore_mem>>
      %dma_start3A_57 = arith.constant 0 : i32
      %dma_start3A_58 = tpu.memref_slice %arg6[%arg0, %mul3A_2, %dma_start3A_57] : memref<2x10000x128xf32, #tpu.memory_space<hbm>> -> memref<1x640x128xf32, #tpu.memory_space<hbm>>
      %dma_start3A_59 = tpu.memref_squeeze %dma_start3A_58 : memref<1x640x128xf32, #tpu.memory_space<hbm>> -> memref<640x128xf32, #tpu.memory_space<hbm>>
      %dma_start3A_60 = arith.constant 0 : i32
      %dma_start3A_61 = tpu.memref_slice %arg12[%mul3A_2, %dma_start3A_60] : memref<10000x128xf32, #tpu.memory_space<vmem_shared>> -> memref<640x128xf32, #tpu.memory_space<vmem_shared>>
      tpu.enqueue_dma source(%dma_start3A_61 : memref<640x128xf32, #tpu.memory_space<vmem_shared>>) target(%dma_start3A_59 : memref<640x128xf32, #tpu.memory_space<hbm>>) target_semaphore(%run_scoped3A : memref<!tpu.dma_semaphore, #tpu.memory_space<semaphore_mem>>)
      %dma_wait3A_62 = arith.constant 0 : i32
      %dma_wait3A_63 = tpu.memref_slice %arg6[%arg0, %mul3A_2, %dma_wait3A_62] : memref<2x10000x128xf32, #tpu.memory_space<hbm>> -> memref<1x640x128xf32, #tpu.memory_space<hbm>>
      %dma_wait3A_64 = tpu.memref_squeeze %dma_wait3A_63 : memref<1x640x128xf32, #tpu.memory_space<hbm>> -> memref<640x128xf32, #tpu.memory_space<hbm>>
      %dma_wait3A_65 = arith.constant 0 : i32
      %dma_wait3A_66 = tpu.memref_slice %arg12[%mul3A_2, %dma_wait3A_65] : memref<10000x128xf32, #tpu.memory_space<vmem_shared>> -> memref<640x128xf32, #tpu.memory_space<vmem_shared>>
      tpu.wait_dma2 semaphore(%run_scoped3A : memref<!tpu.dma_semaphore, #tpu.memory_space<semaphore_mem>>) src(%dma_wait3A_66 : memref<640x128xf32, #tpu.memory_space<vmem_shared>>) dst(%dma_wait3A_64 : memref<640x128xf32, #tpu.memory_space<hbm>>)
      tpu.yield
    }) : () -> ()
    return
  }
}

module attributes {stable_mosaic.version = 14 : i64} {
  func.func @_dinv_mm_body(%arg0: i32, %arg1: memref<2x1000x16xf32, #tpu.memory_space<vmem>>, %arg2: memref<1000x128xf32, #tpu.memory_space<vmem>>, %arg3: memref<128x128xf32, #tpu.memory_space<vmem>>, %arg4: memref<1000x1xf32, #tpu.memory_space<vmem>>, %arg5: memref<1000x128xf32, #tpu.memory_space<vmem>>) attributes {dimension_semantics = [#tpu.dimension_semantics<arbitrary>], iteration_bounds = array<i64: 10>, scalar_prefetch = 0 : i64, scratch_operands = 0 : i64, tpu.core_type = #tpu.core_type<tc>, window_params = [{transform_indices = @transform_0, window_bounds = array<i64: 2, 1000, 16>}, {transform_indices = @transform_1, window_bounds = array<i64: 1000, 128>}, {pipeline_mode = #tpu.pipeline_mode<synchronous>, transform_indices = @transform_2, window_bounds = array<i64: 128, 128>}, {transform_indices = @transform_3, window_bounds = array<i64: 1000, 1>}, {transform_indices = @transform_4, window_bounds = array<i64: 1000, 128>}]} {
    %get3A = arith.constant 0 : index
    %get3A_0 = arith.constant 0 : index
    %get3A_1 = arith.constant 0 : index
    %get3A_2 = vector.load %arg1[%get3A, %get3A_0, %get3A_1] : memref<2x1000x16xf32, #tpu.memory_space<vmem>>, vector<1x1000x1xf32>
    %get3A_3 = vector.shape_cast %get3A_2 : vector<1x1000x1xf32> to vector<1000x1xf32>
    %get3A_4 = arith.constant 1 : index
    %get3A_5 = arith.constant 0 : index
    %get3A_6 = arith.constant 0 : index
    %get3A_7 = vector.load %arg1[%get3A_4, %get3A_5, %get3A_6] : memref<2x1000x16xf32, #tpu.memory_space<vmem>>, vector<1x1000x1xf32>
    %get3A_8 = vector.shape_cast %get3A_7 : vector<1x1000x1xf32> to vector<1000x1xf32>
    %add3A = arith.addf %get3A_3, %get3A_8 : vector<1000x1xf32>
    %add3A_9 = arith.constant 1.000000e+00 : f32
    %add3A_10 = vector.broadcast %add3A_9 : f32 to vector<1000x1xf32>
    %add3A_11 = arith.addf %add3A, %add3A_10 : vector<1000x1xf32>
    %sqrt3A = math.sqrt %add3A_11 : vector<1000x1xf32>
    %div3A = arith.constant 1.000000e+00 : f32
    %div3A_12 = vector.broadcast %div3A : f32 to vector<1000x1xf32>
    %div3A_13 = arith.divf %div3A_12, %sqrt3A : vector<1000x1xf32>
    %swap3A = arith.constant 0 : index
    %swap3A_14 = arith.constant 0 : index
    %swap3A_15 = vector.load %arg4[%swap3A, %swap3A_14] : memref<1000x1xf32, #tpu.memory_space<vmem>>, vector<1000x1xf32>
    tpu.vector_store %arg4[%swap3A, %swap3A_14], %div3A_13 {strides = array<i32>} : memref<1000x1xf32, #tpu.memory_space<vmem>>, vector<1000x1xf32>,
    %get3A_16 = arith.constant 0 : index
    %get3A_17 = arith.constant 0 : index
    %get3A_18 = vector.load %arg2[%get3A_16, %get3A_17] : memref<1000x128xf32, #tpu.memory_space<vmem>>, vector<1000x128xf32>
    %get3A_19 = arith.constant 0 : index
    %get3A_20 = arith.constant 0 : index
    %get3A_21 = vector.load %arg3[%get3A_19, %get3A_20] : memref<128x128xf32, #tpu.memory_space<vmem>>, vector<128x128xf32>
    %dot_general3A = arith.constant dense<0.000000e+00> : vector<1000x128xf32>
    %dot_general3A_22 = tpu.matmul %get3A_18, %get3A_21, %dot_general3A {dimension_numbers = #tpu.dot_dimension_numbers<[1], [0], [0], [1], [0, 0, 1, 1], [], []>, transpose_lhs_hint = false} : vector<1000x128xf32>, vector<128x128xf32>, vector<1000x128xf32> -> vector<1000x128xf32>
    %mul3A = vector.broadcast %div3A_13 : vector<1000x1xf32> to vector<1000x128xf32>
    %mul3A_23 = arith.mulf %dot_general3A_22, %mul3A : vector<1000x128xf32>
    %swap3A_24 = arith.constant 0 : index
    %swap3A_25 = arith.constant 0 : index
    %swap3A_26 = vector.load %arg5[%swap3A_24, %swap3A_25] : memref<1000x128xf32, #tpu.memory_space<vmem>>, vector<1000x128xf32>
    tpu.vector_store %arg5[%swap3A_24, %swap3A_25], %mul3A_23 {strides = array<i32>} : memref<1000x128xf32, #tpu.memory_space<vmem>>, vector<1000x128xf32>,
    return
  }
  func.func @transform_0(%arg0: i32) -> (i32, i32, i32) {
    %c0_i32 = arith.constant 0 : i32
    %c0_i32_0 = arith.constant 0 : i32
    %c0_i32_1 = arith.constant 0 : i32
    return %c0_i32, %arg0, %c0_i32_0 : i32, i32, i32
  }
  func.func @transform_1(%arg0: i32) -> (i32, i32) {
    %c0_i32 = arith.constant 0 : i32
    %c0_i32_0 = arith.constant 0 : i32
    return %arg0, %c0_i32 : i32, i32
  }
  func.func @transform_2(%arg0: i32) -> (i32, i32) {
    %c0_i32 = arith.constant 0 : i32
    %c0_i32_0 = arith.constant 0 : i32
    %c0_i32_1 = arith.constant 0 : i32
    return %c0_i32, %c0_i32_0 : i32, i32
  }
  func.func @transform_3(%arg0: i32) -> (i32, i32) {
    %c0_i32 = arith.constant 0 : i32
    %c0_i32_0 = arith.constant 0 : i32
    return %arg0, %c0_i32 : i32, i32
  }
  func.func @transform_4(%arg0: i32) -> (i32, i32) {
    %c0_i32 = arith.constant 0 : i32
    %c0_i32_0 = arith.constant 0 : i32
    return %arg0, %c0_i32 : i32, i32
  }
}

module attributes {stable_mosaic.version = 14 : i64} {
  func.func @_post_mm_body(%arg0: i32, %arg1: memref<2x1000x128xf32, #tpu.memory_space<vmem>>, %arg2: memref<1000x128xf32, #tpu.memory_space<vmem>>, %arg3: memref<1000x1xf32, #tpu.memory_space<vmem>>, %arg4: memref<1x128xf32, #tpu.memory_space<vmem>>, %arg5: memref<1x128xf32, #tpu.memory_space<vmem>>, %arg6: memref<1x128xf32, #tpu.memory_space<vmem>>, %arg7: memref<128x128xf32, #tpu.memory_space<vmem>>, %arg8: memref<1000x128xf32, #tpu.memory_space<vmem>>, %arg9: memref<1000x128xf32, #tpu.memory_space<vmem>>) attributes {dimension_semantics = [#tpu.dimension_semantics<arbitrary>], iteration_bounds = array<i64: 10>, scalar_prefetch = 0 : i64, scratch_operands = 0 : i64, tpu.core_type = #tpu.core_type<tc>, window_params = [{transform_indices = @transform_0, window_bounds = array<i64: 2, 1000, 128>}, {transform_indices = @transform_1, window_bounds = array<i64: 1000, 128>}, {transform_indices = @transform_2, window_bounds = array<i64: 1000, 1>}, {pipeline_mode = #tpu.pipeline_mode<synchronous>, transform_indices = @transform_3, window_bounds = array<i64: 1, 128>}, {pipeline_mode = #tpu.pipeline_mode<synchronous>, transform_indices = @transform_4, window_bounds = array<i64: 1, 128>}, {pipeline_mode = #tpu.pipeline_mode<synchronous>, transform_indices = @transform_5, window_bounds = array<i64: 1, 128>}, {pipeline_mode = #tpu.pipeline_mode<synchronous>, transform_indices = @transform_6, window_bounds = array<i64: 128, 128>}, {transform_indices = @transform_7, window_bounds = array<i64: 1000, 128>}, {transform_indices = @transform_8, window_bounds = array<i64: 1000, 128>}]} {
    %get3A = arith.constant 0 : index
    %get3A_0 = arith.constant 0 : index
    %get3A_1 = arith.constant 0 : index
    %get3A_2 = vector.load %arg1[%get3A, %get3A_0, %get3A_1] : memref<2x1000x128xf32, #tpu.memory_space<vmem>>, vector<1x1000x128xf32>
    %get3A_3 = vector.shape_cast %get3A_2 : vector<1x1000x128xf32> to vector<1000x128xf32>
    %get3A_4 = arith.constant 1 : index
    %get3A_5 = arith.constant 0 : index
    %get3A_6 = arith.constant 0 : index
    %get3A_7 = vector.load %arg1[%get3A_4, %get3A_5, %get3A_6] : memref<2x1000x128xf32, #tpu.memory_space<vmem>>, vector<1x1000x128xf32>
    %get3A_8 = vector.shape_cast %get3A_7 : vector<1x1000x128xf32> to vector<1000x128xf32>
    %add3A = arith.addf %get3A_3, %get3A_8 : vector<1000x128xf32>
    %get3A_9 = arith.constant 0 : index
    %get3A_10 = arith.constant 0 : index
    %get3A_11 = vector.load %arg2[%get3A_9, %get3A_10] : memref<1000x128xf32, #tpu.memory_space<vmem>>, vector<1000x128xf32>
    %add3A_12 = arith.addf %add3A, %get3A_11 : vector<1000x128xf32>
    %get3A_13 = arith.constant 0 : index
    %get3A_14 = arith.constant 0 : index
    %get3A_15 = vector.load %arg3[%get3A_13, %get3A_14] : memref<1000x1xf32, #tpu.memory_space<vmem>>, vector<1000x1xf32>
    %mul3A = vector.broadcast %get3A_15 : vector<1000x1xf32> to vector<1000x128xf32>
    %mul3A_16 = arith.mulf %mul3A, %add3A_12 : vector<1000x128xf32>
    %get3A_17 = arith.constant 0 : index
    %get3A_18 = arith.constant 0 : index
    %get3A_19 = vector.load %arg4[%get3A_17, %get3A_18] : memref<1x128xf32, #tpu.memory_space<vmem>>, vector<1x128xf32>
    %add3A_20 = vector.broadcast %get3A_19 : vector<1x128xf32> to vector<1000x128xf32>
    %add3A_21 = arith.addf %mul3A_16, %add3A_20 : vector<1000x128xf32>
    %reduce_sum3A = arith.constant dense<0.000000e+00> : vector<1000xf32>
    %reduce_sum3A_22 = vector.multi_reduction <add>, %add3A_21, %reduce_sum3A [1] : vector<1000x128xf32> to vector<1000xf32>
    %broadcast_in_dim3A = vector.shape_cast %reduce_sum3A_22 : vector<1000xf32> to vector<1000x1xf32>
    %div3A = arith.constant 1.280000e+02 : f32
    %div3A_23 = vector.broadcast %div3A : f32 to vector<1000x1xf32>
    %div3A_24 = arith.divf %broadcast_in_dim3A, %div3A_23 : vector<1000x1xf32>
    %sub3A = vector.broadcast %div3A_24 : vector<1000x1xf32> to vector<1000x128xf32>
    %sub3A_25 = arith.subf %add3A_21, %sub3A : vector<1000x128xf32>
    %mul3A_26 = arith.mulf %sub3A_25, %sub3A_25 : vector<1000x128xf32>
    %reduce_sum3A_27 = arith.constant dense<0.000000e+00> : vector<1000xf32>
    %reduce_sum3A_28 = vector.multi_reduction <add>, %mul3A_26, %reduce_sum3A_27 [1] : vector<1000x128xf32> to vector<1000xf32>
    %broadcast_in_dim3A_29 = vector.shape_cast %reduce_sum3A_28 : vector<1000xf32> to vector<1000x1xf32>
    %div3A_30 = arith.constant 1.280000e+02 : f32
    %div3A_31 = vector.broadcast %div3A_30 : f32 to vector<1000x1xf32>
    %div3A_32 = arith.divf %broadcast_in_dim3A_29, %div3A_31 : vector<1000x1xf32>
    %add3A_33 = arith.constant 9.99999974E-6 : f32
    %add3A_34 = vector.broadcast %add3A_33 : f32 to vector<1000x1xf32>
    %add3A_35 = arith.addf %div3A_32, %add3A_34 : vector<1000x1xf32>
    %rsqrt3A = math.rsqrt %add3A_35 : vector<1000x1xf32>
    %mul3A_36 = vector.broadcast %rsqrt3A : vector<1000x1xf32> to vector<1000x128xf32>
    %mul3A_37 = arith.mulf %sub3A_25, %mul3A_36 : vector<1000x128xf32>
    %get3A_38 = arith.constant 0 : index
    %get3A_39 = arith.constant 0 : index
    %get3A_40 = vector.load %arg5[%get3A_38, %get3A_39] : memref<1x128xf32, #tpu.memory_space<vmem>>, vector<1x128xf32>
    %mul3A_41 = vector.broadcast %get3A_40 : vector<1x128xf32> to vector<1000x128xf32>
    %mul3A_42 = arith.mulf %mul3A_37, %mul3A_41 : vector<1000x128xf32>
    %get3A_43 = arith.constant 0 : index
    %get3A_44 = arith.constant 0 : index
    %get3A_45 = vector.load %arg6[%get3A_43, %get3A_44] : memref<1x128xf32, #tpu.memory_space<vmem>>, vector<1x128xf32>
    %add3A_46 = vector.broadcast %get3A_45 : vector<1x128xf32> to vector<1000x128xf32>
    %add3A_47 = arith.addf %mul3A_42, %add3A_46 : vector<1000x128xf32>
    %max3A = arith.constant 0.000000e+00 : f32
    %max3A_48 = vector.broadcast %max3A : f32 to vector<1000x128xf32>
    %max3A_49 = arith.maximumf %add3A_47, %max3A_48 : vector<1000x128xf32>
    %swap3A = arith.constant 0 : index
    %swap3A_50 = arith.constant 0 : index
    %swap3A_51 = vector.load %arg8[%swap3A, %swap3A_50] : memref<1000x128xf32, #tpu.memory_space<vmem>>, vector<1000x128xf32>
    tpu.vector_store %arg8[%swap3A, %swap3A_50], %max3A_49 {strides = array<i32>} : memref<1000x128xf32, #tpu.memory_space<vmem>>, vector<1000x128xf32>,
    %get3A_52 = arith.constant 0 : index
    %get3A_53 = arith.constant 0 : index
    %get3A_54 = vector.load %arg7[%get3A_52, %get3A_53] : memref<128x128xf32, #tpu.memory_space<vmem>>, vector<128x128xf32>
    %dot_general3A = arith.constant dense<0.000000e+00> : vector<1000x128xf32>
    %dot_general3A_55 = tpu.matmul %max3A_49, %get3A_54, %dot_general3A {dimension_numbers = #tpu.dot_dimension_numbers<[1], [0], [0], [1], [0, 0, 1, 1], [], []>, transpose_lhs_hint = false} : vector<1000x128xf32>, vector<128x128xf32>, vector<1000x128xf32> -> vector<1000x128xf32>
    %get3A_56 = arith.constant 0 : index
    %get3A_57 = arith.constant 0 : index
    %get3A_58 = vector.load %arg3[%get3A_56, %get3A_57] : memref<1000x1xf32, #tpu.memory_space<vmem>>, vector<1000x1xf32>
    %mul3A_59 = vector.broadcast %get3A_58 : vector<1000x1xf32> to vector<1000x128xf32>
    %mul3A_60 = arith.mulf %dot_general3A_55, %mul3A_59 : vector<1000x128xf32>
    %swap3A_61 = arith.constant 0 : index
    %swap3A_62 = arith.constant 0 : index
    %swap3A_63 = vector.load %arg9[%swap3A_61, %swap3A_62] : memref<1000x128xf32, #tpu.memory_space<vmem>>, vector<1000x128xf32>
    tpu.vector_store %arg9[%swap3A_61, %swap3A_62], %mul3A_60 {strides = array<i32>} : memref<1000x128xf32, #tpu.memory_space<vmem>>, vector<1000x128xf32>,
    return
  }
  func.func @transform_0(%arg0: i32) -> (i32, i32, i32) {
    %c0_i32 = arith.constant 0 : i32
    %c0_i32_0 = arith.constant 0 : i32
    %c0_i32_1 = arith.constant 0 : i32
    return %c0_i32, %arg0, %c0_i32_0 : i32, i32, i32
  }
  func.func @transform_1(%arg0: i32) -> (i32, i32) {
    %c0_i32 = arith.constant 0 : i32
    %c0_i32_0 = arith.constant 0 : i32
    return %arg0, %c0_i32 : i32, i32
  }
  func.func @transform_2(%arg0: i32) -> (i32, i32) {
    %c0_i32 = arith.constant 0 : i32
    %c0_i32_0 = arith.constant 0 : i32
    return %arg0, %c0_i32 : i32, i32
  }
  func.func @transform_3(%arg0: i32) -> (i32, i32) {
    %c0_i32 = arith.constant 0 : i32
    %c0_i32_0 = arith.constant 0 : i32
    %c0_i32_1 = arith.constant 0 : i32
    return %c0_i32, %c0_i32_0 : i32, i32
  }
  func.func @transform_4(%arg0: i32) -> (i32, i32) {
    %c0_i32 = arith.constant 0 : i32
    %c0_i32_0 = arith.constant 0 : i32
    %c0_i32_1 = arith.constant 0 : i32
    return %c0_i32, %c0_i32_0 : i32, i32
  }
  func.func @transform_5(%arg0: i32) -> (i32, i32) {
    %c0_i32 = arith.constant 0 : i32
    %c0_i32_0 = arith.constant 0 : i32
    %c0_i32_1 = arith.constant 0 : i32
    return %c0_i32, %c0_i32_0 : i32, i32
  }
  func.func @transform_6(%arg0: i32) -> (i32, i32) {
    %c0_i32 = arith.constant 0 : i32
    %c0_i32_0 = arith.constant 0 : i32
    %c0_i32_1 = arith.constant 0 : i32
    return %c0_i32, %c0_i32_0 : i32, i32
  }
  func.func @transform_7(%arg0: i32) -> (i32, i32) {
    %c0_i32 = arith.constant 0 : i32
    %c0_i32_0 = arith.constant 0 : i32
    return %arg0, %c0_i32 : i32, i32
  }
  func.func @transform_8(%arg0: i32) -> (i32, i32) {
    %c0_i32 = arith.constant 0 : i32
    %c0_i32_0 = arith.constant 0 : i32
    return %arg0, %c0_i32 : i32, i32
  }
}

module attributes {stable_mosaic.version = 14 : i64} {
  func.func @_post_mm_body(%arg0: i32, %arg1: memref<2x1000x128xf32, #tpu.memory_space<vmem>>, %arg2: memref<1000x128xf32, #tpu.memory_space<vmem>>, %arg3: memref<1000x1xf32, #tpu.memory_space<vmem>>, %arg4: memref<1x128xf32, #tpu.memory_space<vmem>>, %arg5: memref<1x128xf32, #tpu.memory_space<vmem>>, %arg6: memref<1x128xf32, #tpu.memory_space<vmem>>, %arg7: memref<1000x128xf32, #tpu.memory_space<vmem>>, %arg8: memref<128x128xf32, #tpu.memory_space<vmem>>, %arg9: memref<1000x128xf32, #tpu.memory_space<vmem>>, %arg10: memref<1000x128xf32, #tpu.memory_space<vmem>>) attributes {dimension_semantics = [#tpu.dimension_semantics<arbitrary>], iteration_bounds = array<i64: 10>, scalar_prefetch = 0 : i64, scratch_operands = 0 : i64, tpu.core_type = #tpu.core_type<tc>, window_params = [{transform_indices = @transform_0, window_bounds = array<i64: 2, 1000, 128>}, {transform_indices = @transform_1, window_bounds = array<i64: 1000, 128>}, {transform_indices = @transform_2, window_bounds = array<i64: 1000, 1>}, {pipeline_mode = #tpu.pipeline_mode<synchronous>, transform_indices = @transform_3, window_bounds = array<i64: 1, 128>}, {pipeline_mode = #tpu.pipeline_mode<synchronous>, transform_indices = @transform_4, window_bounds = array<i64: 1, 128>}, {pipeline_mode = #tpu.pipeline_mode<synchronous>, transform_indices = @transform_5, window_bounds = array<i64: 1, 128>}, {transform_indices = @transform_6, window_bounds = array<i64: 1000, 128>}, {pipeline_mode = #tpu.pipeline_mode<synchronous>, transform_indices = @transform_7, window_bounds = array<i64: 128, 128>}, {transform_indices = @transform_8, window_bounds = array<i64: 1000, 128>}, {transform_indices = @transform_9, window_bounds = array<i64: 1000, 128>}]} {
    %get3A = arith.constant 0 : index
    %get3A_0 = arith.constant 0 : index
    %get3A_1 = arith.constant 0 : index
    %get3A_2 = vector.load %arg1[%get3A, %get3A_0, %get3A_1] : memref<2x1000x128xf32, #tpu.memory_space<vmem>>, vector<1x1000x128xf32>
    %get3A_3 = vector.shape_cast %get3A_2 : vector<1x1000x128xf32> to vector<1000x128xf32>
    %get3A_4 = arith.constant 1 : index
    %get3A_5 = arith.constant 0 : index
    %get3A_6 = arith.constant 0 : index
    %get3A_7 = vector.load %arg1[%get3A_4, %get3A_5, %get3A_6] : memref<2x1000x128xf32, #tpu.memory_space<vmem>>, vector<1x1000x128xf32>
    %get3A_8 = vector.shape_cast %get3A_7 : vector<1x1000x128xf32> to vector<1000x128xf32>
    %add3A = arith.addf %get3A_3, %get3A_8 : vector<1000x128xf32>
    %get3A_9 = arith.constant 0 : index
    %get3A_10 = arith.constant 0 : index
    %get3A_11 = vector.load %arg2[%get3A_9, %get3A_10] : memref<1000x128xf32, #tpu.memory_space<vmem>>, vector<1000x128xf32>
    %add3A_12 = arith.addf %add3A, %get3A_11 : vector<1000x128xf32>
    %get3A_13 = arith.constant 0 : index
    %get3A_14 = arith.constant 0 : index
    %get3A_15 = vector.load %arg3[%get3A_13, %get3A_14] : memref<1000x1xf32, #tpu.memory_space<vmem>>, vector<1000x1xf32>
    %mul3A = vector.broadcast %get3A_15 : vector<1000x1xf32> to vector<1000x128xf32>
    %mul3A_16 = arith.mulf %mul3A, %add3A_12 : vector<1000x128xf32>
    %get3A_17 = arith.constant 0 : index
    %get3A_18 = arith.constant 0 : index
    %get3A_19 = vector.load %arg4[%get3A_17, %get3A_18] : memref<1x128xf32, #tpu.memory_space<vmem>>, vector<1x128xf32>
    %add3A_20 = vector.broadcast %get3A_19 : vector<1x128xf32> to vector<1000x128xf32>
    %add3A_21 = arith.addf %mul3A_16, %add3A_20 : vector<1000x128xf32>
    %reduce_sum3A = arith.constant dense<0.000000e+00> : vector<1000xf32>
    %reduce_sum3A_22 = vector.multi_reduction <add>, %add3A_21, %reduce_sum3A [1] : vector<1000x128xf32> to vector<1000xf32>
    %broadcast_in_dim3A = vector.shape_cast %reduce_sum3A_22 : vector<1000xf32> to vector<1000x1xf32>
    %div3A = arith.constant 1.280000e+02 : f32
    %div3A_23 = vector.broadcast %div3A : f32 to vector<1000x1xf32>
    %div3A_24 = arith.divf %broadcast_in_dim3A, %div3A_23 : vector<1000x1xf32>
    %sub3A = vector.broadcast %div3A_24 : vector<1000x1xf32> to vector<1000x128xf32>
    %sub3A_25 = arith.subf %add3A_21, %sub3A : vector<1000x128xf32>
    %mul3A_26 = arith.mulf %sub3A_25, %sub3A_25 : vector<1000x128xf32>
    %reduce_sum3A_27 = arith.constant dense<0.000000e+00> : vector<1000xf32>
    %reduce_sum3A_28 = vector.multi_reduction <add>, %mul3A_26, %reduce_sum3A_27 [1] : vector<1000x128xf32> to vector<1000xf32>
    %broadcast_in_dim3A_29 = vector.shape_cast %reduce_sum3A_28 : vector<1000xf32> to vector<1000x1xf32>
    %div3A_30 = arith.constant 1.280000e+02 : f32
    %div3A_31 = vector.broadcast %div3A_30 : f32 to vector<1000x1xf32>
    %div3A_32 = arith.divf %broadcast_in_dim3A_29, %div3A_31 : vector<1000x1xf32>
    %add3A_33 = arith.constant 9.99999974E-6 : f32
    %add3A_34 = vector.broadcast %add3A_33 : f32 to vector<1000x1xf32>
    %add3A_35 = arith.addf %div3A_32, %add3A_34 : vector<1000x1xf32>
    %rsqrt3A = math.rsqrt %add3A_35 : vector<1000x1xf32>
    %mul3A_36 = vector.broadcast %rsqrt3A : vector<1000x1xf32> to vector<1000x128xf32>
    %mul3A_37 = arith.mulf %sub3A_25, %mul3A_36 : vector<1000x128xf32>
    %get3A_38 = arith.constant 0 : index
    %get3A_39 = arith.constant 0 : index
    %get3A_40 = vector.load %arg5[%get3A_38, %get3A_39] : memref<1x128xf32, #tpu.memory_space<vmem>>, vector<1x128xf32>
    %mul3A_41 = vector.broadcast %get3A_40 : vector<1x128xf32> to vector<1000x128xf32>
    %mul3A_42 = arith.mulf %mul3A_37, %mul3A_41 : vector<1000x128xf32>
    %get3A_43 = arith.constant 0 : index
    %get3A_44 = arith.constant 0 : index
    %get3A_45 = vector.load %arg6[%get3A_43, %get3A_44] : memref<1x128xf32, #tpu.memory_space<vmem>>, vector<1x128xf32>
    %add3A_46 = vector.broadcast %get3A_45 : vector<1x128xf32> to vector<1000x128xf32>
    %add3A_47 = arith.addf %mul3A_42, %add3A_46 : vector<1000x128xf32>
    %get3A_48 = arith.constant 0 : index
    %get3A_49 = arith.constant 0 : index
    %get3A_50 = vector.load %arg7[%get3A_48, %get3A_49] : memref<1000x128xf32, #tpu.memory_space<vmem>>, vector<1000x128xf32>
    %add3A_51 = arith.addf %add3A_47, %get3A_50 : vector<1000x128xf32>
    %max3A = arith.constant 0.000000e+00 : f32
    %max3A_52 = vector.broadcast %max3A : f32 to vector<1000x128xf32>
    %max3A_53 = arith.maximumf %add3A_51, %max3A_52 : vector<1000x128xf32>
    %swap3A = arith.constant 0 : index
    %swap3A_54 = arith.constant 0 : index
    %swap3A_55 = vector.load %arg9[%swap3A, %swap3A_54] : memref<1000x128xf32, #tpu.memory_space<vmem>>, vector<1000x128xf32>
    tpu.vector_store %arg9[%swap3A, %swap3A_54], %max3A_53 {strides = array<i32>} : memref<1000x128xf32, #tpu.memory_space<vmem>>, vector<1000x128xf32>,
    %get3A_56 = arith.constant 0 : index
    %get3A_57 = arith.constant 0 : index
    %get3A_58 = vector.load %arg8[%get3A_56, %get3A_57] : memref<128x128xf32, #tpu.memory_space<vmem>>, vector<128x128xf32>
    %dot_general3A = arith.constant dense<0.000000e+00> : vector<1000x128xf32>
    %dot_general3A_59 = tpu.matmul %max3A_53, %get3A_58, %dot_general3A {dimension_numbers = #tpu.dot_dimension_numbers<[1], [0], [0], [1], [0, 0, 1, 1], [], []>, transpose_lhs_hint = false} : vector<1000x128xf32>, vector<128x128xf32>, vector<1000x128xf32> -> vector<1000x128xf32>
    %get3A_60 = arith.constant 0 : index
    %get3A_61 = arith.constant 0 : index
    %get3A_62 = vector.load %arg3[%get3A_60, %get3A_61] : memref<1000x1xf32, #tpu.memory_space<vmem>>, vector<1000x1xf32>
    %mul3A_63 = vector.broadcast %get3A_62 : vector<1000x1xf32> to vector<1000x128xf32>
    %mul3A_64 = arith.mulf %dot_general3A_59, %mul3A_63 : vector<1000x128xf32>
    %swap3A_65 = arith.constant 0 : index
    %swap3A_66 = arith.constant 0 : index
    %swap3A_67 = vector.load %arg10[%swap3A_65, %swap3A_66] : memref<1000x128xf32, #tpu.memory_space<vmem>>, vector<1000x128xf32>
    tpu.vector_store %arg10[%swap3A_65, %swap3A_66], %mul3A_64 {strides = array<i32>} : memref<1000x128xf32, #tpu.memory_space<vmem>>, vector<1000x128xf32>,
    return
  }
  func.func @transform_0(%arg0: i32) -> (i32, i32, i32) {
    %c0_i32 = arith.constant 0 : i32
    %c0_i32_0 = arith.constant 0 : i32
    %c0_i32_1 = arith.constant 0 : i32
    return %c0_i32, %arg0, %c0_i32_0 : i32, i32, i32
  }
  func.func @transform_1(%arg0: i32) -> (i32, i32) {
    %c0_i32 = arith.constant 0 : i32
    %c0_i32_0 = arith.constant 0 : i32
    return %arg0, %c0_i32 : i32, i32
  }
  func.func @transform_2(%arg0: i32) -> (i32, i32) {
    %c0_i32 = arith.constant 0 : i32
    %c0_i32_0 = arith.constant 0 : i32
    return %arg0, %c0_i32 : i32, i32
  }
  func.func @transform_3(%arg0: i32) -> (i32, i32) {
    %c0_i32 = arith.constant 0 : i32
    %c0_i32_0 = arith.constant 0 : i32
    %c0_i32_1 = arith.constant 0 : i32
    return %c0_i32, %c0_i32_0 : i32, i32
  }
  func.func @transform_4(%arg0: i32) -> (i32, i32) {
    %c0_i32 = arith.constant 0 : i32
    %c0_i32_0 = arith.constant 0 : i32
    %c0_i32_1 = arith.constant 0 : i32
    return %c0_i32, %c0_i32_0 : i32, i32
  }
  func.func @transform_5(%arg0: i32) -> (i32, i32) {
    %c0_i32 = arith.constant 0 : i32
    %c0_i32_0 = arith.constant 0 : i32
    %c0_i32_1 = arith.constant 0 : i32
    return %c0_i32, %c0_i32_0 : i32, i32
  }
  func.func @transform_6(%arg0: i32) -> (i32, i32) {
    %c0_i32 = arith.constant 0 : i32
    %c0_i32_0 = arith.constant 0 : i32
    return %arg0, %c0_i32 : i32, i32
  }
  func.func @transform_7(%arg0: i32) -> (i32, i32) {
    %c0_i32 = arith.constant 0 : i32
    %c0_i32_0 = arith.constant 0 : i32
    %c0_i32_1 = arith.constant 0 : i32
    return %c0_i32, %c0_i32_0 : i32, i32
  }
  func.func @transform_8(%arg0: i32) -> (i32, i32) {
    %c0_i32 = arith.constant 0 : i32
    %c0_i32_0 = arith.constant 0 : i32
    return %arg0, %c0_i32 : i32, i32
  }
  func.func @transform_9(%arg0: i32) -> (i32, i32) {
    %c0_i32 = arith.constant 0 : i32
    %c0_i32_0 = arith.constant 0 : i32
    return %arg0, %c0_i32 : i32, i32
  }
}

module attributes {stable_mosaic.version = 14 : i64} {
  func.func @_post_pool_body(%arg0: i32, %arg1: memref<2x1000x128xf32, #tpu.memory_space<vmem>>, %arg2: memref<1000x128xf32, #tpu.memory_space<vmem>>, %arg3: memref<1000x1xf32, #tpu.memory_space<vmem>>, %arg4: memref<1x128xf32, #tpu.memory_space<vmem>>, %arg5: memref<1x128xf32, #tpu.memory_space<vmem>>, %arg6: memref<1x128xf32, #tpu.memory_space<vmem>>, %arg7: memref<1000x128xf32, #tpu.memory_space<vmem>>, %arg8: memref<1000x1xi32, #tpu.memory_space<vmem>>, %arg9: memref<128x1xf32, #tpu.memory_space<vmem>>, %arg10: memref<1x1xf32, #tpu.memory_space<vmem>>, %arg11: memref<16x128xf32, #tpu.memory_space<vmem>>, %arg12: memref<16x128xf32, #tpu.memory_space<vmem>>, %arg13: memref<16x1xf32, #tpu.memory_space<vmem>>) attributes {dimension_semantics = [#tpu.dimension_semantics<arbitrary>], iteration_bounds = array<i64: 10>, scalar_prefetch = 0 : i64, scratch_operands = 0 : i64, tpu.core_type = #tpu.core_type<tc>, window_params = [{transform_indices = @transform_0, window_bounds = array<i64: 2, 1000, 128>}, {transform_indices = @transform_1, window_bounds = array<i64: 1000, 128>}, {transform_indices = @transform_2, window_bounds = array<i64: 1000, 1>}, {pipeline_mode = #tpu.pipeline_mode<synchronous>, transform_indices = @transform_3, window_bounds = array<i64: 1, 128>}, {pipeline_mode = #tpu.pipeline_mode<synchronous>, transform_indices = @transform_4, window_bounds = array<i64: 1, 128>}, {pipeline_mode = #tpu.pipeline_mode<synchronous>, transform_indices = @transform_5, window_bounds = array<i64: 1, 128>}, {transform_indices = @transform_6, window_bounds = array<i64: 1000, 128>}, {transform_indices = @transform_7, window_bounds = array<i64: 1000, 1>}, {pipeline_mode = #tpu.pipeline_mode<synchronous>, transform_indices = @transform_8, window_bounds = array<i64: 128, 1>}, {pipeline_mode = #tpu.pipeline_mode<synchronous>, transform_indices = @transform_9, window_bounds = array<i64: 1, 1>}, {pipeline_mode = #tpu.pipeline_mode<synchronous>, transform_indices = @transform_10, window_bounds = array<i64: 16, 128>}, {pipeline_mode = #tpu.pipeline_mode<synchronous>, transform_indices = @transform_11, window_bounds = array<i64: 16, 128>}, {pipeline_mode = #tpu.pipeline_mode<synchronous>, transform_indices = @transform_12, window_bounds = array<i64: 16, 1>}]} {
    %eq3A = arith.constant 0 : i32
    %eq3A_0 = arith.cmpi eq, %arg0, %eq3A : i32
    %convert_element_type3A = arith.extui %eq3A_0 : i1 to i32
    %cond3A = arith.constant 0 : i32
    %cond3A_1 = arith.cmpi ne, %convert_element_type3A, %cond3A : i32
    scf.if %cond3A_1 {
      %broadcast_in_dim3A_84 = arith.constant 0.000000e+00 : f32
      %broadcast_in_dim3A_85 = vector.broadcast %broadcast_in_dim3A_84 : f32 to vector<16x128xf32>
      %swap3A_86 = arith.constant 0 : index
      %swap3A_87 = arith.constant 0 : index
      %swap3A_88 = vector.load %arg11[%swap3A_86, %swap3A_87] : memref<16x128xf32, #tpu.memory_space<vmem>>, vector<16x128xf32>
      tpu.vector_store %arg11[%swap3A_86, %swap3A_87], %broadcast_in_dim3A_85 {strides = array<i32>} : memref<16x128xf32, #tpu.memory_space<vmem>>, vector<16x128xf32>,
      %broadcast_in_dim3A_89 = arith.constant 0.000000e+00 : f32
      %broadcast_in_dim3A_90 = vector.broadcast %broadcast_in_dim3A_89 : f32 to vector<16x128xf32>
      %swap3A_91 = arith.constant 0 : index
      %swap3A_92 = arith.constant 0 : index
      %swap3A_93 = vector.load %arg12[%swap3A_91, %swap3A_92] : memref<16x128xf32, #tpu.memory_space<vmem>>, vector<16x128xf32>
      tpu.vector_store %arg12[%swap3A_91, %swap3A_92], %broadcast_in_dim3A_90 {strides = array<i32>} : memref<16x128xf32, #tpu.memory_space<vmem>>, vector<16x128xf32>,
    } else {
    }
    %get3A = arith.constant 0 : index
    %get3A_2 = arith.constant 0 : index
    %get3A_3 = arith.constant 0 : index
    %get3A_4 = vector.load %arg1[%get3A, %get3A_2, %get3A_3] : memref<2x1000x128xf32, #tpu.memory_space<vmem>>, vector<1x1000x128xf32>
    %get3A_5 = vector.shape_cast %get3A_4 : vector<1x1000x128xf32> to vector<1000x128xf32>
    %get3A_6 = arith.constant 1 : index
    %get3A_7 = arith.constant 0 : index
    %get3A_8 = arith.constant 0 : index
    %get3A_9 = vector.load %arg1[%get3A_6, %get3A_7, %get3A_8] : memref<2x1000x128xf32, #tpu.memory_space<vmem>>, vector<1x1000x128xf32>
    %get3A_10 = vector.shape_cast %get3A_9 : vector<1x1000x128xf32> to vector<1000x128xf32>
    %add3A = arith.addf %get3A_5, %get3A_10 : vector<1000x128xf32>
    %get3A_11 = arith.constant 0 : index
    %get3A_12 = arith.constant 0 : index
    %get3A_13 = vector.load %arg2[%get3A_11, %get3A_12] : memref<1000x128xf32, #tpu.memory_space<vmem>>, vector<1000x128xf32>
    %add3A_14 = arith.addf %add3A, %get3A_13 : vector<1000x128xf32>
    %get3A_15 = arith.constant 0 : index
    %get3A_16 = arith.constant 0 : index
    %get3A_17 = vector.load %arg3[%get3A_15, %get3A_16] : memref<1000x1xf32, #tpu.memory_space<vmem>>, vector<1000x1xf32>
    %mul3A = vector.broadcast %get3A_17 : vector<1000x1xf32> to vector<1000x128xf32>
    %mul3A_18 = arith.mulf %mul3A, %add3A_14 : vector<1000x128xf32>
    %get3A_19 = arith.constant 0 : index
    %get3A_20 = arith.constant 0 : index
    %get3A_21 = vector.load %arg4[%get3A_19, %get3A_20] : memref<1x128xf32, #tpu.memory_space<vmem>>, vector<1x128xf32>
    %add3A_22 = vector.broadcast %get3A_21 : vector<1x128xf32> to vector<1000x128xf32>
    %add3A_23 = arith.addf %mul3A_18, %add3A_22 : vector<1000x128xf32>
    %reduce_sum3A = arith.constant dense<0.000000e+00> : vector<1000xf32>
    %reduce_sum3A_24 = vector.multi_reduction <add>, %add3A_23, %reduce_sum3A [1] : vector<1000x128xf32> to vector<1000xf32>
    %broadcast_in_dim3A = vector.shape_cast %reduce_sum3A_24 : vector<1000xf32> to vector<1000x1xf32>
    %div3A = arith.constant 1.280000e+02 : f32
    %div3A_25 = vector.broadcast %div3A : f32 to vector<1000x1xf32>
    %div3A_26 = arith.divf %broadcast_in_dim3A, %div3A_25 : vector<1000x1xf32>
    %sub3A = vector.broadcast %div3A_26 : vector<1000x1xf32> to vector<1000x128xf32>
    %sub3A_27 = arith.subf %add3A_23, %sub3A : vector<1000x128xf32>
    %mul3A_28 = arith.mulf %sub3A_27, %sub3A_27 : vector<1000x128xf32>
    %reduce_sum3A_29 = arith.constant dense<0.000000e+00> : vector<1000xf32>
    %reduce_sum3A_30 = vector.multi_reduction <add>, %mul3A_28, %reduce_sum3A_29 [1] : vector<1000x128xf32> to vector<1000xf32>
    %broadcast_in_dim3A_31 = vector.shape_cast %reduce_sum3A_30 : vector<1000xf32> to vector<1000x1xf32>
    %div3A_32 = arith.constant 1.280000e+02 : f32
    %div3A_33 = vector.broadcast %div3A_32 : f32 to vector<1000x1xf32>
    %div3A_34 = arith.divf %broadcast_in_dim3A_31, %div3A_33 : vector<1000x1xf32>
    %add3A_35 = arith.constant 9.99999974E-6 : f32
    %add3A_36 = vector.broadcast %add3A_35 : f32 to vector<1000x1xf32>
    %add3A_37 = arith.addf %div3A_34, %add3A_36 : vector<1000x1xf32>
    %rsqrt3A = math.rsqrt %add3A_37 : vector<1000x1xf32>
    %mul3A_38 = vector.broadcast %rsqrt3A : vector<1000x1xf32> to vector<1000x128xf32>
    %mul3A_39 = arith.mulf %sub3A_27, %mul3A_38 : vector<1000x128xf32>
    %get3A_40 = arith.constant 0 : index
    %get3A_41 = arith.constant 0 : index
    %get3A_42 = vector.load %arg5[%get3A_40, %get3A_41] : memref<1x128xf32, #tpu.memory_space<vmem>>, vector<1x128xf32>
    %mul3A_43 = vector.broadcast %get3A_42 : vector<1x128xf32> to vector<1000x128xf32>
    %mul3A_44 = arith.mulf %mul3A_39, %mul3A_43 : vector<1000x128xf32>
    %get3A_45 = arith.constant 0 : index
    %get3A_46 = arith.constant 0 : index
    %get3A_47 = vector.load %arg6[%get3A_45, %get3A_46] : memref<1x128xf32, #tpu.memory_space<vmem>>, vector<1x128xf32>
    %add3A_48 = vector.broadcast %get3A_47 : vector<1x128xf32> to vector<1000x128xf32>
    %add3A_49 = arith.addf %mul3A_44, %add3A_48 : vector<1000x128xf32>
    %get3A_50 = arith.constant 0 : index
    %get3A_51 = arith.constant 0 : index
    %get3A_52 = vector.load %arg7[%get3A_50, %get3A_51] : memref<1000x128xf32, #tpu.memory_space<vmem>>, vector<1000x128xf32>
    %add3A_53 = arith.addf %add3A_49, %get3A_52 : vector<1000x128xf32>
    %iota3A = tpu.iota {dimensions = array<i32: 1>} : vector<1000x16xi32>
    %get3A_54 = arith.constant 0 : index
    %get3A_55 = arith.constant 0 : index
    %get3A_56 = vector.load %arg8[%get3A_54, %get3A_55] : memref<1000x1xi32, #tpu.memory_space<vmem>>, vector<1000x1xi32>
    %eq3A_57 = vector.broadcast %get3A_56 : vector<1000x1xi32> to vector<1000x16xi32>
    %eq3A_58 = arith.cmpi eq, %eq3A_57, %iota3A : vector<1000x16xi32>
    %convert_element_type3A_59 = arith.extui %eq3A_58 : vector<1000x16xi1> to vector<1000x16xi32>
    %convert_element_type3A_60 = arith.sitofp %convert_element_type3A_59 : vector<1000x16xi32> to vector<1000x16xf32>
    %get3A_61 = arith.constant 0 : index
    %get3A_62 = arith.constant 0 : index
    %get3A_63 = vector.load %arg11[%get3A_61, %get3A_62] : memref<16x128xf32, #tpu.memory_space<vmem>>, vector<16x128xf32>
    %dot_general3A = arith.constant dense<0.000000e+00> : vector<16x128xf32>
    %dot_general3A_64 = tpu.matmul %convert_element_type3A_60, %add3A_53, %dot_general3A {dimension_numbers = #tpu.dot_dimension_numbers<[0], [0], [1], [1], [0, 1, 1, 1], [], []>, precision = #tpu.contract_precision<fp32>, transpose_lhs_hint = false} : vector<1000x16xf32>, vector<1000x128xf32>, vector<16x128xf32> -> vector<16x128xf32>
    %add3A_65 = arith.addf %get3A_63, %dot_general3A_64 : vector<16x128xf32>
    %swap3A = arith.constant 0 : index
    %swap3A_66 = arith.constant 0 : index
    %swap3A_67 = vector.load %arg11[%swap3A, %swap3A_66] : memref<16x128xf32, #tpu.memory_space<vmem>>, vector<16x128xf32>
    tpu.vector_store %arg11[%swap3A, %swap3A_66], %add3A_65 {strides = array<i32>} : memref<16x128xf32, #tpu.memory_space<vmem>>, vector<16x128xf32>,
    %get3A_68 = arith.constant 0 : index
    %get3A_69 = arith.constant 0 : index
    %get3A_70 = vector.load %arg12[%get3A_68, %get3A_69] : memref<16x128xf32, #tpu.memory_space<vmem>>, vector<16x128xf32>
    %broadcast_in_dim3A_71 = arith.constant 1.000000e+00 : f32
    %broadcast_in_dim3A_72 = vector.broadcast %broadcast_in_dim3A_71 : f32 to vector<1000x128xf32>
    %dot_general3A_73 = arith.constant dense<0.000000e+00> : vector<16x128xf32>
    %dot_general3A_74 = tpu.matmul %convert_element_type3A_60, %broadcast_in_dim3A_72, %dot_general3A_73 {dimension_numbers = #tpu.dot_dimension_numbers<[0], [0], [1], [1], [0, 1, 1, 1], [], []>, transpose_lhs_hint = false} : vector<1000x16xf32>, vector<1000x128xf32>, vector<16x128xf32> -> vector<16x128xf32>
    %add3A_75 = arith.addf %get3A_70, %dot_general3A_74 : vector<16x128xf32>
    %swap3A_76 = arith.constant 0 : index
    %swap3A_77 = arith.constant 0 : index
    %swap3A_78 = vector.load %arg12[%swap3A_76, %swap3A_77] : memref<16x128xf32, #tpu.memory_space<vmem>>, vector<16x128xf32>
    tpu.vector_store %arg12[%swap3A_76, %swap3A_77], %add3A_75 {strides = array<i32>} : memref<16x128xf32, #tpu.memory_space<vmem>>, vector<16x128xf32>,
    %eq3A_79 = arith.constant 9 : i32
    %eq3A_80 = arith.cmpi eq, %arg0, %eq3A_79 : i32
    %convert_element_type3A_81 = arith.extui %eq3A_80 : i1 to i32
    %cond3A_82 = arith.constant 0 : i32
    %cond3A_83 = arith.cmpi ne, %convert_element_type3A_81, %cond3A_82 : i32
    scf.if %cond3A_83 {
      %get3A_84 = arith.constant 0 : index
      %get3A_85 = arith.constant 0 : index
      %get3A_86 = vector.load %arg11[%get3A_84, %get3A_85] : memref<16x128xf32, #tpu.memory_space<vmem>>, vector<16x128xf32>
      %get3A_87 = arith.constant 0 : index
      %get3A_88 = arith.constant 0 : index
      %get3A_89 = vector.load %arg12[%get3A_87, %get3A_88] : memref<16x128xf32, #tpu.memory_space<vmem>>, vector<16x128xf32>
      %max3A = arith.constant 1.000000e+00 : f32
      %max3A_90 = vector.broadcast %max3A : f32 to vector<16x128xf32>
      %max3A_91 = arith.maximumf %get3A_89, %max3A_90 : vector<16x128xf32>
      %div3A_92 = arith.divf %get3A_86, %max3A_91 : vector<16x128xf32>
      %get3A_93 = arith.constant 0 : index
      %get3A_94 = arith.constant 0 : index
      %get3A_95 = vector.load %arg9[%get3A_93, %get3A_94] : memref<128x1xf32, #tpu.memory_space<vmem>>, vector<128x1xf32>
      %dot_general3A_96 = arith.constant dense<0.000000e+00> : vector<16x1xf32>
      %dot_general3A_97 = tpu.matmul %div3A_92, %get3A_95, %dot_general3A_96 {dimension_numbers = #tpu.dot_dimension_numbers<[1], [0], [0], [1], [0, 0, 1, 1], [], []>, transpose_lhs_hint = false} : vector<16x128xf32>, vector<128x1xf32>, vector<16x1xf32> -> vector<16x1xf32>
      %get3A_98 = arith.constant 0 : index
      %get3A_99 = arith.constant 0 : index
      %get3A_100 = vector.load %arg10[%get3A_98, %get3A_99] : memref<1x1xf32, #tpu.memory_space<vmem>>, vector<1x1xf32>
      %add3A_101 = vector.broadcast %get3A_100 : vector<1x1xf32> to vector<16x1xf32>
      %add3A_102 = arith.addf %dot_general3A_97, %add3A_101 : vector<16x1xf32>
      %swap3A_103 = arith.constant 0 : index
      %swap3A_104 = arith.constant 0 : index
      %swap3A_105 = vector.load %arg13[%swap3A_103, %swap3A_104] : memref<16x1xf32, #tpu.memory_space<vmem>>, vector<16x1xf32>
      tpu.vector_store %arg13[%swap3A_103, %swap3A_104], %add3A_102 {strides = array<i32>} : memref<16x1xf32, #tpu.memory_space<vmem>>, vector<16x1xf32>,
    } else {
    }
    return
  }
  func.func @transform_0(%arg0: i32) -> (i32, i32, i32) {
    %c0_i32 = arith.constant 0 : i32
    %c0_i32_0 = arith.constant 0 : i32
    %c0_i32_1 = arith.constant 0 : i32
    return %c0_i32, %arg0, %c0_i32_0 : i32, i32, i32
  }
  func.func @transform_1(%arg0: i32) -> (i32, i32) {
    %c0_i32 = arith.constant 0 : i32
    %c0_i32_0 = arith.constant 0 : i32
    return %arg0, %c0_i32 : i32, i32
  }
  func.func @transform_2(%arg0: i32) -> (i32, i32) {
    %c0_i32 = arith.constant 0 : i32
    %c0_i32_0 = arith.constant 0 : i32
    return %arg0, %c0_i32 : i32, i32
  }
  func.func @transform_3(%arg0: i32) -> (i32, i32) {
    %c0_i32 = arith.constant 0 : i32
    %c0_i32_0 = arith.constant 0 : i32
    %c0_i32_1 = arith.constant 0 : i32
    return %c0_i32, %c0_i32_0 : i32, i32
  }
  func.func @transform_4(%arg0: i32) -> (i32, i32) {
    %c0_i32 = arith.constant 0 : i32
    %c0_i32_0 = arith.constant 0 : i32
    %c0_i32_1 = arith.constant 0 : i32
    return %c0_i32, %c0_i32_0 : i32, i32
  }
  func.func @transform_5(%arg0: i32) -> (i32, i32) {
    %c0_i32 = arith.constant 0 : i32
    %c0_i32_0 = arith.constant 0 : i32
    %c0_i32_1 = arith.constant 0 : i32
    return %c0_i32, %c0_i32_0 : i32, i32
  }
  func.func @transform_6(%arg0: i32) -> (i32, i32) {
    %c0_i32 = arith.constant 0 : i32
    %c0_i32_0 = arith.constant 0 : i32
    return %arg0, %c0_i32 : i32, i32
  }
  func.func @transform_7(%arg0: i32) -> (i32, i32) {
    %c0_i32 = arith.constant 0 : i32
    %c0_i32_0 = arith.constant 0 : i32
    return %arg0, %c0_i32 : i32, i32
  }
  func.func @transform_8(%arg0: i32) -> (i32, i32) {
    %c0_i32 = arith.constant 0 : i32
    %c0_i32_0 = arith.constant 0 : i32
    %c0_i32_1 = arith.constant 0 : i32
    return %c0_i32, %c0_i32_0 : i32, i32
  }
  func.func @transform_9(%arg0: i32) -> (i32, i32) {
    %c0_i32 = arith.constant 0 : i32
    %c0_i32_0 = arith.constant 0 : i32
    %c0_i32_1 = arith.constant 0 : i32
    return %c0_i32, %c0_i32_0 : i32, i32
  }
  func.func @transform_10(%arg0: i32) -> (i32, i32) {
    %c0_i32 = arith.constant 0 : i32
    %c0_i32_0 = arith.constant 0 : i32
    %c0_i32_1 = arith.constant 0 : i32
    return %c0_i32, %c0_i32_0 : i32, i32
  }
  func.func @transform_11(%arg0: i32) -> (i32, i32) {
    %c0_i32 = arith.constant 0 : i32
    %c0_i32_0 = arith.constant 0 : i32
    %c0_i32_1 = arith.constant 0 : i32
    return %c0_i32, %c0_i32_0 : i32, i32
  }
  func.func @transform_12(%arg0: i32) -> (i32, i32) {
    %c0_i32 = arith.constant 0 : i32
    %c0_i32_0 = arith.constant 0 : i32
    %c0_i32_1 = arith.constant 0 : i32
    return %c0_i32, %c0_i32_0 : i32, i32
  }
}

</mosaic_0001>

<sc_bundles>
// kernel: kernel.10.cloned.1.call-start
scs
__scs_entry_jumppad:
0x0: {  	(pc) =	sbr.rel $0x88, $3  }
0x1: {  	(tag) =	ssettag $0x0;
	lr =	simm.s32 $0x1  }
0x2: {  	[smem:$0x3F90] =	sst lr;
	_ =	strace $0xD0000000  }
0x3: {  	_ = 	snop  }
0x4: {  	_ = 	snop  }
0x5: {  	_ = 	snop  }
0x6: {  	_ = 	snop  }
0x7: {  	_ = 	snop  }
__scs_overlays_trampoline_lowered:
0x8: {  	[smem:$0x3F9F] =	sst s0  }
0x9: {  	[smem:$0x3FA0] =	sst s1  }
0xa: {  	[smem:$0x3FA1] =	sst s2  }
0xb: {  	[smem:$0x3FA2] =	sst s3  }
0xc: {  	[smem:$0x3FA3] =	sst s4  }
0xd: {  	[smem:$0x3FA4] =	sst s5  }
0xe: {  	[smem:$0x3FA5] =	sst s6  }
0xf: {  	[smem:$0x3FA6] =	sst s7  }
0x10: {  	[smem:$0x3FA7] =	sst s8  }
0x11: {  	[smem:$0x3FA8] =	sst s9;
	s0 =	simm.s32 @!p0 $0x0  }
0x12: {  	s1 =	sld [smem:$0x3F8E];
	s0 =	simm.s32 @p0 $0x1  }
0x13: {  	[smem:$0x3FA9] =	sst s0;
	s0 =	simm.s32 @!p1 $0x0  }
0x14: {  	s2 =	sld [smem:$0x3F8D];
	s0 =	simm.s32 @p1 $0x1  }
0x15: {  	[smem:$0x3FAA] =	sst s0;
	s0 =	simm.s32 @!p2 $0x0  }
0x16: {  	s3 =	sld [smem:$0x3FDB];
	s0 =	simm.s32 @p2 $0x1  }
0x17: {  	s4 =	simm.s32 $0x1BF5;
	[smem:$0x3FAC] =	sst s0  }
0x18: {  	s0 =	sld [smem:$0x3F8F];
	_ =	swait.ge [sflag:s4], $0x0  }
0x19: {  	s7 =	sld [smem:$0x3F90]  }
0x1a: {  	s8 =	sadd.s32 $0xFFFFE003, lr  }
0x1b: {  	s9 =	sadd.s32 $0xFFFFFEF7, lr;
	s5 =	simm.s32 $0xFFFFFFFF;
	p2 =	slt.u32 s8, $0xFFFFF086  }
0x1c: {  	p1 =	slt.u32 s9, $0xF7A;
	s5 =	simm.s32 @!p2 $0x0  }
0x1d: {  	s5 =	simm.s32 @p1 $0x1;
	p0 =	seq.s32 s7, s2  }
0x1e: {  	s7 =	smul.u32 @!p0 $0xF7A, s2;
	p2 =	seq.s32 @!p0 s5, $0x0  }
0x1f: {  	s9 =	smul.u32 $0xF7A, s1;
	s8 =	simm.s32 @!p0 $0x1BF5;
	p2 =	por !p2, p0  }
0x20: {  	[sflag:s8] =	ssyncset.s32 @!p0 $0xFFFFF086;
	s6 =	sadd.s32 @!p0 s3, s7;
	s7 =	simm.s32 @!p0 $0x108  }
0x21: {  	s3 =	sadd.s32 s3, s9;
	s6 =	sadd.s32 @!p0 $0x88, s6;
	s7 =	simm.s32 @p2 $0x1082  }
0x22: {  	[simem:s7], [sflag:s8] =	dma.local @!p0 [hbm:s6], $0xF7A  }
0x23: {  	s9 =	sor.u32 $0xD0000000, s2;
	s6 =	simm.s32 $0x108;
	_ =	swait.ge @!p0 [sflag:s8], $0x0  }
0x24: {  	s3 =	sadd.s32 $0x88, s3;
	s6 =	simm.s32 @!p1 $0x1082;
	[sflag:s4] =	ssyncset.s32 $0xFFFFF086  }
0x25: {  	[simem:s6], [sflag:s4] =	dma.local [hbm:s3], $0xF7A  }
0x26: {  	[smem:$0x3F90] =	sst s1;
	(tag) =	ssettag s2;
	_ =	strace s9  }
0x27: {  	s1 =	sld [smem:$0x3FA0]  }
0x28: {  	s2 =	sld [smem:$0x3FA1]  }
0x29: {  	s4 =	sld [smem:$0x3FA3]  }
0x2a: {  	p0 =	seq.s32 s5, $0x0;
	s5 =	sld [smem:$0x3FA4]  }
0x2b: {  	s6 =	sld [smem:$0x3FA5]  }
0x2c: {  	s7 =	sld [smem:$0x3FA6]  }
0x2d: {  	s3 =	simm.s32 $0x108;
	s8 =	sld [smem:$0x3FA7]  }
0x2e: {  	s3 =	simm.s32 @!p0 $0x1082;
	s9 =	sld [smem:$0x3FA8]  }
0x2f: {  	lr =	sadd.s32 s0, s3;
	s0 =	sld [smem:$0x3F9F]  }
0x30: {  	s3 =	sld [smem:$0x3FA2]  }
0x31: {  	[smem:$0x3FAB] =	sst s10  }
0x32: {  	s10 =	sld [smem:$0x3FA9];
	_ =	sdelay $0x3  }
0x33: {  	p0 =	seq.s32 s10, $0x1;
	s10 =	sld [smem:$0x3FAB];
	_ =	sdelay $0x3  }
0x34: {  	[smem:$0x3FAB] =	sst s10  }
0x35: {  	s10 =	sld [smem:$0x3FAA];
	_ =	sdelay $0x3  }
0x36: {  	p1 =	seq.s32 s10, $0x1;
	s10 =	sld [smem:$0x3FAB];
	_ =	sdelay $0x3  }
0x37: {  	[smem:$0x3FAB] =	sst s10  }
0x38: {  	s10 =	sld [smem:$0x3FAC]  }
0x39: {  	_ = 	snop;
	(pc) =	sbr.ind lr, $3  }
0x3a: {  	_ = 	snop  }
0x3b: {  	_ = 	snop  }
0x3c: {  	p2 =	seq.s32 s10, $0x1;
	s10 =	sld [smem:$0x3FAB]  }
0x3d: {  	_ =	shalt  }
0x3e: {  	_ =	shalt  }
0x3f: {  	_ =	shalt  }
0x40: {  	_ =	shalt  }
0x41: {  	_ =	shalt  }
0x42: {  	_ =	shalt  }
0x43: {  	_ =	shalt  }
0x44: {  	_ =	shalt  }
0x45: {  	_ =	shalt  }
0x46: {  	_ =	shalt  }
0x47: {  	_ =	shalt  }
0x48: {  	_ =	shalt  }
0x49: {  	_ =	shalt  }
0x4a: {  	_ =	shalt  }
0x4b: {  	_ =	shalt  }
0x4c: {  	_ =	shalt  }
0x4d: {  	_ =	shalt  }
0x4e: {  	_ =	shalt  }
0x4f: {  	_ =	shalt  }
0x50: {  	_ =	shalt  }
0x51: {  	_ =	shalt  }
0x52: {  	_ =	shalt  }
0x53: {  	_ =	shalt  }
0x54: {  	_ =	shalt  }
0x55: {  	_ =	shalt  }
0x56: {  	_ =	shalt  }
0x57: {  	_ =	shalt  }
0x58: {  	_ =	shalt  }
0x59: {  	_ =	shalt  }
0x5a: {  	_ =	shalt  }
0x5b: {  	_ =	shalt  }
0x5c: {  	_ =	shalt  }
0x5d: {  	_ =	shalt  }
0x5e: {  	_ =	shalt  }
0x5f: {  	_ =	shalt  }
0x60: {  	_ =	shalt  }
0x61: {  	_ =	shalt  }
0x62: {  	_ =	shalt  }
0x63: {  	_ =	shalt  }
0x64: {  	_ =	shalt  }
0x65: {  	_ =	shalt  }
0x66: {  	_ =	shalt  }
0x67: {  	_ =	shalt  }
0x68: {  	_ =	shalt  }
0x69: {  	_ =	shalt  }
0x6a: {  	_ =	shalt  }
0x6b: {  	_ =	shalt  }
0x6c: {  	_ =	shalt  }
0x6d: {  	_ =	shalt  }
0x6e: {  	_ =	shalt  }
0x6f: {  	_ =	shalt  }
0x70: {  	_ =	shalt  }
0x71: {  	_ =	shalt  }
0x72: {  	_ =	shalt  }
0x73: {  	_ =	shalt  }
0x74: {  	_ =	shalt  }
0x75: {  	_ =	shalt  }
0x76: {  	_ =	shalt  }
0x77: {  	_ =	shalt  }
0x78: {  	_ =	shalt  }
0x79: {  	_ =	shalt  }
0x7a: {  	_ =	shalt  }
0x7b: {  	_ =	shalt  }
0x7c: {  	_ =	shalt  }
0x7d: {  	_ =	shalt  }
0x7e: {  	_ =	shalt  }
0x7f: {  	_ =	shalt  }
0x80: {  	_ =	shalt  }
0x81: {  	_ =	shalt  }
0x82: {  	_ =	shalt  }
0x83: {  	_ =	shalt  }
0x84: {  	_ =	shalt  }
0x85: {  	_ =	shalt  }
0x86: {  	_ =	shalt  }
0x87: {  	_ =	shalt  }
.Lfunc_end0:
.L_simem_size_0:
called_computation_lowered:
.L_overlay_start_0:
0x88: {  	s2 =	sld [smem:$0x3FD9]  }
0x89: {  	s3 =	sld [smem:$0x3FFE];
	_ =	sdelay $0x1  }
0x8a: {  	s1 =	srdreg.scid  }
0x8b: {  	s0 =	sand.u32 $0x1, s1  }
0x8c: {  	s16 =	sshll.u32 s0, $0xA;
	s2 =	sadd.s32 s3, s2  }
0x8d: {  	s2 =	sadd.s32 s2, s16  }
0x8e: {  	[smem:$0x3FB7] =	sst s2  }
0x8f: {  	_ = 	snop  }
0x90: {  	(tm) =	ssettm $0x1  }
0x91: {  	s17 =	sld [smem:$0x3FFB];
	_ =	sdelay $0x3  }
0x92: {  	_ =	strace s17  }
0x93: {  	s2 =	sld [smem:$0x3FFC];
	_ =	sdelay $0x3  }
0x94: {  	_ =	strace s2  }
0x95: {  	s2 =	sld [smem:$0x3FFD];
	_ =	sdelay $0x3  }
0x96: {  	_ =	strace s2  }
0x97: {  	_ =	strace $0x8FFFFFFF  }
0x98: {  	s18 =	sld [smem:$0x3FDB];
	_ =	sdelay $0x1  }
0x99: {  	s19 =	simm.s32 $_scs_section_size  }
0x9a: {  	s4 =	simm.s32 $_size__tile_overlayer_lowered;
	s5 =	simm.s32 $_tile_overlayer_lowered  }
0x9b: {  	s22 =	simm.s32 $0x1BFF;
	s21 =	sshll.u32 s5, $0x1;
	s2 =	sadd.s32 s19, s18  }
0x9c: {  	s6 =	simm.s32 $0x0;
	s20 =	sshll.u32 s4, $0x1;
	s4 =	sadd.s32 s21, s2  }
0x9d: {  	[timem:s6], [sflag:s22] =	dma.local [hbm:s4], s20  }
0x9e: {  	_ =	swait.ge [sflag:s22], s20  }
0x9f: {  	s3 =	ssub.s32 $0x0, s20;
	[sflag:s22] =	ssyncset.done $0x0  }
0xa0: {  	[sflag:s22] =	ssyncadd.s32 s3;
	_ =	sdelay $0x1  }
0xa1: {  	s23 =	simm.s32 $0x1B8B  }
0xa2: {  	_ =	swait.ge [sflag:s23], $0x1  }
0xa3: {  	[sflag:s23] =	ssyncset.done $0x0  }
0xa4: {  	s25 =	simm.s32 $0x1B8E;
	s24 =	sld [smem:$0x3FFE];
	[sflag:s23] =	ssyncadd.s32 $0xFFFFFFFF  }
0xa5: {  	s26 =	simm.s32 $execute0_lowered;
	[smem:$0x3FD2] =	sst s25  }
0xa6: {  	s4 =	sshll.u32 s26, $0x1;
	_ =	strace $0x80000046;
	[dreg:$0x1] =	wrdreg $0xFFFFFFFF  }
0xa7: {  	s28 =	simm.s32 $_size_execute0_lowered;
	s2 =	sadd.s32 s2, s4;
	[dreg:$0x0] =	wrdreg $0x0  }
0xa8: {  	s4 =	sshll.u32 s28, $0x1;
	[dreg:$0x2] =	wrdreg s2  }
0xa9: {  	[dreg:$0x3] =	wrdreg s4  }
0xaa: {  	[dreg:$0x4] =	wrdreg $0xC0  }
0xab: {  	_ =	task [dreg:s6], $0x5FFFF  }
0xac: {  	[dreg:$0x1] =	wrdreg $0xFFFFFFFF  }
0xad: {  	[dreg:$0x0] =	wrdreg $0x60  }
0xae: {  	[dreg:$0x2] =	wrdreg s24  }
0xaf: {  	[dreg:$0x3] =	wrdreg $0x2C100  }
0xb0: {  	[dreg:$0x4] =	wrdreg $0x9  }
0xb1: {  	_ =	task.clear_ibuf [dreg:s6], $0x5FFFF;
	_ =	strace $0x90000046  }
0xb2: {  	s29 =	simm.s32 $0x9;
	_ =	strace $0x80000048  }
0xb3: {  	_ =	swait.ge [sflag:s29], $0x1  }
0xb4: {  	[sflag:s29] =	ssyncadd.s32 $0xFFFFFFFF  }
0xb5: {  	_ =	strace $0x90000048  }
0xb6: {  	_ =	sfence  }
0xb7: {  	s30 =	sld [smem:$0x0];
	_ =	sdelay $0x2  }
0xb8: {  	s31 =	sshll.u32 s1, $0xD;
	s1 =	sshrl.u32 s1, $0x2  }
0xb9: {  	s3 =	sand.u32 $0x4000, s31;
	s1 =	sadd.s32 s1, s30  }
0xba: {  	s0 =	sor.u32 s3, s0;
	s1 =	sshll.u32 s1, $0x11  }
0xbb: {  	s0 =	sor.u32 s1, s0  }
0xbc: {  	s0 =	sadd.s32 $0x8F2B, s0  }
0xbd: {  	[sflag:s0] =	ssyncadd.remote.s32 $0x1  }
0xbe: {  	_ =	sfence.sel $0xFFFF  }
0xbf: {  	[dreg:$0x0] =	wrdreg $0xFFFFFFFF;
	(pc) =	sbr.abs _section_cstart, $3  }
0xc0: {  	[dreg:$0x1] =	wrdreg $0xFFFFFFFF  }
0xc1: {  	_ =	task.clear_ibuf [dreg:s6], $0x2FFFF;
	_ =	strace $0x9FFFFFFF  }
0xc2: {  	(tm) =	ssettm $0x7FFFFFFF  }
0xc3: {  	_ =	shalt  }
tec
execute0_lowered:
.L_overlay_start_1:
0x0: {  	(tag) =	ssettag $0x1  }
0x1: {  	s0 =	srdreg.scid;
	s6 =	rddreg [dreg:$0x0]  }
0x2: {  	s2 =	rddreg [dreg:$0x1];
	s3 =	simm.s32 $0x0;
	s12 =	simm.s32 $0x2710  }
0x3: {  	s13 =	simm.s32 $0x50;
	s4 =	sand.u32 $0x1, s0;
	s0 =	stileid.u32  }
0x4: {  	s14 =	simm.s32 $0x1;
	s15 =	simm.s32 $0x0;
	s7 =	smul.u32 $0x2700, s0  }
0x5: {  	[smem:$0x7FF] =	sst s3;
	s1 =	sshll.u32 s4, $0x4;
	s8 =	smul.u32 $0x27100, s4  }
0x6: {  	s29 =	ssub.s32 $0x2, s4;
	s4 =	sadd.s32 $0x18400, s6;
	s1 =	sor.u32 s0, s1  }
0x7: {  	s31 =	sshll.u32 s0, $0x6;
	s11 =	sshrl.u32 s29, $0x1;
	s5 =	smul.u32 $0x4E2, s1  }
0x8: {  	s1 =	rddreg [dreg:$0x2];
	_ =	strace $0x80000047;
	s28 =	sadd.s32 s7, s8  }
0x9: {  	s8 =	ssub.s32 s29, s11;
	s30 =	sadd.s32 s7, s2;
	s10 =	sshrl.u32 s28, $0x3  }
0xa: {  	s8 =	smax.u32 s8, $0x1;
	s11 =	sshrl.u32 s30, $0x3;
	s9 =	sadd.s32 s5, s6  }
0xb: {  	s5 =	sadd.s32 $0x17E00, s6;
	s10 =	sadd.s32 s10, s6;
	s6 =	sadd.s32 $0xE000, s9  }
0xc: {  	s7 =	sadd.s32 $0x18600, s10;
	s9 =	simm.s32 $0x2;
	s10 =	sor.u32 $0x1C02, s31  }
.LBB2_1:
0xd: {  	[tilespmem:s3], [sflag:$0x2] =	stream.linear.gather [hbm4b:s6+s3], $0x2710, $0x38;
	[tilespmem:$0x5320] =	vst v63  }
0xe: {  	_ =	swait.ge [sflag:s9], $0x2710  }
0xf: {  	[sflag:s9] =	ssyncset.done $0x0  }
0x10: {  	[sflag:s9] =	ssyncadd.s32 $0xFFFFD8F0  }
0x11: {  	[spmem:s11], [sflag:s10] =	dma.local [hbm:s5], $0x500  }
0x12: {  	_ =	swait.ge [sflag:s9], $0x500  }
0x13: {  	[sflag:s9] =	ssyncset.done $0x0  }
0x14: {  	[sflag:s9] =	ssyncadd.s32 $0xFFFFFB00  }
0x15: {  	[tilespmem:s12], [sflag:$0x2] =	stream.linear.gather [hbm4b:s4+s3], $0x500, $0x38;
	[tilespmem:$0x5320] =	vst v63  }
0x16: {  	_ =	swait.ge [sflag:s9], $0x500  }
0x17: {  	[sflag:s9] =	ssyncset.done $0x0  }
0x18: {  	[sflag:s9] =	ssyncadd.s32 $0xFFFFFB00  }
0x19: {  	s16 =	simm.s32 $0x0;
	[bflag:$0x0] =	sbarrier.arrive $0xFFFF  }
.LBB2_2:
0x1a: {  	p0 =	sne.s32 s16, $0x9B00  }
.Ltmp0:
0x1b: {  	_ = 	snop;
	(pc) =	sbr.rel @p0 .LBB2_2-.Ltmp0, $3  }
0x1c: {  	_ =	sdelay $0x1  }
0x1d: {  	s17 =	sshra.s32 s16, $0x2;
	s16 =	sadd.s32 $0x140, s16  }
0x1e: {  	[spmem:s2] =	stream.indirect.scatter.add.f32 [tilespmem:s12], [sflag:$0x1], $0x10, s17, s13, $0xb8;
	[tilespmem:$0x5320] =	vst v63  }
0x1f: {  	_ =	swait.ge [sflag:s14], $0x500  }
0x20: {  	s16 =	simm.s32 $0x7C;
	[sflag:s14] =	ssyncset.done $0x0  }
.LBB2_4:
0x21: {  	p0 =	sne.s32 s16, $0x1;
	s16 =	sadd.s32 $0xFFFFFFFF, s16;
	[sflag:s14] =	ssyncadd.s32 $0xFFFFFB00  }
.Ltmp1:
0x22: {  	(pc) =	sbr.rel @p0 .LBB2_4-.Ltmp1, $3  }
0x23: {  	_ =	sdelay $0x1  }
0x24: {  	_ =	swait.ge [sflag:s14], $0x500  }
0x25: {  	[sflag:s14] =	ssyncset.done $0x0  }
0x26: {  	s15 =	sadd.s32 $0x1, s15  }
0x27: {  	[sflag:s14] =	ssyncadd.s32 $0xFFFFFB00;
	p0 =	sne.s32 s15, s8  }
.Ltmp2:
0x28: {  	[bflag:$0x0] =	sbarrier.arrive $0xFFFF;
	(pc) =	sbr.rel @p0 .LBB2_1-.Ltmp2, $4  }
0x29: {  	[hbm:s7], [sflag:s10] =	dma.local [spmem:s11], $0x500  }
0x2a: {  	_ =	swait.ge [sflag:s9], $0x500  }
0x2b: {  	[sflag:s9] =	ssyncset.done $0x0  }
0x2c: {  	[sflag:s9] =	ssyncadd.s32 $0xFFFFFB00  }
0x2d: {  	_ =	sfence.sel $0x180000  }
0x2e: {  	[bflag:$0x0] =	sbarrier.arrive $0xFFFF  }
0x2f: {  	p0 =	sne.s32 s0, $0x0;
	_ =	strace $0x90000047  }
0x30: {  	s0 =	sadd.s32 @!p0 $0x100000, s1;
	[bflag:$0x2] =	sbarrier.arrive $0xFFFF  }
0x31: {  	[sflag:s0] =	ssyncadd.tile.s32 @!p0 $0x1;
	_ =	shalt  }
.Lfunc_end2:
_tile_overlayer_lowered:
.L_overlay_start_2:
0x32: {  	(tag) =	ssettag $0x2  }
0x33: {  	s0 =	rddreg [dreg:$0x0];
	s2 =	stileid.u32  }
0x34: {  	s1 =	rddreg [dreg:$0x1];
	p0 =	sne.s32 s2, $0x0  }
0x35: {  	s3 =	rddreg [dreg:$0x2];
	[bflag:$0x3] =	sbarrier.arrive $0xFFFF;
	s2 =	simm.s32 @!p0 $0x1C02  }
0x36: {  	[timem:s3], [sflag:s2] =	dma.local @!p0 [hbm:s0], s1  }
0x37: {  	s0 =	simm.s32 @!p0 $0x2  }
0x38: {  	_ =	swait.ge @!p0 [sflag:s0], s1  }
0x39: {  	s1 =	ssub.s32 @!p0 $0x0, s1;
	[sflag:s0] =	ssyncset.done @!p0 $0x0  }
0x3a: {  	[sflag:s0] =	ssyncadd.s32 @!p0 s1  }
0x3b: {  	[bflag:$0x3] =	sbarrier.arrive $0xFFFF  }
0x3c: {  	_ =	shalt  }

// kernel: kernel.13.cloned.1.call-start
scs
__scs_entry_jumppad:
0x0: {  	(pc) =	sbr.rel $0x88, $3  }
0x1: {  	(tag) =	ssettag $0x0;
	lr =	simm.s32 $0x1  }
0x2: {  	[smem:$0x3F90] =	sst lr;
	_ =	strace $0xD0000000  }
0x3: {  	_ = 	snop  }
0x4: {  	_ = 	snop  }
0x5: {  	_ = 	snop  }
0x6: {  	_ = 	snop  }
0x7: {  	_ = 	snop  }
__scs_overlays_trampoline_lowered:
0x8: {  	[smem:$0x3F9F] =	sst s0  }
0x9: {  	[smem:$0x3FA0] =	sst s1  }
0xa: {  	[smem:$0x3FA1] =	sst s2  }
0xb: {  	[smem:$0x3FA2] =	sst s3  }
0xc: {  	[smem:$0x3FA3] =	sst s4  }
0xd: {  	[smem:$0x3FA4] =	sst s5  }
0xe: {  	[smem:$0x3FA5] =	sst s6  }
0xf: {  	[smem:$0x3FA6] =	sst s7  }
0x10: {  	[smem:$0x3FA7] =	sst s8  }
0x11: {  	[smem:$0x3FA8] =	sst s9;
	s0 =	simm.s32 @!p0 $0x0  }
0x12: {  	s1 =	sld [smem:$0x3F8E];
	s0 =	simm.s32 @p0 $0x1  }
0x13: {  	[smem:$0x3FA9] =	sst s0;
	s0 =	simm.s32 @!p1 $0x0  }
0x14: {  	s2 =	sld [smem:$0x3F8D];
	s0 =	simm.s32 @p1 $0x1  }
0x15: {  	[smem:$0x3FAA] =	sst s0;
	s0 =	simm.s32 @!p2 $0x0  }
0x16: {  	s3 =	sld [smem:$0x3FDB];
	s0 =	simm.s32 @p2 $0x1  }
0x17: {  	s4 =	simm.s32 $0x1BF5;
	[smem:$0x3FAC] =	sst s0  }
0x18: {  	s0 =	sld [smem:$0x3F8F];
	_ =	swait.ge [sflag:s4], $0x0  }
0x19: {  	s7 =	sld [smem:$0x3F90]  }
0x1a: {  	s8 =	sadd.s32 $0xFFFFE003, lr  }
0x1b: {  	s9 =	sadd.s32 $0xFFFFFEF7, lr;
	s5 =	simm.s32 $0xFFFFFFFF;
	p2 =	slt.u32 s8, $0xFFFFF086  }
0x1c: {  	p1 =	slt.u32 s9, $0xF7A;
	s5 =	simm.s32 @!p2 $0x0  }
0x1d: {  	s5 =	simm.s32 @p1 $0x1;
	p0 =	seq.s32 s7, s2  }
0x1e: {  	s7 =	smul.u32 @!p0 $0xF7A, s2;
	p2 =	seq.s32 @!p0 s5, $0x0  }
0x1f: {  	s9 =	smul.u32 $0xF7A, s1;
	s8 =	simm.s32 @!p0 $0x1BF5;
	p2 =	por !p2, p0  }
0x20: {  	[sflag:s8] =	ssyncset.s32 @!p0 $0xFFFFF086;
	s6 =	sadd.s32 @!p0 s3, s7;
	s7 =	simm.s32 @!p0 $0x108  }
0x21: {  	s3 =	sadd.s32 s3, s9;
	s6 =	sadd.s32 @!p0 $0x88, s6;
	s7 =	simm.s32 @p2 $0x1082  }
0x22: {  	[simem:s7], [sflag:s8] =	dma.local @!p0 [hbm:s6], $0xF7A  }
0x23: {  	s9 =	sor.u32 $0xD0000000, s2;
	s6 =	simm.s32 $0x108;
	_ =	swait.ge @!p0 [sflag:s8], $0x0  }
0x24: {  	s3 =	sadd.s32 $0x88, s3;
	s6 =	simm.s32 @!p1 $0x1082;
	[sflag:s4] =	ssyncset.s32 $0xFFFFF086  }
0x25: {  	[simem:s6], [sflag:s4] =	dma.local [hbm:s3], $0xF7A  }
0x26: {  	[smem:$0x3F90] =	sst s1;
	(tag) =	ssettag s2;
	_ =	strace s9  }
0x27: {  	s1 =	sld [smem:$0x3FA0]  }
0x28: {  	s2 =	sld [smem:$0x3FA1]  }
0x29: {  	s4 =	sld [smem:$0x3FA3]  }
0x2a: {  	p0 =	seq.s32 s5, $0x0;
	s5 =	sld [smem:$0x3FA4]  }
0x2b: {  	s6 =	sld [smem:$0x3FA5]  }
0x2c: {  	s7 =	sld [smem:$0x3FA6]  }
0x2d: {  	s3 =	simm.s32 $0x108;
	s8 =	sld [smem:$0x3FA7]  }
0x2e: {  	s3 =	simm.s32 @!p0 $0x1082;
	s9 =	sld [smem:$0x3FA8]  }
0x2f: {  	lr =	sadd.s32 s0, s3;
	s0 =	sld [smem:$0x3F9F]  }
0x30: {  	s3 =	sld [smem:$0x3FA2]  }
0x31: {  	[smem:$0x3FAB] =	sst s10  }
0x32: {  	s10 =	sld [smem:$0x3FA9];
	_ =	sdelay $0x3  }
0x33: {  	p0 =	seq.s32 s10, $0x1;
	s10 =	sld [smem:$0x3FAB];
	_ =	sdelay $0x3  }
0x34: {  	[smem:$0x3FAB] =	sst s10  }
0x35: {  	s10 =	sld [smem:$0x3FAA];
	_ =	sdelay $0x3  }
0x36: {  	p1 =	seq.s32 s10, $0x1;
	s10 =	sld [smem:$0x3FAB];
	_ =	sdelay $0x3  }
0x37: {  	[smem:$0x3FAB] =	sst s10  }
0x38: {  	s10 =	sld [smem:$0x3FAC]  }
0x39: {  	_ = 	snop;
	(pc) =	sbr.ind lr, $3  }
0x3a: {  	_ = 	snop  }
0x3b: {  	_ = 	snop  }
0x3c: {  	p2 =	seq.s32 s10, $0x1;
	s10 =	sld [smem:$0x3FAB]  }
0x3d: {  	_ =	shalt  }
0x3e: {  	_ =	shalt  }
0x3f: {  	_ =	shalt  }
0x40: {  	_ =	shalt  }
0x41: {  	_ =	shalt  }
0x42: {  	_ =	shalt  }
0x43: {  	_ =	shalt  }
0x44: {  	_ =	shalt  }
0x45: {  	_ =	shalt  }
0x46: {  	_ =	shalt  }
0x47: {  	_ =	shalt  }
0x48: {  	_ =	shalt  }
0x49: {  	_ =	shalt  }
0x4a: {  	_ =	shalt  }
0x4b: {  	_ =	shalt  }
0x4c: {  	_ =	shalt  }
0x4d: {  	_ =	shalt  }
0x4e: {  	_ =	shalt  }
0x4f: {  	_ =	shalt  }
0x50: {  	_ =	shalt  }
0x51: {  	_ =	shalt  }
0x52: {  	_ =	shalt  }
0x53: {  	_ =	shalt  }
0x54: {  	_ =	shalt  }
0x55: {  	_ =	shalt  }
0x56: {  	_ =	shalt  }
0x57: {  	_ =	shalt  }
0x58: {  	_ =	shalt  }
0x59: {  	_ =	shalt  }
0x5a: {  	_ =	shalt  }
0x5b: {  	_ =	shalt  }
0x5c: {  	_ =	shalt  }
0x5d: {  	_ =	shalt  }
0x5e: {  	_ =	shalt  }
0x5f: {  	_ =	shalt  }
0x60: {  	_ =	shalt  }
0x61: {  	_ =	shalt  }
0x62: {  	_ =	shalt  }
0x63: {  	_ =	shalt  }
0x64: {  	_ =	shalt  }
0x65: {  	_ =	shalt  }
0x66: {  	_ =	shalt  }
0x67: {  	_ =	shalt  }
0x68: {  	_ =	shalt  }
0x69: {  	_ =	shalt  }
0x6a: {  	_ =	shalt  }
0x6b: {  	_ =	shalt  }
0x6c: {  	_ =	shalt  }
0x6d: {  	_ =	shalt  }
0x6e: {  	_ =	shalt  }
0x6f: {  	_ =	shalt  }
0x70: {  	_ =	shalt  }
0x71: {  	_ =	shalt  }
0x72: {  	_ =	shalt  }
0x73: {  	_ =	shalt  }
0x74: {  	_ =	shalt  }
0x75: {  	_ =	shalt  }
0x76: {  	_ =	shalt  }
0x77: {  	_ =	shalt  }
0x78: {  	_ =	shalt  }
0x79: {  	_ =	shalt  }
0x7a: {  	_ =	shalt  }
0x7b: {  	_ =	shalt  }
0x7c: {  	_ =	shalt  }
0x7d: {  	_ =	shalt  }
0x7e: {  	_ =	shalt  }
0x7f: {  	_ =	shalt  }
0x80: {  	_ =	shalt  }
0x81: {  	_ =	shalt  }
0x82: {  	_ =	shalt  }
0x83: {  	_ =	shalt  }
0x84: {  	_ =	shalt  }
0x85: {  	_ =	shalt  }
0x86: {  	_ =	shalt  }
0x87: {  	_ =	shalt  }
.Lfunc_end0:
.L_simem_size_0:
called_computation.1_lowered:
.L_overlay_start_0:
0x88: {  	s2 =	sld [smem:$0x3FD9]  }
0x89: {  	s3 =	sld [smem:$0x3FFE];
	_ =	sdelay $0x1  }
0x8a: {  	s1 =	srdreg.scid  }
0x8b: {  	s0 =	sand.u32 $0x1, s1  }
0x8c: {  	s16 =	sshll.u32 s0, $0xA;
	s2 =	sadd.s32 s3, s2  }
0x8d: {  	s2 =	sadd.s32 s2, s16  }
0x8e: {  	[smem:$0x3FB7] =	sst s2  }
0x8f: {  	_ = 	snop  }
0x90: {  	(tm) =	ssettm $0x1  }
0x91: {  	s17 =	sld [smem:$0x3FFB];
	_ =	sdelay $0x3  }
0x92: {  	_ =	strace s17  }
0x93: {  	s2 =	sld [smem:$0x3FFC];
	_ =	sdelay $0x3  }
0x94: {  	_ =	strace s2  }
0x95: {  	s2 =	sld [smem:$0x3FFD];
	_ =	sdelay $0x3  }
0x96: {  	_ =	strace s2  }
0x97: {  	_ =	strace $0x8FFFFFFF  }
0x98: {  	s18 =	sld [smem:$0x3FDB];
	_ =	sdelay $0x1  }
0x99: {  	s19 =	simm.s32 $_scs_section_size  }
0x9a: {  	s4 =	simm.s32 $_size__tile_overlayer_lowered;
	s5 =	simm.s32 $_tile_overlayer_lowered  }
0x9b: {  	s22 =	simm.s32 $0x1BFF;
	s21 =	sshll.u32 s5, $0x1;
	s2 =	sadd.s32 s19, s18  }
0x9c: {  	s6 =	simm.s32 $0x0;
	s20 =	sshll.u32 s4, $0x1;
	s4 =	sadd.s32 s21, s2  }
0x9d: {  	[timem:s6], [sflag:s22] =	dma.local [hbm:s4], s20  }
0x9e: {  	_ =	swait.ge [sflag:s22], s20  }
0x9f: {  	s3 =	ssub.s32 $0x0, s20;
	[sflag:s22] =	ssyncset.done $0x0  }
0xa0: {  	[sflag:s22] =	ssyncadd.s32 s3;
	_ =	sdelay $0x1  }
0xa1: {  	s23 =	simm.s32 $0x1B8B  }
0xa2: {  	_ =	swait.ge [sflag:s23], $0x1  }
0xa3: {  	[sflag:s23] =	ssyncset.done $0x0  }
0xa4: {  	s25 =	simm.s32 $0x1B8E;
	s24 =	sld [smem:$0x3FFE];
	[sflag:s23] =	ssyncadd.s32 $0xFFFFFFFF  }
0xa5: {  	s26 =	simm.s32 $execute0_lowered;
	[smem:$0x3FD2] =	sst s25  }
0xa6: {  	s4 =	sshll.u32 s26, $0x1;
	_ =	strace $0x80000049;
	[dreg:$0x1] =	wrdreg $0xFFFFFFFF  }
0xa7: {  	s28 =	simm.s32 $_size_execute0_lowered;
	s2 =	sadd.s32 s2, s4;
	[dreg:$0x0] =	wrdreg $0x0  }
0xa8: {  	s4 =	sshll.u32 s28, $0x1;
	[dreg:$0x2] =	wrdreg s2  }
0xa9: {  	[dreg:$0x3] =	wrdreg s4  }
0xaa: {  	[dreg:$0x4] =	wrdreg $0xC0  }
0xab: {  	_ =	task [dreg:s6], $0x5FFFF  }
0xac: {  	[dreg:$0x1] =	wrdreg $0xFFFFFFFF  }
0xad: {  	[dreg:$0x0] =	wrdreg $0x60  }
0xae: {  	[dreg:$0x2] =	wrdreg s24  }
0xaf: {  	[dreg:$0x3] =	wrdreg $0xC6200  }
0xb0: {  	[dreg:$0x4] =	wrdreg $0x9  }
0xb1: {  	_ =	task.clear_ibuf [dreg:s6], $0x5FFFF;
	_ =	strace $0x90000049  }
0xb2: {  	s29 =	simm.s32 $0x9;
	_ =	strace $0x8000004B  }
0xb3: {  	_ =	swait.ge [sflag:s29], $0x1  }
0xb4: {  	[sflag:s29] =	ssyncadd.s32 $0xFFFFFFFF  }
0xb5: {  	_ =	strace $0x9000004B  }
0xb6: {  	_ =	sfence  }
0xb7: {  	s30 =	sld [smem:$0x0];
	_ =	sdelay $0x2  }
0xb8: {  	s31 =	sshll.u32 s1, $0xD;
	s1 =	sshrl.u32 s1, $0x2  }
0xb9: {  	s3 =	sand.u32 $0x4000, s31;
	s1 =	sadd.s32 s1, s30  }
0xba: {  	s0 =	sor.u32 s3, s0;
	s1 =	sshll.u32 s1, $0x11  }
0xbb: {  	s0 =	sor.u32 s1, s0  }
0xbc: {  	s0 =	sadd.s32 $0x8F2B, s0  }
0xbd: {  	[sflag:s0] =	ssyncadd.remote.s32 $0x1  }
0xbe: {  	_ =	sfence.sel $0xFFFF  }
0xbf: {  	[dreg:$0x0] =	wrdreg $0xFFFFFFFF;
	(pc) =	sbr.abs _section_cstart, $3  }
0xc0: {  	[dreg:$0x1] =	wrdreg $0xFFFFFFFF  }
0xc1: {  	_ =	task.clear_ibuf [dreg:s6], $0x2FFFF;
	_ =	strace $0x9FFFFFFF  }
0xc2: {  	(tm) =	ssettm $0x7FFFFFFF  }
0xc3: {  	_ =	shalt  }
tec
execute0_lowered:
.L_overlay_start_1:
0x0: {  	(tag) =	ssettag $0x1  }
0x1: {  	s6 =	rddreg [dreg:$0x0]  }
0x2: {  	s2 =	rddreg [dreg:$0x1];
	s3 =	srdreg.scid  }
0x3: {  	s0 =	rddreg [dreg:$0x2];
	s1 =	stileid.u32;
	s13 =	simm.s32 $0x4E20  }
0x4: {  	s14 =	simm.s32 $0x2;
	s15 =	simm.s32 $0x4;
	s16 =	simm.s32 $0x3  }
0x5: {  	s17 =	simm.s32 $0x50;
	s18 =	simm.s32 $0x9E20;
	s19 =	simm.s32 $0x5  }
0x6: {  	s20 =	simm.s32 $0x6;
	s22 =	simm.s32 $0x7;
	s23 =	simm.s32 $0x7620  }
0x7: {  	s24 =	simm.s32 $0x0;
	s5 =	sand.u32 $0x1, s3;
	s3 =	simm.s32 $0x0  }
0x8: {  	s8 =	smul.u32 $0x13800, s1;
	s21 =	sshll.u32 s1, $0x6;
	s4 =	sshll.u32 s5, $0x4  }
0x9: {  	[smem:$0x7FF] =	sst s3;
	s7 =	smul.u32 $0x138800, s5;
	s10 =	ssub.s32 $0x2, s5  }
0xa: {  	s5 =	sadd.s32 $0x3F000, s6;
	s4 =	sor.u32 s1, s4;
	_ =	strace $0x8000004A  }
0xb: {  	s11 =	sshrl.u32 s10, $0x1;
	s31 =	sadd.s32 s8, s2;
	s9 =	smul.u32 $0x4E2, s4  }
.Ltmp0:
0xc: {  	s4 =	sadd.s32 $0x17E00, s6;
	s7 =	sadd.s32 s8, s7;
	(pc) =	sbr.rel .LBB2_1-.Ltmp0, $4  }
0xd: {  	s10 =	ssub.s32 s10, s11;
	s8 =	sor.u32 $0x1C04, s21;
	s11 =	sshrl.u32 s31, $0x3  }
0xe: {  	s21 =	sor.u32 $0x1C07, s21;
	s7 =	sshrl.u32 s7, $0x3;
	s9 =	sadd.s32 s9, s6  }
0xf: {  	s10 =	smax.u32 s10, $0x1;
	s12 =	sadd.s32 s7, s6;
	s6 =	sadd.s32 $0x4200, s9  }
0x10: {  	s7 =	sadd.s32 $0xE000, s9;
	s9 =	sadd.s32 $0x41800, s12;
	s12 =	simm.s32 $0x1  }
.LBB2_11:
0x11: {  	_ =	swait.ge [sflag:s15], $0x2800  }
0x12: {  	[sflag:s15] =	ssyncset.done $0x0  }
0x13: {  	[sflag:s15] =	ssyncadd.s32 $0xFFFFD800  }
0x14: {  	_ =	swait.ge [sflag:s19], $0x2800  }
0x15: {  	[sflag:s19] =	ssyncset.done $0x0  }
0x16: {  	[sflag:s19] =	ssyncadd.s32 $0xFFFFD800  }
0x17: {  	_ =	swait.ge [sflag:s20], $0x2800  }
0x18: {  	s24 =	sadd.s32 $0x1, s24;
	[sflag:s20] =	ssyncset.done $0x0  }
0x19: {  	p0 =	sne.s32 s24, s10;
	[sflag:s20] =	ssyncadd.s32 $0xFFFFD800  }
.Ltmp1:
0x1a: {  	[bflag:$0x0] =	sbarrier.arrive $0xFFFF;
	(pc) =	sbr.rel @!p0 .LBB2_12-.Ltmp1, $4  }
0x1b: {  	[hbm:s9], [sflag:s21] =	dma.local [spmem:s11], $0x2800  }
0x1c: {  	_ =	swait.ge [sflag:s22], $0x2800  }
0x1d: {  	[sflag:s22] =	ssyncset.done $0x0  }
0x1e: {  	[sflag:s22] =	ssyncadd.s32 $0xFFFFD800  }
.LBB2_1:
0x1f: {  	[tilespmem:s3], [sflag:$0x1] =	stream.linear.gather [hbm4b:s6+s3], $0x2710, $0x38;
	[tilespmem:$0x1FEA0] =	vst v63  }
0x20: {  	s25 =	simm.s32 $0x2710  }
0x21: {  	[tilespmem:s25], [sflag:$0x2] =	stream.linear.gather [hbm4b:s7+s3], $0x2710, $0x38;
	[tilespmem:$0x1FEA0] =	vst v63  }
0x22: {  	[spmem:s11], [sflag:s8] =	dma.local [hbm:s5], $0x2800  }
0x23: {  	_ =	swait.ge [sflag:s12], $0x2710  }
0x24: {  	[sflag:s12] =	ssyncset.done $0x0  }
0x25: {  	[sflag:s12] =	ssyncadd.s32 $0xFFFFD8F0  }
0x26: {  	[tilespmem:s13], [sflag:$0x1] =	stream.indirect.gather [hbm4b:s4+s17], $0x80, s3, s17, $0xb8;
	[tilespmem:$0x1FEA0] =	vst v63  }
0x27: {  	_ =	swait.ge [sflag:s14], $0x2710  }
0x28: {  	[sflag:s14] =	ssyncset.done $0x0  }
0x29: {  	[sflag:s14] =	ssyncadd.s32 $0xFFFFD8F0  }
.Ltmp2:
0x2a: {  	_ =	swait.ge [sflag:s15], $0x2800;
	(pc) =	sbr.rel .LBB2_2-.Ltmp2, $4  }
0x2b: {  	[sflag:s15] =	ssyncset.done $0x0  }
0x2c: {  	[sflag:s15] =	ssyncadd.s32 $0xFFFFD800  }
0x2d: {  	[bflag:$0x0] =	sbarrier.arrive $0xFFFF  }
0x2e: {  	s26 =	simm.s32 $0x50;
	s28 =	simm.s32 $0x0  }
.LBB2_4:
0x2f: {  	p0 =	seq.s32 s28, $0x7C  }
.Ltmp3:
0x30: {  	_ = 	snop;
	(pc) =	sbr.rel @p0 .LBB2_11-.Ltmp3, $4  }
0x31: {  	_ =	swait.ge [sflag:s12], $0x2800  }
0x32: {  	[sflag:s12] =	ssyncset.done $0x0  }
0x33: {  	[sflag:s12] =	ssyncadd.s32 $0xFFFFD800  }
0x34: {  	[spmem:s2] =	stream.indirect.scatter.add.f32 [tilespmem:s13], [sflag:$0x4], $0x80, s25, s17, $0xb8;
	[tilespmem:$0x1FEA0] =	vst v63  }
0x35: {  	p0 =	slt.u32 s28, $0x2  }
0x36: {  	s29 =	simm.s32 @!p0 $0x5  }
0x37: {  	_ =	swait.ge @!p0 [sflag:s29], $0x2800  }
0x38: {  	[sflag:s29] =	ssyncset.done @!p0 $0x0  }
0x39: {  	[sflag:s29] =	ssyncadd.s32 @!p0 $0xFFFFD800  }
0x3a: {  	[tilespmem:s23], [sflag:$0x2] =	stream.indirect.gather [hbm4b:s4+s17], $0x80, s26, s17, $0xb8;
	[tilespmem:$0x1FEA0] =	vst v63  }
.LBB2_10:
0x3b: {  	s28 =	sadd.s32 $0x1, s28  }
0x3c: {  	p0 =	sne.s32 s28, $0x7D  }
.Ltmp4:
0x3d: {  	_ = 	snop;
	(pc) =	sbr.rel @!p0 .LBB2_11-.Ltmp4, $2  }
0x3e: {  	_ =	sdelay $0x2  }
0x3f: {  	s26 =	sadd.s32 $0x50, s26;
	s25 =	sadd.s32 $0x50, s25  }
.LBB2_2:
0x40: {  	s29 =	smul.u32 $0xAB, s28;
	_ =	sdelay $0x1  }
0x41: {  	s29 =	sshrl.u32 s29, $0x9  }
0x42: {  	s29 =	sand.u32 $0x7F, s29  }
0x43: {  	s29 =	smul.u32 $0x3, s29;
	_ =	sdelay $0x1  }
0x44: {  	s29 =	ssub.s32 s28, s29  }
0x45: {  	s29 =	sand.u32 $0xFF, s29  }
0x46: {  	p0 =	seq.s32 s29, $0x2  }
.Ltmp5:
0x47: {  	_ = 	snop;
	(pc) =	sbr.rel @p0 .LBB2_8-.Ltmp5, $1  }
0x48: {  	_ =	sdelay $0x3  }
0x49: {  	p0 =	seq.s32 s29, $0x1  }
.Ltmp6:
0x4a: {  	_ = 	snop;
	(pc) =	sbr.rel @!p0 .LBB2_4-.Ltmp6, $1  }
0x4b: {  	_ =	sdelay $0x3  }
0x4c: {  	p0 =	seq.s32 s28, $0x7C  }
.Ltmp7:
0x4d: {  	_ = 	snop;
	(pc) =	sbr.rel @p0 .LBB2_11-.Ltmp7, $4  }
0x4e: {  	_ =	swait.ge [sflag:s14], $0x2800  }
0x4f: {  	[sflag:s14] =	ssyncset.done $0x0  }
0x50: {  	[sflag:s14] =	ssyncadd.s32 $0xFFFFD800  }
0x51: {  	[spmem:s2] =	stream.indirect.scatter.add.f32 [tilespmem:s23], [sflag:$0x5], $0x80, s25, s17, $0xb8;
	[tilespmem:$0x1FEA0] =	vst v63  }
0x52: {  	p0 =	slt.u32 s28, $0x2  }
.Ltmp8:
0x53: {  	s29 =	simm.s32 @!p0 $0x6;
	(pc) =	sbr.rel .LBB2_10-.Ltmp8, $4  }
0x54: {  	_ =	swait.ge @!p0 [sflag:s29], $0x2800  }
0x55: {  	[sflag:s29] =	ssyncset.done @!p0 $0x0  }
0x56: {  	[sflag:s29] =	ssyncadd.s32 @!p0 $0xFFFFD800  }
0x57: {  	[tilespmem:s18], [sflag:$0x3] =	stream.indirect.gather [hbm4b:s4+s17], $0x80, s26, s17, $0xb8;
	[tilespmem:$0x1FEA0] =	vst v63  }
.LBB2_8:
0x58: {  	p0 =	seq.s32 s28, $0x7C  }
.Ltmp9:
0x59: {  	_ = 	snop;
	(pc) =	sbr.rel @p0 .LBB2_11-.Ltmp9, $4  }
0x5a: {  	_ =	swait.ge [sflag:s16], $0x2800  }
0x5b: {  	[sflag:s16] =	ssyncset.done $0x0  }
0x5c: {  	[sflag:s16] =	ssyncadd.s32 $0xFFFFD800  }
0x5d: {  	[spmem:s2] =	stream.indirect.scatter.add.f32 [tilespmem:s18], [sflag:$0x6], $0x80, s25, s17, $0xb8;
	[tilespmem:$0x1FEA0] =	vst v63  }
.Ltmp10:
0x5e: {  	(pc) =	sbr.rel .LBB2_10-.Ltmp10, $4  }
0x5f: {  	_ =	swait.ge [sflag:s15], $0x2800  }
0x60: {  	[sflag:s15] =	ssyncset.done $0x0  }
0x61: {  	[sflag:s15] =	ssyncadd.s32 $0xFFFFD800  }
0x62: {  	[tilespmem:s13], [sflag:$0x1] =	stream.indirect.gather [hbm4b:s4+s17], $0x80, s26, s17, $0xb8;
	[tilespmem:$0x1FEA0] =	vst v63  }
.LBB2_12:
0x63: {  	_ =	sfence.sel $0x180000  }
0x64: {  	[bflag:$0x0] =	sbarrier.arrive $0xFFFF  }
0x65: {  	p0 =	sne.s32 s1, $0x0;
	_ =	strace $0x9000004A  }
0x66: {  	s0 =	sadd.s32 @!p0 $0x100000, s0;
	[bflag:$0x2] =	sbarrier.arrive $0xFFFF  }
0x67: {  	[sflag:s0] =	ssyncadd.tile.s32 @!p0 $0x1;
	_ =	shalt  }
.Lfunc_end2:
_tile_overlayer_lowered:
.L_overlay_start_2:
0x68: {  	(tag) =	ssettag $0x2  }
0x69: {  	s0 =	rddreg [dreg:$0x0];
	s2 =	stileid.u32  }
0x6a: {  	s1 =	rddreg [dreg:$0x1];
	p0 =	sne.s32 s2, $0x0  }
0x6b: {  	s3 =	rddreg [dreg:$0x2];
	[bflag:$0x3] =	sbarrier.arrive $0xFFFF;
	s2 =	simm.s32 @!p0 $0x1C07  }
0x6c: {  	[timem:s3], [sflag:s2] =	dma.local @!p0 [hbm:s0], s1  }
0x6d: {  	s0 =	simm.s32 @!p0 $0x7  }
0x6e: {  	_ =	swait.ge @!p0 [sflag:s0], s1  }
0x6f: {  	s1 =	ssub.s32 @!p0 $0x0, s1;
	[sflag:s0] =	ssyncset.done @!p0 $0x0  }
0x70: {  	[sflag:s0] =	ssyncadd.s32 @!p0 s1  }
0x71: {  	[bflag:$0x3] =	sbarrier.arrive $0xFFFF  }
0x72: {  	_ =	shalt  }

// kernel: kernel.16.cloned.1.call-start
scs
__scs_entry_jumppad:
0x0: {  	(pc) =	sbr.rel $0x88, $3  }
0x1: {  	(tag) =	ssettag $0x0;
	lr =	simm.s32 $0x1  }
0x2: {  	[smem:$0x3F90] =	sst lr;
	_ =	strace $0xD0000000  }
0x3: {  	_ = 	snop  }
0x4: {  	_ = 	snop  }
0x5: {  	_ = 	snop  }
0x6: {  	_ = 	snop  }
0x7: {  	_ = 	snop  }
__scs_overlays_trampoline_lowered:
0x8: {  	[smem:$0x3F9F] =	sst s0  }
0x9: {  	[smem:$0x3FA0] =	sst s1  }
0xa: {  	[smem:$0x3FA1] =	sst s2  }
0xb: {  	[smem:$0x3FA2] =	sst s3  }
0xc: {  	[smem:$0x3FA3] =	sst s4  }
0xd: {  	[smem:$0x3FA4] =	sst s5  }
0xe: {  	[smem:$0x3FA5] =	sst s6  }
0xf: {  	[smem:$0x3FA6] =	sst s7  }
0x10: {  	[smem:$0x3FA7] =	sst s8  }
0x11: {  	[smem:$0x3FA8] =	sst s9;
	s0 =	simm.s32 @!p0 $0x0  }
0x12: {  	s1 =	sld [smem:$0x3F8E];
	s0 =	simm.s32 @p0 $0x1  }
0x13: {  	[smem:$0x3FA9] =	sst s0;
	s0 =	simm.s32 @!p1 $0x0  }
0x14: {  	s2 =	sld [smem:$0x3F8D];
	s0 =	simm.s32 @p1 $0x1  }
0x15: {  	[smem:$0x3FAA] =	sst s0;
	s0 =	simm.s32 @!p2 $0x0  }
0x16: {  	s3 =	sld [smem:$0x3FDB];
	s0 =	simm.s32 @p2 $0x1  }
0x17: {  	s4 =	simm.s32 $0x1BF5;
	[smem:$0x3FAC] =	sst s0  }
0x18: {  	s0 =	sld [smem:$0x3F8F];
	_ =	swait.ge [sflag:s4], $0x0  }
0x19: {  	s7 =	sld [smem:$0x3F90]  }
0x1a: {  	s8 =	sadd.s32 $0xFFFFE003, lr  }
0x1b: {  	s9 =	sadd.s32 $0xFFFFFEF7, lr;
	s5 =	simm.s32 $0xFFFFFFFF;
	p2 =	slt.u32 s8, $0xFFFFF086  }
0x1c: {  	p1 =	slt.u32 s9, $0xF7A;
	s5 =	simm.s32 @!p2 $0x0  }
0x1d: {  	s5 =	simm.s32 @p1 $0x1;
	p0 =	seq.s32 s7, s2  }
0x1e: {  	s7 =	smul.u32 @!p0 $0xF7A, s2;
	p2 =	seq.s32 @!p0 s5, $0x0  }
0x1f: {  	s9 =	smul.u32 $0xF7A, s1;
	s8 =	simm.s32 @!p0 $0x1BF5;
	p2 =	por !p2, p0  }
0x20: {  	[sflag:s8] =	ssyncset.s32 @!p0 $0xFFFFF086;
	s6 =	sadd.s32 @!p0 s3, s7;
	s7 =	simm.s32 @!p0 $0x108  }
0x21: {  	s3 =	sadd.s32 s3, s9;
	s6 =	sadd.s32 @!p0 $0x88, s6;
	s7 =	simm.s32 @p2 $0x1082  }
0x22: {  	[simem:s7], [sflag:s8] =	dma.local @!p0 [hbm:s6], $0xF7A  }
0x23: {  	s9 =	sor.u32 $0xD0000000, s2;
	s6 =	simm.s32 $0x108;
	_ =	swait.ge @!p0 [sflag:s8], $0x0  }
0x24: {  	s3 =	sadd.s32 $0x88, s3;
	s6 =	simm.s32 @!p1 $0x1082;
	[sflag:s4] =	ssyncset.s32 $0xFFFFF086  }
0x25: {  	[simem:s6], [sflag:s4] =	dma.local [hbm:s3], $0xF7A  }
0x26: {  	[smem:$0x3F90] =	sst s1;
	(tag) =	ssettag s2;
	_ =	strace s9  }
0x27: {  	s1 =	sld [smem:$0x3FA0]  }
0x28: {  	s2 =	sld [smem:$0x3FA1]  }
0x29: {  	s4 =	sld [smem:$0x3FA3]  }
0x2a: {  	p0 =	seq.s32 s5, $0x0;
	s5 =	sld [smem:$0x3FA4]  }
0x2b: {  	s6 =	sld [smem:$0x3FA5]  }
0x2c: {  	s7 =	sld [smem:$0x3FA6]  }
0x2d: {  	s3 =	simm.s32 $0x108;
	s8 =	sld [smem:$0x3FA7]  }
0x2e: {  	s3 =	simm.s32 @!p0 $0x1082;
	s9 =	sld [smem:$0x3FA8]  }
0x2f: {  	lr =	sadd.s32 s0, s3;
	s0 =	sld [smem:$0x3F9F]  }
0x30: {  	s3 =	sld [smem:$0x3FA2]  }
0x31: {  	[smem:$0x3FAB] =	sst s10  }
0x32: {  	s10 =	sld [smem:$0x3FA9];
	_ =	sdelay $0x3  }
0x33: {  	p0 =	seq.s32 s10, $0x1;
	s10 =	sld [smem:$0x3FAB];
	_ =	sdelay $0x3  }
0x34: {  	[smem:$0x3FAB] =	sst s10  }
0x35: {  	s10 =	sld [smem:$0x3FAA];
	_ =	sdelay $0x3  }
0x36: {  	p1 =	seq.s32 s10, $0x1;
	s10 =	sld [smem:$0x3FAB];
	_ =	sdelay $0x3  }
0x37: {  	[smem:$0x3FAB] =	sst s10  }
0x38: {  	s10 =	sld [smem:$0x3FAC]  }
0x39: {  	_ = 	snop;
	(pc) =	sbr.ind lr, $3  }
0x3a: {  	_ = 	snop  }
0x3b: {  	_ = 	snop  }
0x3c: {  	p2 =	seq.s32 s10, $0x1;
	s10 =	sld [smem:$0x3FAB]  }
0x3d: {  	_ =	shalt  }
0x3e: {  	_ =	shalt  }
0x3f: {  	_ =	shalt  }
0x40: {  	_ =	shalt  }
0x41: {  	_ =	shalt  }
0x42: {  	_ =	shalt  }
0x43: {  	_ =	shalt  }
0x44: {  	_ =	shalt  }
0x45: {  	_ =	shalt  }
0x46: {  	_ =	shalt  }
0x47: {  	_ =	shalt  }
0x48: {  	_ =	shalt  }
0x49: {  	_ =	shalt  }
0x4a: {  	_ =	shalt  }
0x4b: {  	_ =	shalt  }
0x4c: {  	_ =	shalt  }
0x4d: {  	_ =	shalt  }
0x4e: {  	_ =	shalt  }
0x4f: {  	_ =	shalt  }
0x50: {  	_ =	shalt  }
0x51: {  	_ =	shalt  }
0x52: {  	_ =	shalt  }
0x53: {  	_ =	shalt  }
0x54: {  	_ =	shalt  }
0x55: {  	_ =	shalt  }
0x56: {  	_ =	shalt  }
0x57: {  	_ =	shalt  }
0x58: {  	_ =	shalt  }
0x59: {  	_ =	shalt  }
0x5a: {  	_ =	shalt  }
0x5b: {  	_ =	shalt  }
0x5c: {  	_ =	shalt  }
0x5d: {  	_ =	shalt  }
0x5e: {  	_ =	shalt  }
0x5f: {  	_ =	shalt  }
0x60: {  	_ =	shalt  }
0x61: {  	_ =	shalt  }
0x62: {  	_ =	shalt  }
0x63: {  	_ =	shalt  }
0x64: {  	_ =	shalt  }
0x65: {  	_ =	shalt  }
0x66: {  	_ =	shalt  }
0x67: {  	_ =	shalt  }
0x68: {  	_ =	shalt  }
0x69: {  	_ =	shalt  }
0x6a: {  	_ =	shalt  }
0x6b: {  	_ =	shalt  }
0x6c: {  	_ =	shalt  }
0x6d: {  	_ =	shalt  }
0x6e: {  	_ =	shalt  }
0x6f: {  	_ =	shalt  }
0x70: {  	_ =	shalt  }
0x71: {  	_ =	shalt  }
0x72: {  	_ =	shalt  }
0x73: {  	_ =	shalt  }
0x74: {  	_ =	shalt  }
0x75: {  	_ =	shalt  }
0x76: {  	_ =	shalt  }
0x77: {  	_ =	shalt  }
0x78: {  	_ =	shalt  }
0x79: {  	_ =	shalt  }
0x7a: {  	_ =	shalt  }
0x7b: {  	_ =	shalt  }
0x7c: {  	_ =	shalt  }
0x7d: {  	_ =	shalt  }
0x7e: {  	_ =	shalt  }
0x7f: {  	_ =	shalt  }
0x80: {  	_ =	shalt  }
0x81: {  	_ =	shalt  }
0x82: {  	_ =	shalt  }
0x83: {  	_ =	shalt  }
0x84: {  	_ =	shalt  }
0x85: {  	_ =	shalt  }
0x86: {  	_ =	shalt  }
0x87: {  	_ =	shalt  }
.Lfunc_end0:
.L_simem_size_0:
called_computation.2_lowered:
.L_overlay_start_0:
0x88: {  	s2 =	sld [smem:$0x3FD9]  }
0x89: {  	s3 =	sld [smem:$0x3FFE];
	_ =	sdelay $0x1  }
0x8a: {  	s1 =	srdreg.scid  }
0x8b: {  	s0 =	sand.u32 $0x1, s1  }
0x8c: {  	s16 =	sshll.u32 s0, $0xA;
	s2 =	sadd.s32 s3, s2  }
0x8d: {  	s2 =	sadd.s32 s2, s16  }
0x8e: {  	[smem:$0x3FB7] =	sst s2  }
0x8f: {  	_ = 	snop  }
0x90: {  	(tm) =	ssettm $0x1  }
0x91: {  	s17 =	sld [smem:$0x3FFB];
	_ =	sdelay $0x3  }
0x92: {  	_ =	strace s17  }
0x93: {  	s2 =	sld [smem:$0x3FFC];
	_ =	sdelay $0x3  }
0x94: {  	_ =	strace s2  }
0x95: {  	s2 =	sld [smem:$0x3FFD];
	_ =	sdelay $0x3  }
0x96: {  	_ =	strace s2  }
0x97: {  	_ =	strace $0x8FFFFFFF  }
0x98: {  	s18 =	sld [smem:$0x3FDB];
	_ =	sdelay $0x1  }
0x99: {  	s19 =	simm.s32 $_scs_section_size  }
0x9a: {  	s4 =	simm.s32 $_size__tile_overlayer_lowered;
	s5 =	simm.s32 $_tile_overlayer_lowered  }
0x9b: {  	s22 =	simm.s32 $0x1BFF;
	s21 =	sshll.u32 s5, $0x1;
	s2 =	sadd.s32 s19, s18  }
0x9c: {  	s6 =	simm.s32 $0x0;
	s20 =	sshll.u32 s4, $0x1;
	s4 =	sadd.s32 s21, s2  }
0x9d: {  	[timem:s6], [sflag:s22] =	dma.local [hbm:s4], s20  }
0x9e: {  	_ =	swait.ge [sflag:s22], s20  }
0x9f: {  	s3 =	ssub.s32 $0x0, s20;
	[sflag:s22] =	ssyncset.done $0x0  }
0xa0: {  	[sflag:s22] =	ssyncadd.s32 s3;
	_ =	sdelay $0x1  }
0xa1: {  	s23 =	simm.s32 $0x1B8B  }
0xa2: {  	_ =	swait.ge [sflag:s23], $0x1  }
0xa3: {  	[sflag:s23] =	ssyncset.done $0x0  }
0xa4: {  	s25 =	simm.s32 $0x1B8E;
	s24 =	sld [smem:$0x3FFE];
	[sflag:s23] =	ssyncadd.s32 $0xFFFFFFFF  }
0xa5: {  	s26 =	simm.s32 $execute0_lowered;
	[smem:$0x3FD2] =	sst s25  }
0xa6: {  	s4 =	sshll.u32 s26, $0x1;
	_ =	strace $0x8000004C;
	[dreg:$0x1] =	wrdreg $0xFFFFFFFF  }
0xa7: {  	s28 =	simm.s32 $_size_execute0_lowered;
	s2 =	sadd.s32 s2, s4;
	[dreg:$0x0] =	wrdreg $0x0  }
0xa8: {  	s4 =	sshll.u32 s28, $0x1;
	[dreg:$0x2] =	wrdreg s2  }
0xa9: {  	[dreg:$0x3] =	wrdreg s4  }
0xaa: {  	[dreg:$0x4] =	wrdreg $0xC0  }
0xab: {  	_ =	task [dreg:s6], $0x5FFFF  }
0xac: {  	[dreg:$0x1] =	wrdreg $0xFFFFFFFF  }
0xad: {  	[dreg:$0x0] =	wrdreg $0x60  }
0xae: {  	[dreg:$0x2] =	wrdreg s24  }
0xaf: {  	[dreg:$0x3] =	wrdreg $0xC6200  }
0xb0: {  	[dreg:$0x4] =	wrdreg $0x9  }
0xb1: {  	_ =	task.clear_ibuf [dreg:s6], $0x5FFFF;
	_ =	strace $0x9000004C  }
0xb2: {  	s29 =	simm.s32 $0x9;
	_ =	strace $0x8000004E  }
0xb3: {  	_ =	swait.ge [sflag:s29], $0x1  }
0xb4: {  	[sflag:s29] =	ssyncadd.s32 $0xFFFFFFFF  }
0xb5: {  	_ =	strace $0x9000004E  }
0xb6: {  	_ =	sfence  }
0xb7: {  	s30 =	sld [smem:$0x0];
	_ =	sdelay $0x2  }
0xb8: {  	s31 =	sshll.u32 s1, $0xD;
	s1 =	sshrl.u32 s1, $0x2  }
0xb9: {  	s3 =	sand.u32 $0x4000, s31;
	s1 =	sadd.s32 s1, s30  }
0xba: {  	s0 =	sor.u32 s3, s0;
	s1 =	sshll.u32 s1, $0x11  }
0xbb: {  	s0 =	sor.u32 s1, s0  }
0xbc: {  	s0 =	sadd.s32 $0x8F2B, s0  }
0xbd: {  	[sflag:s0] =	ssyncadd.remote.s32 $0x1  }
0xbe: {  	_ =	sfence.sel $0xFFFF  }
0xbf: {  	[dreg:$0x0] =	wrdreg $0xFFFFFFFF;
	(pc) =	sbr.abs _section_cstart, $3  }
0xc0: {  	[dreg:$0x1] =	wrdreg $0xFFFFFFFF  }
0xc1: {  	_ =	task.clear_ibuf [dreg:s6], $0x2FFFF;
	_ =	strace $0x9FFFFFFF  }
0xc2: {  	(tm) =	ssettm $0x7FFFFFFF  }
0xc3: {  	_ =	shalt  }
tec
execute0_lowered:
.L_overlay_start_1:
0x0: {  	(tag) =	ssettag $0x1  }
0x1: {  	s6 =	rddreg [dreg:$0x0]  }
0x2: {  	s2 =	rddreg [dreg:$0x1];
	s3 =	srdreg.scid  }
0x3: {  	s0 =	rddreg [dreg:$0x2];
	s1 =	stileid.u32;
	s13 =	simm.s32 $0x4E20  }
0x4: {  	s14 =	simm.s32 $0x2;
	s15 =	simm.s32 $0x4;
	s16 =	simm.s32 $0x3  }
0x5: {  	s17 =	simm.s32 $0x50;
	s18 =	simm.s32 $0x9E20;
	s19 =	simm.s32 $0x5  }
0x6: {  	s20 =	simm.s32 $0x6;
	s22 =	simm.s32 $0x7;
	s23 =	simm.s32 $0x7620  }
0x7: {  	s24 =	simm.s32 $0x0;
	s5 =	sand.u32 $0x1, s3;
	s3 =	simm.s32 $0x0  }
0x8: {  	s8 =	smul.u32 $0x13800, s1;
	s21 =	sshll.u32 s1, $0x6;
	s4 =	sshll.u32 s5, $0x4  }
0x9: {  	[smem:$0x7FF] =	sst s3;
	s7 =	smul.u32 $0x138800, s5;
	s10 =	ssub.s32 $0x2, s5  }
0xa: {  	s5 =	sadd.s32 $0x3F000, s6;
	s4 =	sor.u32 s1, s4;
	_ =	strace $0x8000004D  }
0xb: {  	s11 =	sshrl.u32 s10, $0x1;
	s31 =	sadd.s32 s8, s2;
	s9 =	smul.u32 $0x4E2, s4  }
.Ltmp0:
0xc: {  	s4 =	sadd.s32 $0x17E00, s6;
	s7 =	sadd.s32 s8, s7;
	(pc) =	sbr.rel .LBB2_1-.Ltmp0, $4  }
0xd: {  	s10 =	ssub.s32 s10, s11;
	s8 =	sor.u32 $0x1C04, s21;
	s11 =	sshrl.u32 s31, $0x3  }
0xe: {  	s21 =	sor.u32 $0x1C07, s21;
	s7 =	sshrl.u32 s7, $0x3;
	s9 =	sadd.s32 s9, s6  }
0xf: {  	s10 =	smax.u32 s10, $0x1;
	s12 =	sadd.s32 s7, s6;
	s6 =	sadd.s32 $0x4200, s9  }
0x10: {  	s7 =	sadd.s32 $0xE000, s9;
	s9 =	sadd.s32 $0x68A00, s12;
	s12 =	simm.s32 $0x1  }
.LBB2_11:
0x11: {  	_ =	swait.ge [sflag:s15], $0x2800  }
0x12: {  	[sflag:s15] =	ssyncset.done $0x0  }
0x13: {  	[sflag:s15] =	ssyncadd.s32 $0xFFFFD800  }
0x14: {  	_ =	swait.ge [sflag:s19], $0x2800  }
0x15: {  	[sflag:s19] =	ssyncset.done $0x0  }
0x16: {  	[sflag:s19] =	ssyncadd.s32 $0xFFFFD800  }
0x17: {  	_ =	swait.ge [sflag:s20], $0x2800  }
0x18: {  	s24 =	sadd.s32 $0x1, s24;
	[sflag:s20] =	ssyncset.done $0x0  }
0x19: {  	p0 =	sne.s32 s24, s10;
	[sflag:s20] =	ssyncadd.s32 $0xFFFFD800  }
.Ltmp1:
0x1a: {  	[bflag:$0x0] =	sbarrier.arrive $0xFFFF;
	(pc) =	sbr.rel @!p0 .LBB2_12-.Ltmp1, $4  }
0x1b: {  	[hbm:s9], [sflag:s21] =	dma.local [spmem:s11], $0x2800  }
0x1c: {  	_ =	swait.ge [sflag:s22], $0x2800  }
0x1d: {  	[sflag:s22] =	ssyncset.done $0x0  }
0x1e: {  	[sflag:s22] =	ssyncadd.s32 $0xFFFFD800  }
.LBB2_1:
0x1f: {  	[tilespmem:s3], [sflag:$0x1] =	stream.linear.gather [hbm4b:s6+s3], $0x2710, $0x38;
	[tilespmem:$0x1FEA0] =	vst v63  }
0x20: {  	s25 =	simm.s32 $0x2710  }
0x21: {  	[tilespmem:s25], [sflag:$0x2] =	stream.linear.gather [hbm4b:s7+s3], $0x2710, $0x38;
	[tilespmem:$0x1FEA0] =	vst v63  }
0x22: {  	[spmem:s11], [sflag:s8] =	dma.local [hbm:s5], $0x2800  }
0x23: {  	_ =	swait.ge [sflag:s12], $0x2710  }
0x24: {  	[sflag:s12] =	ssyncset.done $0x0  }
0x25: {  	[sflag:s12] =	ssyncadd.s32 $0xFFFFD8F0  }
0x26: {  	[tilespmem:s13], [sflag:$0x1] =	stream.indirect.gather [hbm4b:s4+s17], $0x80, s3, s17, $0xb8;
	[tilespmem:$0x1FEA0] =	vst v63  }
0x27: {  	_ =	swait.ge [sflag:s14], $0x2710  }
0x28: {  	[sflag:s14] =	ssyncset.done $0x0  }
0x29: {  	[sflag:s14] =	ssyncadd.s32 $0xFFFFD8F0  }
.Ltmp2:
0x2a: {  	_ =	swait.ge [sflag:s15], $0x2800;
	(pc) =	sbr.rel .LBB2_2-.Ltmp2, $4  }
0x2b: {  	[sflag:s15] =	ssyncset.done $0x0  }
0x2c: {  	[sflag:s15] =	ssyncadd.s32 $0xFFFFD800  }
0x2d: {  	[bflag:$0x0] =	sbarrier.arrive $0xFFFF  }
0x2e: {  	s26 =	simm.s32 $0x50;
	s28 =	simm.s32 $0x0  }
.LBB2_4:
0x2f: {  	p0 =	seq.s32 s28, $0x7C  }
.Ltmp3:
0x30: {  	_ = 	snop;
	(pc) =	sbr.rel @p0 .LBB2_11-.Ltmp3, $4  }
0x31: {  	_ =	swait.ge [sflag:s12], $0x2800  }
0x32: {  	[sflag:s12] =	ssyncset.done $0x0  }
0x33: {  	[sflag:s12] =	ssyncadd.s32 $0xFFFFD800  }
0x34: {  	[spmem:s2] =	stream.indirect.scatter.add.f32 [tilespmem:s13], [sflag:$0x4], $0x80, s25, s17, $0xb8;
	[tilespmem:$0x1FEA0] =	vst v63  }
0x35: {  	p0 =	slt.u32 s28, $0x2  }
0x36: {  	s29 =	simm.s32 @!p0 $0x5  }
0x37: {  	_ =	swait.ge @!p0 [sflag:s29], $0x2800  }
0x38: {  	[sflag:s29] =	ssyncset.done @!p0 $0x0  }
0x39: {  	[sflag:s29] =	ssyncadd.s32 @!p0 $0xFFFFD800  }
0x3a: {  	[tilespmem:s23], [sflag:$0x2] =	stream.indirect.gather [hbm4b:s4+s17], $0x80, s26, s17, $0xb8;
	[tilespmem:$0x1FEA0] =	vst v63  }
.LBB2_10:
0x3b: {  	s28 =	sadd.s32 $0x1, s28  }
0x3c: {  	p0 =	sne.s32 s28, $0x7D  }
.Ltmp4:
0x3d: {  	_ = 	snop;
	(pc) =	sbr.rel @!p0 .LBB2_11-.Ltmp4, $2  }
0x3e: {  	_ =	sdelay $0x2  }
0x3f: {  	s26 =	sadd.s32 $0x50, s26;
	s25 =	sadd.s32 $0x50, s25  }
.LBB2_2:
0x40: {  	s29 =	smul.u32 $0xAB, s28;
	_ =	sdelay $0x1  }
0x41: {  	s29 =	sshrl.u32 s29, $0x9  }
0x42: {  	s29 =	sand.u32 $0x7F, s29  }
0x43: {  	s29 =	smul.u32 $0x3, s29;
	_ =	sdelay $0x1  }
0x44: {  	s29 =	ssub.s32 s28, s29  }
0x45: {  	s29 =	sand.u32 $0xFF, s29  }
0x46: {  	p0 =	seq.s32 s29, $0x2  }
.Ltmp5:
0x47: {  	_ = 	snop;
	(pc) =	sbr.rel @p0 .LBB2_8-.Ltmp5, $1  }
0x48: {  	_ =	sdelay $0x3  }
0x49: {  	p0 =	seq.s32 s29, $0x1  }
.Ltmp6:
0x4a: {  	_ = 	snop;
	(pc) =	sbr.rel @!p0 .LBB2_4-.Ltmp6, $1  }
0x4b: {  	_ =	sdelay $0x3  }
0x4c: {  	p0 =	seq.s32 s28, $0x7C  }
.Ltmp7:
0x4d: {  	_ = 	snop;
	(pc) =	sbr.rel @p0 .LBB2_11-.Ltmp7, $4  }
0x4e: {  	_ =	swait.ge [sflag:s14], $0x2800  }
0x4f: {  	[sflag:s14] =	ssyncset.done $0x0  }
0x50: {  	[sflag:s14] =	ssyncadd.s32 $0xFFFFD800  }
0x51: {  	[spmem:s2] =	stream.indirect.scatter.add.f32 [tilespmem:s23], [sflag:$0x5], $0x80, s25, s17, $0xb8;
	[tilespmem:$0x1FEA0] =	vst v63  }
0x52: {  	p0 =	slt.u32 s28, $0x2  }
.Ltmp8:
0x53: {  	s29 =	simm.s32 @!p0 $0x6;
	(pc) =	sbr.rel .LBB2_10-.Ltmp8, $4  }
0x54: {  	_ =	swait.ge @!p0 [sflag:s29], $0x2800  }
0x55: {  	[sflag:s29] =	ssyncset.done @!p0 $0x0  }
0x56: {  	[sflag:s29] =	ssyncadd.s32 @!p0 $0xFFFFD800  }
0x57: {  	[tilespmem:s18], [sflag:$0x3] =	stream.indirect.gather [hbm4b:s4+s17], $0x80, s26, s17, $0xb8;
	[tilespmem:$0x1FEA0] =	vst v63  }
.LBB2_8:
0x58: {  	p0 =	seq.s32 s28, $0x7C  }
.Ltmp9:
0x59: {  	_ = 	snop;
	(pc) =	sbr.rel @p0 .LBB2_11-.Ltmp9, $4  }
0x5a: {  	_ =	swait.ge [sflag:s16], $0x2800  }
0x5b: {  	[sflag:s16] =	ssyncset.done $0x0  }
0x5c: {  	[sflag:s16] =	ssyncadd.s32 $0xFFFFD800  }
0x5d: {  	[spmem:s2] =	stream.indirect.scatter.add.f32 [tilespmem:s18], [sflag:$0x6], $0x80, s25, s17, $0xb8;
	[tilespmem:$0x1FEA0] =	vst v63  }
.Ltmp10:
0x5e: {  	(pc) =	sbr.rel .LBB2_10-.Ltmp10, $4  }
0x5f: {  	_ =	swait.ge [sflag:s15], $0x2800  }
0x60: {  	[sflag:s15] =	ssyncset.done $0x0  }
0x61: {  	[sflag:s15] =	ssyncadd.s32 $0xFFFFD800  }
0x62: {  	[tilespmem:s13], [sflag:$0x1] =	stream.indirect.gather [hbm4b:s4+s17], $0x80, s26, s17, $0xb8;
	[tilespmem:$0x1FEA0] =	vst v63  }
.LBB2_12:
0x63: {  	_ =	sfence.sel $0x180000  }
0x64: {  	[bflag:$0x0] =	sbarrier.arrive $0xFFFF  }
0x65: {  	p0 =	sne.s32 s1, $0x0;
	_ =	strace $0x9000004D  }
0x66: {  	s0 =	sadd.s32 @!p0 $0x100000, s0;
	[bflag:$0x2] =	sbarrier.arrive $0xFFFF  }
0x67: {  	[sflag:s0] =	ssyncadd.tile.s32 @!p0 $0x1;
	_ =	shalt  }
.Lfunc_end2:
_tile_overlayer_lowered:
.L_overlay_start_2:
0x68: {  	(tag) =	ssettag $0x2  }
0x69: {  	s0 =	rddreg [dreg:$0x0];
	s2 =	stileid.u32  }
0x6a: {  	s1 =	rddreg [dreg:$0x1];
	p0 =	sne.s32 s2, $0x0  }
0x6b: {  	s3 =	rddreg [dreg:$0x2];
	[bflag:$0x3] =	sbarrier.arrive $0xFFFF;
	s2 =	simm.s32 @!p0 $0x1C07  }
0x6c: {  	[timem:s3], [sflag:s2] =	dma.local @!p0 [hbm:s0], s1  }
0x6d: {  	s0 =	simm.s32 @!p0 $0x7  }
0x6e: {  	_ =	swait.ge @!p0 [sflag:s0], s1  }
0x6f: {  	s1 =	ssub.s32 @!p0 $0x0, s1;
	[sflag:s0] =	ssyncset.done @!p0 $0x0  }
0x70: {  	[sflag:s0] =	ssyncadd.s32 @!p0 s1  }
0x71: {  	[bflag:$0x3] =	sbarrier.arrive $0xFFFF  }
0x72: {  	_ =	shalt  }

// kernel: kernel.19.cloned.1.call-start
scs
__scs_entry_jumppad:
0x0: {  	(pc) =	sbr.rel $0x88, $3  }
0x1: {  	(tag) =	ssettag $0x0;
	lr =	simm.s32 $0x1  }
0x2: {  	[smem:$0x3F90] =	sst lr;
	_ =	strace $0xD0000000  }
0x3: {  	_ = 	snop  }
0x4: {  	_ = 	snop  }
0x5: {  	_ = 	snop  }
0x6: {  	_ = 	snop  }
0x7: {  	_ = 	snop  }
__scs_overlays_trampoline_lowered:
0x8: {  	[smem:$0x3F9F] =	sst s0  }
0x9: {  	[smem:$0x3FA0] =	sst s1  }
0xa: {  	[smem:$0x3FA1] =	sst s2  }
0xb: {  	[smem:$0x3FA2] =	sst s3  }
0xc: {  	[smem:$0x3FA3] =	sst s4  }
0xd: {  	[smem:$0x3FA4] =	sst s5  }
0xe: {  	[smem:$0x3FA5] =	sst s6  }
0xf: {  	[smem:$0x3FA6] =	sst s7  }
0x10: {  	[smem:$0x3FA7] =	sst s8  }
0x11: {  	[smem:$0x3FA8] =	sst s9;
	s0 =	simm.s32 @!p0 $0x0  }
0x12: {  	s1 =	sld [smem:$0x3F8E];
	s0 =	simm.s32 @p0 $0x1  }
0x13: {  	[smem:$0x3FA9] =	sst s0;
	s0 =	simm.s32 @!p1 $0x0  }
0x14: {  	s2 =	sld [smem:$0x3F8D];
	s0 =	simm.s32 @p1 $0x1  }
0x15: {  	[smem:$0x3FAA] =	sst s0;
	s0 =	simm.s32 @!p2 $0x0  }
0x16: {  	s3 =	sld [smem:$0x3FDB];
	s0 =	simm.s32 @p2 $0x1  }
0x17: {  	s4 =	simm.s32 $0x1BF5;
	[smem:$0x3FAC] =	sst s0  }
0x18: {  	s0 =	sld [smem:$0x3F8F];
	_ =	swait.ge [sflag:s4], $0x0  }
0x19: {  	s7 =	sld [smem:$0x3F90]  }
0x1a: {  	s8 =	sadd.s32 $0xFFFFE003, lr  }
0x1b: {  	s9 =	sadd.s32 $0xFFFFFEF7, lr;
	s5 =	simm.s32 $0xFFFFFFFF;
	p2 =	slt.u32 s8, $0xFFFFF086  }
0x1c: {  	p1 =	slt.u32 s9, $0xF7A;
	s5 =	simm.s32 @!p2 $0x0  }
0x1d: {  	s5 =	simm.s32 @p1 $0x1;
	p0 =	seq.s32 s7, s2  }
0x1e: {  	s7 =	smul.u32 @!p0 $0xF7A, s2;
	p2 =	seq.s32 @!p0 s5, $0x0  }
0x1f: {  	s9 =	smul.u32 $0xF7A, s1;
	s8 =	simm.s32 @!p0 $0x1BF5;
	p2 =	por !p2, p0  }
0x20: {  	[sflag:s8] =	ssyncset.s32 @!p0 $0xFFFFF086;
	s6 =	sadd.s32 @!p0 s3, s7;
	s7 =	simm.s32 @!p0 $0x108  }
0x21: {  	s3 =	sadd.s32 s3, s9;
	s6 =	sadd.s32 @!p0 $0x88, s6;
	s7 =	simm.s32 @p2 $0x1082  }
0x22: {  	[simem:s7], [sflag:s8] =	dma.local @!p0 [hbm:s6], $0xF7A  }
0x23: {  	s9 =	sor.u32 $0xD0000000, s2;
	s6 =	simm.s32 $0x108;
	_ =	swait.ge @!p0 [sflag:s8], $0x0  }
0x24: {  	s3 =	sadd.s32 $0x88, s3;
	s6 =	simm.s32 @!p1 $0x1082;
	[sflag:s4] =	ssyncset.s32 $0xFFFFF086  }
0x25: {  	[simem:s6], [sflag:s4] =	dma.local [hbm:s3], $0xF7A  }
0x26: {  	[smem:$0x3F90] =	sst s1;
	(tag) =	ssettag s2;
	_ =	strace s9  }
0x27: {  	s1 =	sld [smem:$0x3FA0]  }
0x28: {  	s2 =	sld [smem:$0x3FA1]  }
0x29: {  	s4 =	sld [smem:$0x3FA3]  }
0x2a: {  	p0 =	seq.s32 s5, $0x0;
	s5 =	sld [smem:$0x3FA4]  }
0x2b: {  	s6 =	sld [smem:$0x3FA5]  }
0x2c: {  	s7 =	sld [smem:$0x3FA6]  }
0x2d: {  	s3 =	simm.s32 $0x108;
	s8 =	sld [smem:$0x3FA7]  }
0x2e: {  	s3 =	simm.s32 @!p0 $0x1082;
	s9 =	sld [smem:$0x3FA8]  }
0x2f: {  	lr =	sadd.s32 s0, s3;
	s0 =	sld [smem:$0x3F9F]  }
0x30: {  	s3 =	sld [smem:$0x3FA2]  }
0x31: {  	[smem:$0x3FAB] =	sst s10  }
0x32: {  	s10 =	sld [smem:$0x3FA9];
	_ =	sdelay $0x3  }
0x33: {  	p0 =	seq.s32 s10, $0x1;
	s10 =	sld [smem:$0x3FAB];
	_ =	sdelay $0x3  }
0x34: {  	[smem:$0x3FAB] =	sst s10  }
0x35: {  	s10 =	sld [smem:$0x3FAA];
	_ =	sdelay $0x3  }
0x36: {  	p1 =	seq.s32 s10, $0x1;
	s10 =	sld [smem:$0x3FAB];
	_ =	sdelay $0x3  }
0x37: {  	[smem:$0x3FAB] =	sst s10  }
0x38: {  	s10 =	sld [smem:$0x3FAC]  }
0x39: {  	_ = 	snop;
	(pc) =	sbr.ind lr, $3  }
0x3a: {  	_ = 	snop  }
0x3b: {  	_ = 	snop  }
0x3c: {  	p2 =	seq.s32 s10, $0x1;
	s10 =	sld [smem:$0x3FAB]  }
0x3d: {  	_ =	shalt  }
0x3e: {  	_ =	shalt  }
0x3f: {  	_ =	shalt  }
0x40: {  	_ =	shalt  }
0x41: {  	_ =	shalt  }
0x42: {  	_ =	shalt  }
0x43: {  	_ =	shalt  }
0x44: {  	_ =	shalt  }
0x45: {  	_ =	shalt  }
0x46: {  	_ =	shalt  }
0x47: {  	_ =	shalt  }
0x48: {  	_ =	shalt  }
0x49: {  	_ =	shalt  }
0x4a: {  	_ =	shalt  }
0x4b: {  	_ =	shalt  }
0x4c: {  	_ =	shalt  }
0x4d: {  	_ =	shalt  }
0x4e: {  	_ =	shalt  }
0x4f: {  	_ =	shalt  }
0x50: {  	_ =	shalt  }
0x51: {  	_ =	shalt  }
0x52: {  	_ =	shalt  }
0x53: {  	_ =	shalt  }
0x54: {  	_ =	shalt  }
0x55: {  	_ =	shalt  }
0x56: {  	_ =	shalt  }
0x57: {  	_ =	shalt  }
0x58: {  	_ =	shalt  }
0x59: {  	_ =	shalt  }
0x5a: {  	_ =	shalt  }
0x5b: {  	_ =	shalt  }
0x5c: {  	_ =	shalt  }
0x5d: {  	_ =	shalt  }
0x5e: {  	_ =	shalt  }
0x5f: {  	_ =	shalt  }
0x60: {  	_ =	shalt  }
0x61: {  	_ =	shalt  }
0x62: {  	_ =	shalt  }
0x63: {  	_ =	shalt  }
0x64: {  	_ =	shalt  }
0x65: {  	_ =	shalt  }
0x66: {  	_ =	shalt  }
0x67: {  	_ =	shalt  }
0x68: {  	_ =	shalt  }
0x69: {  	_ =	shalt  }
0x6a: {  	_ =	shalt  }
0x6b: {  	_ =	shalt  }
0x6c: {  	_ =	shalt  }
0x6d: {  	_ =	shalt  }
0x6e: {  	_ =	shalt  }
0x6f: {  	_ =	shalt  }
0x70: {  	_ =	shalt  }
0x71: {  	_ =	shalt  }
0x72: {  	_ =	shalt  }
0x73: {  	_ =	shalt  }
0x74: {  	_ =	shalt  }
0x75: {  	_ =	shalt  }
0x76: {  	_ =	shalt  }
0x77: {  	_ =	shalt  }
0x78: {  	_ =	shalt  }
0x79: {  	_ =	shalt  }
0x7a: {  	_ =	shalt  }
0x7b: {  	_ =	shalt  }
0x7c: {  	_ =	shalt  }
0x7d: {  	_ =	shalt  }
0x7e: {  	_ =	shalt  }
0x7f: {  	_ =	shalt  }
0x80: {  	_ =	shalt  }
0x81: {  	_ =	shalt  }
0x82: {  	_ =	shalt  }
0x83: {  	_ =	shalt  }
0x84: {  	_ =	shalt  }
0x85: {  	_ =	shalt  }
0x86: {  	_ =	shalt  }
0x87: {  	_ =	shalt  }
.Lfunc_end0:
.L_simem_size_0:
called_computation.3_lowered:
.L_overlay_start_0:
0x88: {  	s2 =	sld [smem:$0x3FD9]  }
0x89: {  	s3 =	sld [smem:$0x3FFE];
	_ =	sdelay $0x1  }
0x8a: {  	s1 =	srdreg.scid  }
0x8b: {  	s0 =	sand.u32 $0x1, s1  }
0x8c: {  	s16 =	sshll.u32 s0, $0xA;
	s2 =	sadd.s32 s3, s2  }
0x8d: {  	s2 =	sadd.s32 s2, s16  }
0x8e: {  	[smem:$0x3FB7] =	sst s2  }
0x8f: {  	_ = 	snop  }
0x90: {  	(tm) =	ssettm $0x1  }
0x91: {  	s17 =	sld [smem:$0x3FFB];
	_ =	sdelay $0x3  }
0x92: {  	_ =	strace s17  }
0x93: {  	s2 =	sld [smem:$0x3FFC];
	_ =	sdelay $0x3  }
0x94: {  	_ =	strace s2  }
0x95: {  	s2 =	sld [smem:$0x3FFD];
	_ =	sdelay $0x3  }
0x96: {  	_ =	strace s2  }
0x97: {  	_ =	strace $0x8FFFFFFF  }
0x98: {  	s18 =	sld [smem:$0x3FDB];
	_ =	sdelay $0x1  }
0x99: {  	s19 =	simm.s32 $_scs_section_size  }
0x9a: {  	s4 =	simm.s32 $_size__tile_overlayer_lowered;
	s5 =	simm.s32 $_tile_overlayer_lowered  }
0x9b: {  	s22 =	simm.s32 $0x1BFF;
	s21 =	sshll.u32 s5, $0x1;
	s2 =	sadd.s32 s19, s18  }
0x9c: {  	s6 =	simm.s32 $0x0;
	s20 =	sshll.u32 s4, $0x1;
	s4 =	sadd.s32 s21, s2  }
0x9d: {  	[timem:s6], [sflag:s22] =	dma.local [hbm:s4], s20  }
0x9e: {  	_ =	swait.ge [sflag:s22], s20  }
0x9f: {  	s3 =	ssub.s32 $0x0, s20;
	[sflag:s22] =	ssyncset.done $0x0  }
0xa0: {  	[sflag:s22] =	ssyncadd.s32 s3;
	_ =	sdelay $0x1  }
0xa1: {  	s23 =	simm.s32 $0x1B8B  }
0xa2: {  	_ =	swait.ge [sflag:s23], $0x1  }
0xa3: {  	[sflag:s23] =	ssyncset.done $0x0  }
0xa4: {  	s25 =	simm.s32 $0x1B8E;
	s24 =	sld [smem:$0x3FFE];
	[sflag:s23] =	ssyncadd.s32 $0xFFFFFFFF  }
0xa5: {  	s26 =	simm.s32 $execute0_lowered;
	[smem:$0x3FD2] =	sst s25  }
0xa6: {  	s4 =	sshll.u32 s26, $0x1;
	_ =	strace $0x8000004F;
	[dreg:$0x1] =	wrdreg $0xFFFFFFFF  }
0xa7: {  	s28 =	simm.s32 $_size_execute0_lowered;
	s2 =	sadd.s32 s2, s4;
	[dreg:$0x0] =	wrdreg $0x0  }
0xa8: {  	s4 =	sshll.u32 s28, $0x1;
	[dreg:$0x2] =	wrdreg s2  }
0xa9: {  	[dreg:$0x3] =	wrdreg s4  }
0xaa: {  	[dreg:$0x4] =	wrdreg $0xC0  }
0xab: {  	_ =	task [dreg:s6], $0x5FFFF  }
0xac: {  	[dreg:$0x1] =	wrdreg $0xFFFFFFFF  }
0xad: {  	[dreg:$0x0] =	wrdreg $0x60  }
0xae: {  	[dreg:$0x2] =	wrdreg s24  }
0xaf: {  	[dreg:$0x3] =	wrdreg $0xC6200  }
0xb0: {  	[dreg:$0x4] =	wrdreg $0x9  }
0xb1: {  	_ =	task.clear_ibuf [dreg:s6], $0x5FFFF;
	_ =	strace $0x9000004F  }
0xb2: {  	s29 =	simm.s32 $0x9;
	_ =	strace $0x80000051  }
0xb3: {  	_ =	swait.ge [sflag:s29], $0x1  }
0xb4: {  	[sflag:s29] =	ssyncadd.s32 $0xFFFFFFFF  }
0xb5: {  	_ =	strace $0x90000051  }
0xb6: {  	_ =	sfence  }
0xb7: {  	s30 =	sld [smem:$0x0];
	_ =	sdelay $0x2  }
0xb8: {  	s31 =	sshll.u32 s1, $0xD;
	s1 =	sshrl.u32 s1, $0x2  }
0xb9: {  	s3 =	sand.u32 $0x4000, s31;
	s1 =	sadd.s32 s1, s30  }
0xba: {  	s0 =	sor.u32 s3, s0;
	s1 =	sshll.u32 s1, $0x11  }
0xbb: {  	s0 =	sor.u32 s1, s0  }
0xbc: {  	s0 =	sadd.s32 $0x8F2B, s0  }
0xbd: {  	[sflag:s0] =	ssyncadd.remote.s32 $0x1  }
0xbe: {  	_ =	sfence.sel $0xFFFF  }
0xbf: {  	[dreg:$0x0] =	wrdreg $0xFFFFFFFF;
	(pc) =	sbr.abs _section_cstart, $3  }
0xc0: {  	[dreg:$0x1] =	wrdreg $0xFFFFFFFF  }
0xc1: {  	_ =	task.clear_ibuf [dreg:s6], $0x2FFFF;
	_ =	strace $0x9FFFFFFF  }
0xc2: {  	(tm) =	ssettm $0x7FFFFFFF  }
0xc3: {  	_ =	shalt  }
tec
execute0_lowered:
.L_overlay_start_1:
0x0: {  	(tag) =	ssettag $0x1  }
0x1: {  	s6 =	rddreg [dreg:$0x0]  }
0x2: {  	s2 =	rddreg [dreg:$0x1];
	s3 =	srdreg.scid  }
0x3: {  	s0 =	rddreg [dreg:$0x2];
	s1 =	stileid.u32;
	s13 =	simm.s32 $0x4E20  }
0x4: {  	s14 =	simm.s32 $0x2;
	s15 =	simm.s32 $0x4;
	s16 =	simm.s32 $0x3  }
0x5: {  	s17 =	simm.s32 $0x50;
	s18 =	simm.s32 $0x9E20;
	s19 =	simm.s32 $0x5  }
0x6: {  	s20 =	simm.s32 $0x6;
	s22 =	simm.s32 $0x7;
	s23 =	simm.s32 $0x7620  }
0x7: {  	s24 =	simm.s32 $0x0;
	s5 =	sand.u32 $0x1, s3;
	s3 =	simm.s32 $0x0  }
0x8: {  	s8 =	smul.u32 $0x13800, s1;
	s21 =	sshll.u32 s1, $0x6;
	s4 =	sshll.u32 s5, $0x4  }
0x9: {  	[smem:$0x7FF] =	sst s3;
	s7 =	smul.u32 $0x138800, s5;
	s10 =	ssub.s32 $0x2, s5  }
0xa: {  	s5 =	sadd.s32 $0x3F000, s6;
	s4 =	sor.u32 s1, s4;
	_ =	strace $0x80000050  }
0xb: {  	s11 =	sshrl.u32 s10, $0x1;
	s31 =	sadd.s32 s8, s2;
	s9 =	smul.u32 $0x4E2, s4  }
.Ltmp0:
0xc: {  	s4 =	sadd.s32 $0x17E00, s6;
	s7 =	sadd.s32 s8, s7;
	(pc) =	sbr.rel .LBB2_1-.Ltmp0, $4  }
0xd: {  	s10 =	ssub.s32 s10, s11;
	s8 =	sor.u32 $0x1C04, s21;
	s11 =	sshrl.u32 s31, $0x3  }
0xe: {  	s21 =	sor.u32 $0x1C07, s21;
	s7 =	sshrl.u32 s7, $0x3;
	s9 =	sadd.s32 s9, s6  }
0xf: {  	s10 =	smax.u32 s10, $0x1;
	s12 =	sadd.s32 s7, s6;
	s6 =	sadd.s32 $0x4200, s9  }
0x10: {  	s7 =	sadd.s32 $0xE000, s9;
	s9 =	sadd.s32 $0x41800, s12;
	s12 =	simm.s32 $0x1  }
.LBB2_11:
0x11: {  	_ =	swait.ge [sflag:s15], $0x2800  }
0x12: {  	[sflag:s15] =	ssyncset.done $0x0  }
0x13: {  	[sflag:s15] =	ssyncadd.s32 $0xFFFFD800  }
0x14: {  	_ =	swait.ge [sflag:s19], $0x2800  }
0x15: {  	[sflag:s19] =	ssyncset.done $0x0  }
0x16: {  	[sflag:s19] =	ssyncadd.s32 $0xFFFFD800  }
0x17: {  	_ =	swait.ge [sflag:s20], $0x2800  }
0x18: {  	s24 =	sadd.s32 $0x1, s24;
	[sflag:s20] =	ssyncset.done $0x0  }
0x19: {  	p0 =	sne.s32 s24, s10;
	[sflag:s20] =	ssyncadd.s32 $0xFFFFD800  }
.Ltmp1:
0x1a: {  	[bflag:$0x0] =	sbarrier.arrive $0xFFFF;
	(pc) =	sbr.rel @!p0 .LBB2_12-.Ltmp1, $4  }
0x1b: {  	[hbm:s9], [sflag:s21] =	dma.local [spmem:s11], $0x2800  }
0x1c: {  	_ =	swait.ge [sflag:s22], $0x2800  }
0x1d: {  	[sflag:s22] =	ssyncset.done $0x0  }
0x1e: {  	[sflag:s22] =	ssyncadd.s32 $0xFFFFD800  }
.LBB2_1:
0x1f: {  	[tilespmem:s3], [sflag:$0x1] =	stream.linear.gather [hbm4b:s6+s3], $0x2710, $0x38;
	[tilespmem:$0x1FEA0] =	vst v63  }
0x20: {  	s25 =	simm.s32 $0x2710  }
0x21: {  	[tilespmem:s25], [sflag:$0x2] =	stream.linear.gather [hbm4b:s7+s3], $0x2710, $0x38;
	[tilespmem:$0x1FEA0] =	vst v63  }
0x22: {  	[spmem:s11], [sflag:s8] =	dma.local [hbm:s5], $0x2800  }
0x23: {  	_ =	swait.ge [sflag:s12], $0x2710  }
0x24: {  	[sflag:s12] =	ssyncset.done $0x0  }
0x25: {  	[sflag:s12] =	ssyncadd.s32 $0xFFFFD8F0  }
0x26: {  	[tilespmem:s13], [sflag:$0x1] =	stream.indirect.gather [hbm4b:s4+s17], $0x80, s3, s17, $0xb8;
	[tilespmem:$0x1FEA0] =	vst v63  }
0x27: {  	_ =	swait.ge [sflag:s14], $0x2710  }
0x28: {  	[sflag:s14] =	ssyncset.done $0x0  }
0x29: {  	[sflag:s14] =	ssyncadd.s32 $0xFFFFD8F0  }
.Ltmp2:
0x2a: {  	_ =	swait.ge [sflag:s15], $0x2800;
	(pc) =	sbr.rel .LBB2_2-.Ltmp2, $4  }
0x2b: {  	[sflag:s15] =	ssyncset.done $0x0  }
0x2c: {  	[sflag:s15] =	ssyncadd.s32 $0xFFFFD800  }
0x2d: {  	[bflag:$0x0] =	sbarrier.arrive $0xFFFF  }
0x2e: {  	s26 =	simm.s32 $0x50;
	s28 =	simm.s32 $0x0  }
.LBB2_4:
0x2f: {  	p0 =	seq.s32 s28, $0x7C  }
.Ltmp3:
0x30: {  	_ = 	snop;
	(pc) =	sbr.rel @p0 .LBB2_11-.Ltmp3, $4  }
0x31: {  	_ =	swait.ge [sflag:s12], $0x2800  }
0x32: {  	[sflag:s12] =	ssyncset.done $0x0  }
0x33: {  	[sflag:s12] =	ssyncadd.s32 $0xFFFFD800  }
0x34: {  	[spmem:s2] =	stream.indirect.scatter.add.f32 [tilespmem:s13], [sflag:$0x4], $0x80, s25, s17, $0xb8;
	[tilespmem:$0x1FEA0] =	vst v63  }
0x35: {  	p0 =	slt.u32 s28, $0x2  }
0x36: {  	s29 =	simm.s32 @!p0 $0x5  }
0x37: {  	_ =	swait.ge @!p0 [sflag:s29], $0x2800  }
0x38: {  	[sflag:s29] =	ssyncset.done @!p0 $0x0  }
0x39: {  	[sflag:s29] =	ssyncadd.s32 @!p0 $0xFFFFD800  }
0x3a: {  	[tilespmem:s23], [sflag:$0x2] =	stream.indirect.gather [hbm4b:s4+s17], $0x80, s26, s17, $0xb8;
	[tilespmem:$0x1FEA0] =	vst v63  }
.LBB2_10:
0x3b: {  	s28 =	sadd.s32 $0x1, s28  }
0x3c: {  	p0 =	sne.s32 s28, $0x7D  }
.Ltmp4:
0x3d: {  	_ = 	snop;
	(pc) =	sbr.rel @!p0 .LBB2_11-.Ltmp4, $2  }
0x3e: {  	_ =	sdelay $0x2  }
0x3f: {  	s26 =	sadd.s32 $0x50, s26;
	s25 =	sadd.s32 $0x50, s25  }
.LBB2_2:
0x40: {  	s29 =	smul.u32 $0xAB, s28;
	_ =	sdelay $0x1  }
0x41: {  	s29 =	sshrl.u32 s29, $0x9  }
0x42: {  	s29 =	sand.u32 $0x7F, s29  }
0x43: {  	s29 =	smul.u32 $0x3, s29;
	_ =	sdelay $0x1  }
0x44: {  	s29 =	ssub.s32 s28, s29  }
0x45: {  	s29 =	sand.u32 $0xFF, s29  }
0x46: {  	p0 =	seq.s32 s29, $0x2  }
.Ltmp5:
0x47: {  	_ = 	snop;
	(pc) =	sbr.rel @p0 .LBB2_8-.Ltmp5, $1  }
0x48: {  	_ =	sdelay $0x3  }
0x49: {  	p0 =	seq.s32 s29, $0x1  }
.Ltmp6:
0x4a: {  	_ = 	snop;
	(pc) =	sbr.rel @!p0 .LBB2_4-.Ltmp6, $1  }
0x4b: {  	_ =	sdelay $0x3  }
0x4c: {  	p0 =	seq.s32 s28, $0x7C  }
.Ltmp7:
0x4d: {  	_ = 	snop;
	(pc) =	sbr.rel @p0 .LBB2_11-.Ltmp7, $4  }
0x4e: {  	_ =	swait.ge [sflag:s14], $0x2800  }
0x4f: {  	[sflag:s14] =	ssyncset.done $0x0  }
0x50: {  	[sflag:s14] =	ssyncadd.s32 $0xFFFFD800  }
0x51: {  	[spmem:s2] =	stream.indirect.scatter.add.f32 [tilespmem:s23], [sflag:$0x5], $0x80, s25, s17, $0xb8;
	[tilespmem:$0x1FEA0] =	vst v63  }
0x52: {  	p0 =	slt.u32 s28, $0x2  }
.Ltmp8:
0x53: {  	s29 =	simm.s32 @!p0 $0x6;
	(pc) =	sbr.rel .LBB2_10-.Ltmp8, $4  }
0x54: {  	_ =	swait.ge @!p0 [sflag:s29], $0x2800  }
0x55: {  	[sflag:s29] =	ssyncset.done @!p0 $0x0  }
0x56: {  	[sflag:s29] =	ssyncadd.s32 @!p0 $0xFFFFD800  }
0x57: {  	[tilespmem:s18], [sflag:$0x3] =	stream.indirect.gather [hbm4b:s4+s17], $0x80, s26, s17, $0xb8;
	[tilespmem:$0x1FEA0] =	vst v63  }
.LBB2_8:
0x58: {  	p0 =	seq.s32 s28, $0x7C  }
.Ltmp9:
0x59: {  	_ = 	snop;
	(pc) =	sbr.rel @p0 .LBB2_11-.Ltmp9, $4  }
0x5a: {  	_ =	swait.ge [sflag:s16], $0x2800  }
0x5b: {  	[sflag:s16] =	ssyncset.done $0x0  }
0x5c: {  	[sflag:s16] =	ssyncadd.s32 $0xFFFFD800  }
0x5d: {  	[spmem:s2] =	stream.indirect.scatter.add.f32 [tilespmem:s18], [sflag:$0x6], $0x80, s25, s17, $0xb8;
	[tilespmem:$0x1FEA0] =	vst v63  }
.Ltmp10:
0x5e: {  	(pc) =	sbr.rel .LBB2_10-.Ltmp10, $4  }
0x5f: {  	_ =	swait.ge [sflag:s15], $0x2800  }
0x60: {  	[sflag:s15] =	ssyncset.done $0x0  }
0x61: {  	[sflag:s15] =	ssyncadd.s32 $0xFFFFD800  }
0x62: {  	[tilespmem:s13], [sflag:$0x1] =	stream.indirect.gather [hbm4b:s4+s17], $0x80, s26, s17, $0xb8;
	[tilespmem:$0x1FEA0] =	vst v63  }
.LBB2_12:
0x63: {  	_ =	sfence.sel $0x180000  }
0x64: {  	[bflag:$0x0] =	sbarrier.arrive $0xFFFF  }
0x65: {  	p0 =	sne.s32 s1, $0x0;
	_ =	strace $0x90000050  }
0x66: {  	s0 =	sadd.s32 @!p0 $0x100000, s0;
	[bflag:$0x2] =	sbarrier.arrive $0xFFFF  }
0x67: {  	[sflag:s0] =	ssyncadd.tile.s32 @!p0 $0x1;
	_ =	shalt  }
.Lfunc_end2:
_tile_overlayer_lowered:
.L_overlay_start_2:
0x68: {  	(tag) =	ssettag $0x2  }
0x69: {  	s0 =	rddreg [dreg:$0x0];
	s2 =	stileid.u32  }
0x6a: {  	s1 =	rddreg [dreg:$0x1];
	p0 =	sne.s32 s2, $0x0  }
0x6b: {  	s3 =	rddreg [dreg:$0x2];
	[bflag:$0x3] =	sbarrier.arrive $0xFFFF;
	s2 =	simm.s32 @!p0 $0x1C07  }
0x6c: {  	[timem:s3], [sflag:s2] =	dma.local @!p0 [hbm:s0], s1  }
0x6d: {  	s0 =	simm.s32 @!p0 $0x7  }
0x6e: {  	_ =	swait.ge @!p0 [sflag:s0], s1  }
0x6f: {  	s1 =	ssub.s32 @!p0 $0x0, s1;
	[sflag:s0] =	ssyncset.done @!p0 $0x0  }
0x70: {  	[sflag:s0] =	ssyncadd.s32 @!p0 s1  }
0x71: {  	[bflag:$0x3] =	sbarrier.arrive $0xFFFF  }
0x72: {  	_ =	shalt  }

</sc_bundles>
